<compile_context>
chip_gen: v7x
topology: tpu7x:2x2x1
jax: 0.10.2.dev20260603
libtpu: 0.0.44.dev20260713+nightly
codegen_flags: <defaults>
</compile_context>

<pallas_src>
import functools

import jax
import jax.numpy as jnp
from jax import lax
from jax.experimental import pallas as pl
from jax.experimental.pallas import tpu as pltpu
from jax.experimental.pallas import tpu_sc as plsc

N = 10000
E = 160000
D = 256
HALF = 128

NC = 2
NS = 16
NP = 10240
ZR = NP // NS
EPT = E // NS
C = 80
NCH = EPT // C

_mesh = plsc.VectorSubcoreMesh(core_axis_name="c", subcore_axis_name="s",
                               num_cores=NC, num_subcores=NS)


GRP = 25


@functools.partial(
    pl.kernel,
    out_type=jax.ShapeDtypeStruct((NC, NP, HALF), jnp.float32),
    mesh=_mesh,
    scratch_types=[
        pltpu.VMEM((EPT,), jnp.int32),
        pltpu.VMEM((C, HALF), jnp.float32),
        pltpu.VMEM_SHARED((NP, HALF), jnp.float32),
        pltpu.SemaphoreType.DMA,
    ],
)
def _sc_degrees(ei_hbm, out_hbm, idx_a, ones_v, deg_sh, sem):
    c = lax.axis_index("c")
    s = lax.axis_index("s")

    def _fill(i, val):
        for j in range(HALF // 16):
            ones_v[i, pl.ds(j * 16, 16)] = val
        return val

    lax.fori_loop(0, C, _fill, jnp.zeros((16,), jnp.float32))
    for k in range(ZR // C):
        pltpu.sync_copy(ones_v, deg_sh.at[pl.ds(s * ZR + k * C, C)])
    lax.fori_loop(0, C, _fill, jnp.ones((16,), jnp.float32))
    pltpu.sync_copy(ei_hbm.at[pl.ds(c * E + s * EPT, EPT)], idx_a)
    plsc.subcore_barrier()

    def _grp(g, carry):
        for j in range(GRP):
            i = g * GRP + j
            pltpu.async_copy(ones_v, deg_sh.at[idx_a.at[pl.ds(i * C, C)]],
                             sem, add=True)
        for j in range(GRP):
            i = g * GRP + j
            pltpu.make_async_copy(
                ones_v, deg_sh.at[idx_a.at[pl.ds(i * C, C)]], sem).wait()
        return carry

    lax.fori_loop(0, NCH // GRP, _grp, 0)
    plsc.subcore_barrier()
    pltpu.sync_copy(deg_sh.at[pl.ds(s * ZR, ZR)],
                    out_hbm.at[c, pl.ds(s * ZR, ZR)])


CP = 40
NCHP = EPT // CP
NB = 5
NFULL = (NCHP // NB) * NB


@functools.partial(
    pl.kernel,
    out_type=jax.ShapeDtypeStruct((NC, NP, HALF), jnp.float32),
    mesh=_mesh,
    scratch_types=[
        pltpu.VMEM((EPT,), jnp.int32),
        pltpu.VMEM((EPT,), jnp.int32),
        [pltpu.VMEM((CP, HALF), jnp.float32) for _ in range(NB)],
        pltpu.VMEM_SHARED((NP, HALF), jnp.float32),
        [pltpu.SemaphoreType.DMA for _ in range(NB)],
        [pltpu.SemaphoreType.DMA for _ in range(NB)],
    ],
)
def _sc_push(xs_hbm, src_hbm, dst_hbm, out_hbm, src_i, dst_i, rows, agg_sh,
             semg, sems):
    c = lax.axis_index("c")
    s = lax.axis_index("s")

    zvec = jnp.zeros((16,), jnp.float32)

    def _fz(i, carry):
        for j in range(HALF // 16):
            rows[0][i, pl.ds(j * 16, 16)] = zvec
        return carry

    lax.fori_loop(0, CP, _fz, 0)
    for k in range(ZR // CP):
        pltpu.sync_copy(rows[0], agg_sh.at[pl.ds(s * ZR + k * CP, CP)])

    pltpu.sync_copy(src_hbm.at[pl.ds(s * EPT, EPT)], src_i)
    pltpu.sync_copy(dst_hbm.at[pl.ds(s * EPT, EPT)], dst_i)

    off_vec = jnp.zeros((16,), jnp.int32) + c * N

    def _off(i, carry):
        src_i[pl.ds(i * 16, 16)] = src_i[pl.ds(i * 16, 16)] + off_vec
        return carry

    lax.fori_loop(0, EPT // 16, _off, 0)
    plsc.subcore_barrier()

    def _sidx(i):
        return src_i.at[pl.ds(i * CP, CP)]

    def _didx(i):
        return dst_i.at[pl.ds(i * CP, CP)]

    def _body(k, carry):
        base = k * NB
        for j in range(NB):
            i = base + j

            @pl.when(k > 0)
            def _():
                pltpu.make_async_copy(rows[j], agg_sh.at[_didx(i - NB)],
                                      sems[j]).wait()

            pltpu.async_copy(xs_hbm.at[_sidx(i)], rows[j], semg[j])
        for j in range(NB):
            i = base + j
            pltpu.make_async_copy(xs_hbm.at[_sidx(i)], rows[j],
                                  semg[j]).wait()
            pltpu.async_copy(rows[j], agg_sh.at[_didx(i)], sems[j], add=True)
        return carry

    lax.fori_loop(0, NFULL // NB, _body, 0)
    for j in range(NB):
        pltpu.make_async_copy(rows[j], agg_sh.at[_didx(NFULL - NB + j)],
                              sems[j]).wait()
    for i in range(NFULL, NCHP):
        pltpu.async_copy(xs_hbm.at[_sidx(i)], rows[0], semg[0])
        pltpu.make_async_copy(xs_hbm.at[_sidx(i)], rows[0], semg[0]).wait()
        pltpu.sync_copy(rows[0], agg_sh.at[_didx(i)], add=True)
    plsc.subcore_barrier()
    pltpu.sync_copy(agg_sh.at[pl.ds(s * ZR, ZR)],
                    out_hbm.at[c, pl.ds(s * ZR, ZR)])


def _tc_prescale(x, degp):
    B = 2000

    def body(x_ref, d_ref, o_ref):
        od = d_ref[0, :, 0:1]
        rs = lax.rsqrt(jnp.maximum(od, 1.0))
        xs = x_ref[...] * rs
        o_ref[0] = xs[:, :HALF]
        o_ref[1] = xs[:, HALF:]

    return pl.pallas_call(
        body,
        grid=(N // B,),
        in_specs=[
            pl.BlockSpec((B, D), lambda i: (i, 0)),
            pl.BlockSpec((1, B, HALF), lambda i: (0, i, 0)),
        ],
        out_specs=pl.BlockSpec((2, B, HALF), lambda i: (0, i, 0)),
        out_shape=jax.ShapeDtypeStruct((2, N, HALF), jnp.float32),
    )(x, degp)


def _tc_output(raw2, degp, W):
    B = 2000

    def body(r_ref, d_ref, w_ref, o_ref):
        ind = d_ref[0, :, 0:1]
        rs = lax.rsqrt(jnp.maximum(ind, 1.0))
        raw = jnp.concatenate([r_ref[0], r_ref[1]], axis=1)
        o_ref[...] = jnp.dot(raw * rs, w_ref[...],
                             preferred_element_type=jnp.float32)

    return pl.pallas_call(
        body,
        grid=(N // B,),
        in_specs=[
            pl.BlockSpec((2, B, HALF), lambda i: (0, i, 0)),
            pl.BlockSpec((1, B, HALF), lambda i: (1, i, 0)),
            pl.BlockSpec((D, D), lambda i: (0, 0)),
        ],
        out_specs=pl.BlockSpec((B, D), lambda i: (i, 0)),
        out_shape=jax.ShapeDtypeStruct((N, D), jnp.float32),
    )(raw2, degp, W)


@jax.jit
def kernel(x, edge_index, W):
    src = edge_index[0]
    dst = edge_index[1]
    degp = _sc_degrees(edge_index.reshape(2 * E))
    xs2 = _tc_prescale(x, degp)
    xs_flat = xs2.reshape(2 * N, HALF)
    raw2 = _sc_push(xs_flat, src, dst)
    return _tc_output(raw2, degp, W)

# --- scband reference (transcript-rebuilt; emitter-appended) ---
"""Pipeline reference for scband-gcn-86964497809896 (READ-ONLY COPY).

The authoritative reference and input builder live on the scoring server;
editing this copy changes nothing except your own understanding.
"""

import jax, jax.numpy as jnp
import numpy as np

N_NODES = 10000
N_EDGES = 160000
D_FEAT = 256


def setup_inputs(seed: int = 0) -> dict:
    key = jax.random.key(seed)
    k1, k2, k3 = jax.random.split(key, 3)
    x = jax.random.normal(k1, (N_NODES, D_FEAT), dtype=jnp.float32)
    edge_index = jax.random.randint(k2, (2, N_EDGES), 0, N_NODES, dtype=jnp.int32)
    W = jax.random.normal(k3, (D_FEAT, D_FEAT), dtype=jnp.float32) * 0.05
    return {"x": x, "edge_index": edge_index, "W": W}


def reference(x, edge_index, W):
    # DGL-style g.push(func, data): each node pushes its feature along out-edges;
    # messages are aggregated (sum) at destination nodes with symmetric GCN
    # normalization, then the message function (linear transform W) is applied.
    N = x.shape[0]
    src = edge_index[0]
    dst = edge_index[1]
    # degree computation via scatter-add (SparseCore-friendly)
    out_deg = jnp.zeros((N,), dtype=x.dtype).at[src].add(1.0)
    in_deg = jnp.zeros((N,), dtype=x.dtype).at[dst].add(1.0)
    norm = jax.lax.rsqrt(jnp.clip(out_deg[src] * in_deg[dst], 1.0, None))
    # gather source features (push)
    msg = x[src] * norm[:, None]
    # scatter-add aggregation at destination nodes
    agg = jax.ops.segment_sum(msg, dst, num_segments=N)
    # apply transform (the 'func' of the push)
    h = agg @ W
    return h

if __name__ == "__main__":
    import jax
    _d = setup_inputs()
    print(jax.jit(kernel)(*tuple(_d.values())))

</pallas_src>

<mosaic_0001>
#map = affine_map<(d0, d1) -> (0)>
#map1 = affine_map<(d0, d1) -> (0, 0, 0)>
module attributes {stable_mosaic.version = 14 : i64} {
  func.func @_sc_degrees(%arg0: i32, %arg1: i32, %arg2: memref<320000xi32, #tpu.memory_space<hbm>>, %arg3: memref<2x10240x128xf32, #tpu.memory_space<hbm>>, %arg4: memref<10000xi32, #tpu.memory_space<vmem>>, %arg5: memref<80x128xf32, #tpu.memory_space<vmem>>, %arg6: memref<10240x128xf32, #tpu.memory_space<vmem_shared>>, %arg7: memref<!tpu.dma_semaphore, #tpu.memory_space<semaphore_mem>>) attributes {dimension_semantics = [#tpu.dimension_semantics<core_parallel>, #tpu.dimension_semantics<subcore_parallel>], iteration_bounds = array<i64: 2, 16>, scalar_prefetch = 0 : i64, scratch_operands = 4 : i64, tpu.core_type = #tpu.core_type<sc_vector_subcore>, window_params = [{transform_indices = #map}, {transform_indices = #map1}]} {
    %broadcast_in_dim3A = arith.constant 0.000000e+00 : f32
    %broadcast_in_dim3A_0 = vector.broadcast %broadcast_in_dim3A : f32 to vector<16xf32>
    %scan3A = arith.constant 0 : i32
    %scan3A_1 = arith.constant 80 : i32
    %scan3A_2 = arith.addi %scan3A, %scan3A_1 : i32
    %scan3A_3 = arith.constant 1 : i32
    scf.for %scan3A_58 = %scan3A to %scan3A_2 step %scan3A_3  : i32 {
      %swap3A = arith.index_cast %scan3A_58 : i32 to index
      %swap3A_59 = arith.constant 0 : index
      %swap3A_60 = tpu.vector_load %arg5[%swap3A, %swap3A_59] {strides = array<i32>} : memref<80x128xf32, #tpu.memory_space<vmem>>, vector<1x16xf32>,
      %swap3A_61 = vector.shape_cast %swap3A_60 : vector<1x16xf32> to vector<16xf32>
      %swap3A_62 = vector.shape_cast %broadcast_in_dim3A_0 : vector<16xf32> to vector<1x16xf32>
      tpu.vector_store %arg5[%swap3A, %swap3A_59], %swap3A_62 {strides = array<i32>} : memref<80x128xf32, #tpu.memory_space<vmem>>, vector<1x16xf32>,
      %swap3A_63 = arith.index_cast %scan3A_58 : i32 to index
      %swap3A_64 = arith.constant 16 : index
      %swap3A_65 = tpu.vector_load %arg5[%swap3A_63, %swap3A_64] {strides = array<i32>} : memref<80x128xf32, #tpu.memory_space<vmem>>, vector<1x16xf32>,
      %swap3A_66 = vector.shape_cast %swap3A_65 : vector<1x16xf32> to vector<16xf32>
      %swap3A_67 = vector.shape_cast %broadcast_in_dim3A_0 : vector<16xf32> to vector<1x16xf32>
      tpu.vector_store %arg5[%swap3A_63, %swap3A_64], %swap3A_67 {strides = array<i32>} : memref<80x128xf32, #tpu.memory_space<vmem>>, vector<1x16xf32>,
      %swap3A_68 = arith.index_cast %scan3A_58 : i32 to index
      %swap3A_69 = arith.constant 32 : index
      %swap3A_70 = tpu.vector_load %arg5[%swap3A_68, %swap3A_69] {strides = array<i32>} : memref<80x128xf32, #tpu.memory_space<vmem>>, vector<1x16xf32>,
      %swap3A_71 = vector.shape_cast %swap3A_70 : vector<1x16xf32> to vector<16xf32>
      %swap3A_72 = vector.shape_cast %broadcast_in_dim3A_0 : vector<16xf32> to vector<1x16xf32>
      tpu.vector_store %arg5[%swap3A_68, %swap3A_69], %swap3A_72 {strides = array<i32>} : memref<80x128xf32, #tpu.memory_space<vmem>>, vector<1x16xf32>,
      %swap3A_73 = arith.index_cast %scan3A_58 : i32 to index
      %swap3A_74 = arith.constant 48 : index
      %swap3A_75 = tpu.vector_load %arg5[%swap3A_73, %swap3A_74] {strides = array<i32>} : memref<80x128xf32, #tpu.memory_space<vmem>>, vector<1x16xf32>,
      %swap3A_76 = vector.shape_cast %swap3A_75 : vector<1x16xf32> to vector<16xf32>
      %swap3A_77 = vector.shape_cast %broadcast_in_dim3A_0 : vector<16xf32> to vector<1x16xf32>
      tpu.vector_store %arg5[%swap3A_73, %swap3A_74], %swap3A_77 {strides = array<i32>} : memref<80x128xf32, #tpu.memory_space<vmem>>, vector<1x16xf32>,
      %swap3A_78 = arith.index_cast %scan3A_58 : i32 to index
      %swap3A_79 = arith.constant 64 : index
      %swap3A_80 = tpu.vector_load %arg5[%swap3A_78, %swap3A_79] {strides = array<i32>} : memref<80x128xf32, #tpu.memory_space<vmem>>, vector<1x16xf32>,
      %swap3A_81 = vector.shape_cast %swap3A_80 : vector<1x16xf32> to vector<16xf32>
      %swap3A_82 = vector.shape_cast %broadcast_in_dim3A_0 : vector<16xf32> to vector<1x16xf32>
      tpu.vector_store %arg5[%swap3A_78, %swap3A_79], %swap3A_82 {strides = array<i32>} : memref<80x128xf32, #tpu.memory_space<vmem>>, vector<1x16xf32>,
      %swap3A_83 = arith.index_cast %scan3A_58 : i32 to index
      %swap3A_84 = arith.constant 80 : index
      %swap3A_85 = tpu.vector_load %arg5[%swap3A_83, %swap3A_84] {strides = array<i32>} : memref<80x128xf32, #tpu.memory_space<vmem>>, vector<1x16xf32>,
      %swap3A_86 = vector.shape_cast %swap3A_85 : vector<1x16xf32> to vector<16xf32>
      %swap3A_87 = vector.shape_cast %broadcast_in_dim3A_0 : vector<16xf32> to vector<1x16xf32>
      tpu.vector_store %arg5[%swap3A_83, %swap3A_84], %swap3A_87 {strides = array<i32>} : memref<80x128xf32, #tpu.memory_space<vmem>>, vector<1x16xf32>,
      %swap3A_88 = arith.index_cast %scan3A_58 : i32 to index
      %swap3A_89 = arith.constant 96 : index
      %swap3A_90 = tpu.vector_load %arg5[%swap3A_88, %swap3A_89] {strides = array<i32>} : memref<80x128xf32, #tpu.memory_space<vmem>>, vector<1x16xf32>,
      %swap3A_91 = vector.shape_cast %swap3A_90 : vector<1x16xf32> to vector<16xf32>
      %swap3A_92 = vector.shape_cast %broadcast_in_dim3A_0 : vector<16xf32> to vector<1x16xf32>
      tpu.vector_store %arg5[%swap3A_88, %swap3A_89], %swap3A_92 {strides = array<i32>} : memref<80x128xf32, #tpu.memory_space<vmem>>, vector<1x16xf32>,
      %swap3A_93 = arith.index_cast %scan3A_58 : i32 to index
      %swap3A_94 = arith.constant 112 : index
      %swap3A_95 = tpu.vector_load %arg5[%swap3A_93, %swap3A_94] {strides = array<i32>} : memref<80x128xf32, #tpu.memory_space<vmem>>, vector<1x16xf32>,
      %swap3A_96 = vector.shape_cast %swap3A_95 : vector<1x16xf32> to vector<16xf32>
      %swap3A_97 = vector.shape_cast %broadcast_in_dim3A_0 : vector<16xf32> to vector<1x16xf32>
      tpu.vector_store %arg5[%swap3A_93, %swap3A_94], %swap3A_97 {strides = array<i32>} : memref<80x128xf32, #tpu.memory_space<vmem>>, vector<1x16xf32>,
    }
    %scan3A_4 = arith.constant 80 : i32
    %mul3A = arith.constant 640 : i32
    %mul3A_5 = arith.muli %arg1, %mul3A : i32
    %add3A = arith.constant 0 : i32
    %add3A_6 = arith.addi %mul3A_5, %add3A : i32
    "tpu.region"() ({
      %run_scoped3A = tpu.sem_alloc : memref<!tpu.dma_semaphore, #tpu.memory_space<semaphore_mem>>
      %dma_start3A = arith.constant 0 : i32
      %dma_start3A_58 = tpu.memref_slice %arg6[%add3A_6, %dma_start3A] : memref<10240x128xf32, #tpu.memory_space<vmem_shared>> -> memref<80x128xf32, #tpu.memory_space<vmem_shared>>
      %dma_start3A_59 = arith.constant 0 : i32
      %dma_start3A_60 = tpu.memref_slice %arg6[%add3A_6, %dma_start3A_59] : memref<10240x128xf32, #tpu.memory_space<vmem_shared>> -> memref<80x128xf32, #tpu.memory_space<vmem_shared>>
      tpu.enqueue_dma source(%arg5 : memref<80x128xf32, #tpu.memory_space<vmem>>) target(%dma_start3A_60 : memref<80x128xf32, #tpu.memory_space<vmem_shared>>) target_semaphore(%run_scoped3A : memref<!tpu.dma_semaphore, #tpu.memory_space<semaphore_mem>>)
      %dma_wait3A = arith.constant 0 : i32
      %dma_wait3A_61 = tpu.memref_slice %arg6[%add3A_6, %dma_wait3A] : memref<10240x128xf32, #tpu.memory_space<vmem_shared>> -> memref<80x128xf32, #tpu.memory_space<vmem_shared>>
      %dma_wait3A_62 = arith.constant 0 : i32
      %dma_wait3A_63 = tpu.memref_slice %arg6[%add3A_6, %dma_wait3A_62] : memref<10240x128xf32, #tpu.memory_space<vmem_shared>> -> memref<80x128xf32, #tpu.memory_space<vmem_shared>>
      tpu.wait_dma2 semaphore(%run_scoped3A : memref<!tpu.dma_semaphore, #tpu.memory_space<semaphore_mem>>) src(%arg5 : memref<80x128xf32, #tpu.memory_space<vmem>>) dst(%dma_wait3A_63 : memref<80x128xf32, #tpu.memory_space<vmem_shared>>)
      tpu.yield
    }) : () -> ()
    %mul3A_7 = arith.constant 640 : i32
    %mul3A_8 = arith.muli %arg1, %mul3A_7 : i32
    %add3A_9 = arith.constant 80 : i32
    %add3A_10 = arith.addi %mul3A_8, %add3A_9 : i32
    "tpu.region"() ({
      %run_scoped3A = tpu.sem_alloc : memref<!tpu.dma_semaphore, #tpu.memory_space<semaphore_mem>>
      %dma_start3A = arith.constant 0 : i32
      %dma_start3A_58 = tpu.memref_slice %arg6[%add3A_10, %dma_start3A] : memref<10240x128xf32, #tpu.memory_space<vmem_shared>> -> memref<80x128xf32, #tpu.memory_space<vmem_shared>>
      %dma_start3A_59 = arith.constant 0 : i32
      %dma_start3A_60 = tpu.memref_slice %arg6[%add3A_10, %dma_start3A_59] : memref<10240x128xf32, #tpu.memory_space<vmem_shared>> -> memref<80x128xf32, #tpu.memory_space<vmem_shared>>
      tpu.enqueue_dma source(%arg5 : memref<80x128xf32, #tpu.memory_space<vmem>>) target(%dma_start3A_60 : memref<80x128xf32, #tpu.memory_space<vmem_shared>>) target_semaphore(%run_scoped3A : memref<!tpu.dma_semaphore, #tpu.memory_space<semaphore_mem>>)
      %dma_wait3A = arith.constant 0 : i32
      %dma_wait3A_61 = tpu.memref_slice %arg6[%add3A_10, %dma_wait3A] : memref<10240x128xf32, #tpu.memory_space<vmem_shared>> -> memref<80x128xf32, #tpu.memory_space<vmem_shared>>
      %dma_wait3A_62 = arith.constant 0 : i32
      %dma_wait3A_63 = tpu.memref_slice %arg6[%add3A_10, %dma_wait3A_62] : memref<10240x128xf32, #tpu.memory_space<vmem_shared>> -> memref<80x128xf32, #tpu.memory_space<vmem_shared>>
      tpu.wait_dma2 semaphore(%run_scoped3A : memref<!tpu.dma_semaphore, #tpu.memory_space<semaphore_mem>>) src(%arg5 : memref<80x128xf32, #tpu.memory_space<vmem>>) dst(%dma_wait3A_63 : memref<80x128xf32, #tpu.memory_space<vmem_shared>>)
      tpu.yield
    }) : () -> ()
    %mul3A_11 = arith.constant 640 : i32
    %mul3A_12 = arith.muli %arg1, %mul3A_11 : i32
    %add3A_13 = arith.constant 160 : i32
    %add3A_14 = arith.addi %mul3A_12, %add3A_13 : i32
    "tpu.region"() ({
      %run_scoped3A = tpu.sem_alloc : memref<!tpu.dma_semaphore, #tpu.memory_space<semaphore_mem>>
      %dma_start3A = arith.constant 0 : i32
      %dma_start3A_58 = tpu.memref_slice %arg6[%add3A_14, %dma_start3A] : memref<10240x128xf32, #tpu.memory_space<vmem_shared>> -> memref<80x128xf32, #tpu.memory_space<vmem_shared>>
      %dma_start3A_59 = arith.constant 0 : i32
      %dma_start3A_60 = tpu.memref_slice %arg6[%add3A_14, %dma_start3A_59] : memref<10240x128xf32, #tpu.memory_space<vmem_shared>> -> memref<80x128xf32, #tpu.memory_space<vmem_shared>>
      tpu.enqueue_dma source(%arg5 : memref<80x128xf32, #tpu.memory_space<vmem>>) target(%dma_start3A_60 : memref<80x128xf32, #tpu.memory_space<vmem_shared>>) target_semaphore(%run_scoped3A : memref<!tpu.dma_semaphore, #tpu.memory_space<semaphore_mem>>)
      %dma_wait3A = arith.constant 0 : i32
      %dma_wait3A_61 = tpu.memref_slice %arg6[%add3A_14, %dma_wait3A] : memref<10240x128xf32, #tpu.memory_space<vmem_shared>> -> memref<80x128xf32, #tpu.memory_space<vmem_shared>>
      %dma_wait3A_62 = arith.constant 0 : i32
      %dma_wait3A_63 = tpu.memref_slice %arg6[%add3A_14, %dma_wait3A_62] : memref<10240x128xf32, #tpu.memory_space<vmem_shared>> -> memref<80x128xf32, #tpu.memory_space<vmem_shared>>
      tpu.wait_dma2 semaphore(%run_scoped3A : memref<!tpu.dma_semaphore, #tpu.memory_space<semaphore_mem>>) src(%arg5 : memref<80x128xf32, #tpu.memory_space<vmem>>) dst(%dma_wait3A_63 : memref<80x128xf32, #tpu.memory_space<vmem_shared>>)
      tpu.yield
    }) : () -> ()
    %mul3A_15 = arith.constant 640 : i32
    %mul3A_16 = arith.muli %arg1, %mul3A_15 : i32
    %add3A_17 = arith.constant 240 : i32
    %add3A_18 = arith.addi %mul3A_16, %add3A_17 : i32
    "tpu.region"() ({
      %run_scoped3A = tpu.sem_alloc : memref<!tpu.dma_semaphore, #tpu.memory_space<semaphore_mem>>
      %dma_start3A = arith.constant 0 : i32
      %dma_start3A_58 = tpu.memref_slice %arg6[%add3A_18, %dma_start3A] : memref<10240x128xf32, #tpu.memory_space<vmem_shared>> -> memref<80x128xf32, #tpu.memory_space<vmem_shared>>
      %dma_start3A_59 = arith.constant 0 : i32
      %dma_start3A_60 = tpu.memref_slice %arg6[%add3A_18, %dma_start3A_59] : memref<10240x128xf32, #tpu.memory_space<vmem_shared>> -> memref<80x128xf32, #tpu.memory_space<vmem_shared>>
      tpu.enqueue_dma source(%arg5 : memref<80x128xf32, #tpu.memory_space<vmem>>) target(%dma_start3A_60 : memref<80x128xf32, #tpu.memory_space<vmem_shared>>) target_semaphore(%run_scoped3A : memref<!tpu.dma_semaphore, #tpu.memory_space<semaphore_mem>>)
      %dma_wait3A = arith.constant 0 : i32
      %dma_wait3A_61 = tpu.memref_slice %arg6[%add3A_18, %dma_wait3A] : memref<10240x128xf32, #tpu.memory_space<vmem_shared>> -> memref<80x128xf32, #tpu.memory_space<vmem_shared>>
      %dma_wait3A_62 = arith.constant 0 : i32
      %dma_wait3A_63 = tpu.memref_slice %arg6[%add3A_18, %dma_wait3A_62] : memref<10240x128xf32, #tpu.memory_space<vmem_shared>> -> memref<80x128xf32, #tpu.memory_space<vmem_shared>>
      tpu.wait_dma2 semaphore(%run_scoped3A : memref<!tpu.dma_semaphore, #tpu.memory_space<semaphore_mem>>) src(%arg5 : memref<80x128xf32, #tpu.memory_space<vmem>>) dst(%dma_wait3A_63 : memref<80x128xf32, #tpu.memory_space<vmem_shared>>)
      tpu.yield
    }) : () -> ()
    %mul3A_19 = arith.constant 640 : i32
    %mul3A_20 = arith.muli %arg1, %mul3A_19 : i32
    %add3A_21 = arith.constant 320 : i32
    %add3A_22 = arith.addi %mul3A_20, %add3A_21 : i32
    "tpu.region"() ({
      %run_scoped3A = tpu.sem_alloc : memref<!tpu.dma_semaphore, #tpu.memory_space<semaphore_mem>>
      %dma_start3A = arith.constant 0 : i32
      %dma_start3A_58 = tpu.memref_slice %arg6[%add3A_22, %dma_start3A] : memref<10240x128xf32, #tpu.memory_space<vmem_shared>> -> memref<80x128xf32, #tpu.memory_space<vmem_shared>>
      %dma_start3A_59 = arith.constant 0 : i32
      %dma_start3A_60 = tpu.memref_slice %arg6[%add3A_22, %dma_start3A_59] : memref<10240x128xf32, #tpu.memory_space<vmem_shared>> -> memref<80x128xf32, #tpu.memory_space<vmem_shared>>
      tpu.enqueue_dma source(%arg5 : memref<80x128xf32, #tpu.memory_space<vmem>>) target(%dma_start3A_60 : memref<80x128xf32, #tpu.memory_space<vmem_shared>>) target_semaphore(%run_scoped3A : memref<!tpu.dma_semaphore, #tpu.memory_space<semaphore_mem>>)
      %dma_wait3A = arith.constant 0 : i32
      %dma_wait3A_61 = tpu.memref_slice %arg6[%add3A_22, %dma_wait3A] : memref<10240x128xf32, #tpu.memory_space<vmem_shared>> -> memref<80x128xf32, #tpu.memory_space<vmem_shared>>
      %dma_wait3A_62 = arith.constant 0 : i32
      %dma_wait3A_63 = tpu.memref_slice %arg6[%add3A_22, %dma_wait3A_62] : memref<10240x128xf32, #tpu.memory_space<vmem_shared>> -> memref<80x128xf32, #tpu.memory_space<vmem_shared>>
      tpu.wait_dma2 semaphore(%run_scoped3A : memref<!tpu.dma_semaphore, #tpu.memory_space<semaphore_mem>>) src(%arg5 : memref<80x128xf32, #tpu.memory_space<vmem>>) dst(%dma_wait3A_63 : memref<80x128xf32, #tpu.memory_space<vmem_shared>>)
      tpu.yield
    }) : () -> ()
    %mul3A_23 = arith.constant 640 : i32
    %mul3A_24 = arith.muli %arg1, %mul3A_23 : i32
    %add3A_25 = arith.constant 400 : i32
    %add3A_26 = arith.addi %mul3A_24, %add3A_25 : i32
    "tpu.region"() ({
      %run_scoped3A = tpu.sem_alloc : memref<!tpu.dma_semaphore, #tpu.memory_space<semaphore_mem>>
      %dma_start3A = arith.constant 0 : i32
      %dma_start3A_58 = tpu.memref_slice %arg6[%add3A_26, %dma_start3A] : memref<10240x128xf32, #tpu.memory_space<vmem_shared>> -> memref<80x128xf32, #tpu.memory_space<vmem_shared>>
      %dma_start3A_59 = arith.constant 0 : i32
      %dma_start3A_60 = tpu.memref_slice %arg6[%add3A_26, %dma_start3A_59] : memref<10240x128xf32, #tpu.memory_space<vmem_shared>> -> memref<80x128xf32, #tpu.memory_space<vmem_shared>>
      tpu.enqueue_dma source(%arg5 : memref<80x128xf32, #tpu.memory_space<vmem>>) target(%dma_start3A_60 : memref<80x128xf32, #tpu.memory_space<vmem_shared>>) target_semaphore(%run_scoped3A : memref<!tpu.dma_semaphore, #tpu.memory_space<semaphore_mem>>)
      %dma_wait3A = arith.constant 0 : i32
      %dma_wait3A_61 = tpu.memref_slice %arg6[%add3A_26, %dma_wait3A] : memref<10240x128xf32, #tpu.memory_space<vmem_shared>> -> memref<80x128xf32, #tpu.memory_space<vmem_shared>>
      %dma_wait3A_62 = arith.constant 0 : i32
      %dma_wait3A_63 = tpu.memref_slice %arg6[%add3A_26, %dma_wait3A_62] : memref<10240x128xf32, #tpu.memory_space<vmem_shared>> -> memref<80x128xf32, #tpu.memory_space<vmem_shared>>
      tpu.wait_dma2 semaphore(%run_scoped3A : memref<!tpu.dma_semaphore, #tpu.memory_space<semaphore_mem>>) src(%arg5 : memref<80x128xf32, #tpu.memory_space<vmem>>) dst(%dma_wait3A_63 : memref<80x128xf32, #tpu.memory_space<vmem_shared>>)
      tpu.yield
    }) : () -> ()
    %mul3A_27 = arith.constant 640 : i32
    %mul3A_28 = arith.muli %arg1, %mul3A_27 : i32
    %add3A_29 = arith.constant 480 : i32
    %add3A_30 = arith.addi %mul3A_28, %add3A_29 : i32
    "tpu.region"() ({
      %run_scoped3A = tpu.sem_alloc : memref<!tpu.dma_semaphore, #tpu.memory_space<semaphore_mem>>
      %dma_start3A = arith.constant 0 : i32
      %dma_start3A_58 = tpu.memref_slice %arg6[%add3A_30, %dma_start3A] : memref<10240x128xf32, #tpu.memory_space<vmem_shared>> -> memref<80x128xf32, #tpu.memory_space<vmem_shared>>
      %dma_start3A_59 = arith.constant 0 : i32
      %dma_start3A_60 = tpu.memref_slice %arg6[%add3A_30, %dma_start3A_59] : memref<10240x128xf32, #tpu.memory_space<vmem_shared>> -> memref<80x128xf32, #tpu.memory_space<vmem_shared>>
      tpu.enqueue_dma source(%arg5 : memref<80x128xf32, #tpu.memory_space<vmem>>) target(%dma_start3A_60 : memref<80x128xf32, #tpu.memory_space<vmem_shared>>) target_semaphore(%run_scoped3A : memref<!tpu.dma_semaphore, #tpu.memory_space<semaphore_mem>>)
      %dma_wait3A = arith.constant 0 : i32
      %dma_wait3A_61 = tpu.memref_slice %arg6[%add3A_30, %dma_wait3A] : memref<10240x128xf32, #tpu.memory_space<vmem_shared>> -> memref<80x128xf32, #tpu.memory_space<vmem_shared>>
      %dma_wait3A_62 = arith.constant 0 : i32
      %dma_wait3A_63 = tpu.memref_slice %arg6[%add3A_30, %dma_wait3A_62] : memref<10240x128xf32, #tpu.memory_space<vmem_shared>> -> memref<80x128xf32, #tpu.memory_space<vmem_shared>>
      tpu.wait_dma2 semaphore(%run_scoped3A : memref<!tpu.dma_semaphore, #tpu.memory_space<semaphore_mem>>) src(%arg5 : memref<80x128xf32, #tpu.memory_space<vmem>>) dst(%dma_wait3A_63 : memref<80x128xf32, #tpu.memory_space<vmem_shared>>)
      tpu.yield
    }) : () -> ()
    %mul3A_31 = arith.constant 640 : i32
    %mul3A_32 = arith.muli %arg1, %mul3A_31 : i32
    %add3A_33 = arith.constant 560 : i32
    %add3A_34 = arith.addi %mul3A_32, %add3A_33 : i32
    "tpu.region"() ({
      %run_scoped3A = tpu.sem_alloc : memref<!tpu.dma_semaphore, #tpu.memory_space<semaphore_mem>>
      %dma_start3A = arith.constant 0 : i32
      %dma_start3A_58 = tpu.memref_slice %arg6[%add3A_34, %dma_start3A] : memref<10240x128xf32, #tpu.memory_space<vmem_shared>> -> memref<80x128xf32, #tpu.memory_space<vmem_shared>>
      %dma_start3A_59 = arith.constant 0 : i32
      %dma_start3A_60 = tpu.memref_slice %arg6[%add3A_34, %dma_start3A_59] : memref<10240x128xf32, #tpu.memory_space<vmem_shared>> -> memref<80x128xf32, #tpu.memory_space<vmem_shared>>
      tpu.enqueue_dma source(%arg5 : memref<80x128xf32, #tpu.memory_space<vmem>>) target(%dma_start3A_60 : memref<80x128xf32, #tpu.memory_space<vmem_shared>>) target_semaphore(%run_scoped3A : memref<!tpu.dma_semaphore, #tpu.memory_space<semaphore_mem>>)
      %dma_wait3A = arith.constant 0 : i32
      %dma_wait3A_61 = tpu.memref_slice %arg6[%add3A_34, %dma_wait3A] : memref<10240x128xf32, #tpu.memory_space<vmem_shared>> -> memref<80x128xf32, #tpu.memory_space<vmem_shared>>
      %dma_wait3A_62 = arith.constant 0 : i32
      %dma_wait3A_63 = tpu.memref_slice %arg6[%add3A_34, %dma_wait3A_62] : memref<10240x128xf32, #tpu.memory_space<vmem_shared>> -> memref<80x128xf32, #tpu.memory_space<vmem_shared>>
      tpu.wait_dma2 semaphore(%run_scoped3A : memref<!tpu.dma_semaphore, #tpu.memory_space<semaphore_mem>>) src(%arg5 : memref<80x128xf32, #tpu.memory_space<vmem>>) dst(%dma_wait3A_63 : memref<80x128xf32, #tpu.memory_space<vmem_shared>>)
      tpu.yield
    }) : () -> ()
    %broadcast_in_dim3A_35 = arith.constant 1.000000e+00 : f32
    %broadcast_in_dim3A_36 = vector.broadcast %broadcast_in_dim3A_35 : f32 to vector<16xf32>
    %scan3A_37 = arith.constant 0 : i32
    %scan3A_38 = arith.constant 80 : i32
    %scan3A_39 = arith.addi %scan3A_37, %scan3A_38 : i32
    %scan3A_40 = arith.constant 1 : i32
    scf.for %scan3A_58 = %scan3A_37 to %scan3A_39 step %scan3A_40  : i32 {
      %swap3A = arith.index_cast %scan3A_58 : i32 to index
      %swap3A_59 = arith.constant 0 : index
      %swap3A_60 = tpu.vector_load %arg5[%swap3A, %swap3A_59] {strides = array<i32>} : memref<80x128xf32, #tpu.memory_space<vmem>>, vector<1x16xf32>,
      %swap3A_61 = vector.shape_cast %swap3A_60 : vector<1x16xf32> to vector<16xf32>
      %swap3A_62 = vector.shape_cast %broadcast_in_dim3A_36 : vector<16xf32> to vector<1x16xf32>
      tpu.vector_store %arg5[%swap3A, %swap3A_59], %swap3A_62 {strides = array<i32>} : memref<80x128xf32, #tpu.memory_space<vmem>>, vector<1x16xf32>,
      %swap3A_63 = arith.index_cast %scan3A_58 : i32 to index
      %swap3A_64 = arith.constant 16 : index
      %swap3A_65 = tpu.vector_load %arg5[%swap3A_63, %swap3A_64] {strides = array<i32>} : memref<80x128xf32, #tpu.memory_space<vmem>>, vector<1x16xf32>,
      %swap3A_66 = vector.shape_cast %swap3A_65 : vector<1x16xf32> to vector<16xf32>
      %swap3A_67 = vector.shape_cast %broadcast_in_dim3A_36 : vector<16xf32> to vector<1x16xf32>
      tpu.vector_store %arg5[%swap3A_63, %swap3A_64], %swap3A_67 {strides = array<i32>} : memref<80x128xf32, #tpu.memory_space<vmem>>, vector<1x16xf32>,
      %swap3A_68 = arith.index_cast %scan3A_58 : i32 to index
      %swap3A_69 = arith.constant 32 : index
      %swap3A_70 = tpu.vector_load %arg5[%swap3A_68, %swap3A_69] {strides = array<i32>} : memref<80x128xf32, #tpu.memory_space<vmem>>, vector<1x16xf32>,
      %swap3A_71 = vector.shape_cast %swap3A_70 : vector<1x16xf32> to vector<16xf32>
      %swap3A_72 = vector.shape_cast %broadcast_in_dim3A_36 : vector<16xf32> to vector<1x16xf32>
      tpu.vector_store %arg5[%swap3A_68, %swap3A_69], %swap3A_72 {strides = array<i32>} : memref<80x128xf32, #tpu.memory_space<vmem>>, vector<1x16xf32>,
      %swap3A_73 = arith.index_cast %scan3A_58 : i32 to index
      %swap3A_74 = arith.constant 48 : index
      %swap3A_75 = tpu.vector_load %arg5[%swap3A_73, %swap3A_74] {strides = array<i32>} : memref<80x128xf32, #tpu.memory_space<vmem>>, vector<1x16xf32>,
      %swap3A_76 = vector.shape_cast %swap3A_75 : vector<1x16xf32> to vector<16xf32>
      %swap3A_77 = vector.shape_cast %broadcast_in_dim3A_36 : vector<16xf32> to vector<1x16xf32>
      tpu.vector_store %arg5[%swap3A_73, %swap3A_74], %swap3A_77 {strides = array<i32>} : memref<80x128xf32, #tpu.memory_space<vmem>>, vector<1x16xf32>,
      %swap3A_78 = arith.index_cast %scan3A_58 : i32 to index
      %swap3A_79 = arith.constant 64 : index
      %swap3A_80 = tpu.vector_load %arg5[%swap3A_78, %swap3A_79] {strides = array<i32>} : memref<80x128xf32, #tpu.memory_space<vmem>>, vector<1x16xf32>,
      %swap3A_81 = vector.shape_cast %swap3A_80 : vector<1x16xf32> to vector<16xf32>
      %swap3A_82 = vector.shape_cast %broadcast_in_dim3A_36 : vector<16xf32> to vector<1x16xf32>
      tpu.vector_store %arg5[%swap3A_78, %swap3A_79], %swap3A_82 {strides = array<i32>} : memref<80x128xf32, #tpu.memory_space<vmem>>, vector<1x16xf32>,
      %swap3A_83 = arith.index_cast %scan3A_58 : i32 to index
      %swap3A_84 = arith.constant 80 : index
      %swap3A_85 = tpu.vector_load %arg5[%swap3A_83, %swap3A_84] {strides = array<i32>} : memref<80x128xf32, #tpu.memory_space<vmem>>, vector<1x16xf32>,
      %swap3A_86 = vector.shape_cast %swap3A_85 : vector<1x16xf32> to vector<16xf32>
      %swap3A_87 = vector.shape_cast %broadcast_in_dim3A_36 : vector<16xf32> to vector<1x16xf32>
      tpu.vector_store %arg5[%swap3A_83, %swap3A_84], %swap3A_87 {strides = array<i32>} : memref<80x128xf32, #tpu.memory_space<vmem>>, vector<1x16xf32>,
      %swap3A_88 = arith.index_cast %scan3A_58 : i32 to index
      %swap3A_89 = arith.constant 96 : index
      %swap3A_90 = tpu.vector_load %arg5[%swap3A_88, %swap3A_89] {strides = array<i32>} : memref<80x128xf32, #tpu.memory_space<vmem>>, vector<1x16xf32>,
      %swap3A_91 = vector.shape_cast %swap3A_90 : vector<1x16xf32> to vector<16xf32>
      %swap3A_92 = vector.shape_cast %broadcast_in_dim3A_36 : vector<16xf32> to vector<1x16xf32>
      tpu.vector_store %arg5[%swap3A_88, %swap3A_89], %swap3A_92 {strides = array<i32>} : memref<80x128xf32, #tpu.memory_space<vmem>>, vector<1x16xf32>,
      %swap3A_93 = arith.index_cast %scan3A_58 : i32 to index
      %swap3A_94 = arith.constant 112 : index
      %swap3A_95 = tpu.vector_load %arg5[%swap3A_93, %swap3A_94] {strides = array<i32>} : memref<80x128xf32, #tpu.memory_space<vmem>>, vector<1x16xf32>,
      %swap3A_96 = vector.shape_cast %swap3A_95 : vector<1x16xf32> to vector<16xf32>
      %swap3A_97 = vector.shape_cast %broadcast_in_dim3A_36 : vector<16xf32> to vector<1x16xf32>
      tpu.vector_store %arg5[%swap3A_93, %swap3A_94], %swap3A_97 {strides = array<i32>} : memref<80x128xf32, #tpu.memory_space<vmem>>, vector<1x16xf32>,
    }
    %scan3A_41 = arith.constant 80 : i32
    %mul3A_42 = arith.constant 160000 : i32
    %mul3A_43 = arith.muli %arg0, %mul3A_42 : i32
    %mul3A_44 = arith.constant 10000 : i32
    %mul3A_45 = arith.muli %arg1, %mul3A_44 : i32
    %add3A_46 = arith.addi %mul3A_43, %mul3A_45 : i32
    "tpu.region"() ({
      %run_scoped3A = tpu.sem_alloc : memref<!tpu.dma_semaphore, #tpu.memory_space<semaphore_mem>>
      %dma_start3A = tpu.memref_slice %arg2[%add3A_46] : memref<320000xi32, #tpu.memory_space<hbm>> -> memref<10000xi32, #tpu.memory_space<hbm>>
      %dma_start3A_58 = tpu.memref_slice %arg2[%add3A_46] : memref<320000xi32, #tpu.memory_space<hbm>> -> memref<10000xi32, #tpu.memory_space<hbm>>
      tpu.enqueue_dma source(%dma_start3A_58 : memref<10000xi32, #tpu.memory_space<hbm>>) target(%arg4 : memref<10000xi32, #tpu.memory_space<vmem>>) target_semaphore(%run_scoped3A : memref<!tpu.dma_semaphore, #tpu.memory_space<semaphore_mem>>)
      %dma_wait3A = tpu.memref_slice %arg2[%add3A_46] : memref<320000xi32, #tpu.memory_space<hbm>> -> memref<10000xi32, #tpu.memory_space<hbm>>
      %dma_wait3A_59 = tpu.memref_slice %arg2[%add3A_46] : memref<320000xi32, #tpu.memory_space<hbm>> -> memref<10000xi32, #tpu.memory_space<hbm>>
      tpu.wait_dma2 semaphore(%run_scoped3A : memref<!tpu.dma_semaphore, #tpu.memory_space<semaphore_mem>>) src(%dma_wait3A_59 : memref<10000xi32, #tpu.memory_space<hbm>>) dst(%arg4 : memref<10000xi32, #tpu.memory_space<vmem>>)
      tpu.yield
    }) : () -> ()
    %barrier3A = arith.constant 0 : index
    tpu.barrier barrier_id(%barrier3A)
    %scan3A_47 = arith.constant 0 : i32
    %scan3A_48 = arith.constant 0 : i32
    %scan3A_49 = arith.constant 5 : i32
    %scan3A_50 = arith.addi %scan3A_48, %scan3A_49 : i32
    %scan3A_51 = arith.constant 1 : i32
    scf.for %scan3A_58 = %scan3A_48 to %scan3A_50 step %scan3A_51  : i32 {
      %mul3A_59 = arith.constant 25 : i32
      %mul3A_60 = arith.muli %scan3A_58, %mul3A_59 : i32
      %add3A_61 = arith.constant 0 : i32
      %add3A_62 = arith.addi %mul3A_60, %add3A_61 : i32
      %mul3A_63 = arith.constant 80 : i32
      %mul3A_64 = arith.muli %add3A_62, %mul3A_63 : i32
      %dma_start3A = tpu.memref_slice %arg4[%mul3A_64] : memref<10000xi32, #tpu.memory_space<vmem>> -> memref<80xi32, #tpu.memory_space<vmem>>
      %dma_start3A_65 = arith.constant 0 : i32
      %dma_start3A_66 = arith.constant 0 : i32
      %dma_start3A_67 = tpu.memref_slice %arg6[%dma_start3A_65, %dma_start3A_66] : memref<10240x128xf32, #tpu.memory_space<vmem_shared>> -> memref<10240x128xf32, #tpu.memory_space<vmem_shared>>
      tpu.enqueue_indirect_dma source(%arg5 : memref<80x128xf32, #tpu.memory_space<vmem>>) target(%dma_start3A_67 : memref<10240x128xf32, #tpu.memory_space<vmem_shared>>) offsets(%dma_start3A : memref<80xi32, #tpu.memory_space<vmem>>) semaphore(%arg7 : memref<!tpu.dma_semaphore, #tpu.memory_space<semaphore_mem>>) {add = true}
      %mul3A_68 = arith.constant 25 : i32
      %mul3A_69 = arith.muli %scan3A_58, %mul3A_68 : i32
      %add3A_70 = arith.constant 1 : i32
      %add3A_71 = arith.addi %mul3A_69, %add3A_70 : i32
      %mul3A_72 = arith.constant 80 : i32
      %mul3A_73 = arith.muli %add3A_71, %mul3A_72 : i32
      %dma_start3A_74 = tpu.memref_slice %arg4[%mul3A_73] : memref<10000xi32, #tpu.memory_space<vmem>> -> memref<80xi32, #tpu.memory_space<vmem>>
      %dma_start3A_75 = arith.constant 0 : i32
      %dma_start3A_76 = arith.constant 0 : i32
      %dma_start3A_77 = tpu.memref_slice %arg6[%dma_start3A_75, %dma_start3A_76] : memref<10240x128xf32, #tpu.memory_space<vmem_shared>> -> memref<10240x128xf32, #tpu.memory_space<vmem_shared>>
      tpu.enqueue_indirect_dma source(%arg5 : memref<80x128xf32, #tpu.memory_space<vmem>>) target(%dma_start3A_77 : memref<10240x128xf32, #tpu.memory_space<vmem_shared>>) offsets(%dma_start3A_74 : memref<80xi32, #tpu.memory_space<vmem>>) semaphore(%arg7 : memref<!tpu.dma_semaphore, #tpu.memory_space<semaphore_mem>>) {add = true}
      %mul3A_78 = arith.constant 25 : i32
      %mul3A_79 = arith.muli %scan3A_58, %mul3A_78 : i32
      %add3A_80 = arith.constant 2 : i32
      %add3A_81 = arith.addi %mul3A_79, %add3A_80 : i32
      %mul3A_82 = arith.constant 80 : i32
      %mul3A_83 = arith.muli %add3A_81, %mul3A_82 : i32
      %dma_start3A_84 = tpu.memref_slice %arg4[%mul3A_83] : memref<10000xi32, #tpu.memory_space<vmem>> -> memref<80xi32, #tpu.memory_space<vmem>>
      %dma_start3A_85 = arith.constant 0 : i32
      %dma_start3A_86 = arith.constant 0 : i32
      %dma_start3A_87 = tpu.memref_slice %arg6[%dma_start3A_85, %dma_start3A_86] : memref<10240x128xf32, #tpu.memory_space<vmem_shared>> -> memref<10240x128xf32, #tpu.memory_space<vmem_shared>>
      tpu.enqueue_indirect_dma source(%arg5 : memref<80x128xf32, #tpu.memory_space<vmem>>) target(%dma_start3A_87 : memref<10240x128xf32, #tpu.memory_space<vmem_shared>>) offsets(%dma_start3A_84 : memref<80xi32, #tpu.memory_space<vmem>>) semaphore(%arg7 : memref<!tpu.dma_semaphore, #tpu.memory_space<semaphore_mem>>) {add = true}
      %mul3A_88 = arith.constant 25 : i32
      %mul3A_89 = arith.muli %scan3A_58, %mul3A_88 : i32
      %add3A_90 = arith.constant 3 : i32
      %add3A_91 = arith.addi %mul3A_89, %add3A_90 : i32
      %mul3A_92 = arith.constant 80 : i32
      %mul3A_93 = arith.muli %add3A_91, %mul3A_92 : i32
      %dma_start3A_94 = tpu.memref_slice %arg4[%mul3A_93] : memref<10000xi32, #tpu.memory_space<vmem>> -> memref<80xi32, #tpu.memory_space<vmem>>
      %dma_start3A_95 = arith.constant 0 : i32
      %dma_start3A_96 = arith.constant 0 : i32
      %dma_start3A_97 = tpu.memref_slice %arg6[%dma_start3A_95, %dma_start3A_96] : memref<10240x128xf32, #tpu.memory_space<vmem_shared>> -> memref<10240x128xf32, #tpu.memory_space<vmem_shared>>
      tpu.enqueue_indirect_dma source(%arg5 : memref<80x128xf32, #tpu.memory_space<vmem>>) target(%dma_start3A_97 : memref<10240x128xf32, #tpu.memory_space<vmem_shared>>) offsets(%dma_start3A_94 : memref<80xi32, #tpu.memory_space<vmem>>) semaphore(%arg7 : memref<!tpu.dma_semaphore, #tpu.memory_space<semaphore_mem>>) {add = true}
      %mul3A_98 = arith.constant 25 : i32
      %mul3A_99 = arith.muli %scan3A_58, %mul3A_98 : i32
      %add3A_100 = arith.constant 4 : i32
      %add3A_101 = arith.addi %mul3A_99, %add3A_100 : i32
      %mul3A_102 = arith.constant 80 : i32
      %mul3A_103 = arith.muli %add3A_101, %mul3A_102 : i32
      %dma_start3A_104 = tpu.memref_slice %arg4[%mul3A_103] : memref<10000xi32, #tpu.memory_space<vmem>> -> memref<80xi32, #tpu.memory_space<vmem>>
      %dma_start3A_105 = arith.constant 0 : i32
      %dma_start3A_106 = arith.constant 0 : i32
      %dma_start3A_107 = tpu.memref_slice %arg6[%dma_start3A_105, %dma_start3A_106] : memref<10240x128xf32, #tpu.memory_space<vmem_shared>> -> memref<10240x128xf32, #tpu.memory_space<vmem_shared>>
      tpu.enqueue_indirect_dma source(%arg5 : memref<80x128xf32, #tpu.memory_space<vmem>>) target(%dma_start3A_107 : memref<10240x128xf32, #tpu.memory_space<vmem_shared>>) offsets(%dma_start3A_104 : memref<80xi32, #tpu.memory_space<vmem>>) semaphore(%arg7 : memref<!tpu.dma_semaphore, #tpu.memory_space<semaphore_mem>>) {add = true}
      %mul3A_108 = arith.constant 25 : i32
      %mul3A_109 = arith.muli %scan3A_58, %mul3A_108 : i32
      %add3A_110 = arith.constant 5 : i32
      %add3A_111 = arith.addi %mul3A_109, %add3A_110 : i32
      %mul3A_112 = arith.constant 80 : i32
      %mul3A_113 = arith.muli %add3A_111, %mul3A_112 : i32
      %dma_start3A_114 = tpu.memref_slice %arg4[%mul3A_113] : memref<10000xi32, #tpu.memory_space<vmem>> -> memref<80xi32, #tpu.memory_space<vmem>>
      %dma_start3A_115 = arith.constant 0 : i32
      %dma_start3A_116 = arith.constant 0 : i32
      %dma_start3A_117 = tpu.memref_slice %arg6[%dma_start3A_115, %dma_start3A_116] : memref<10240x128xf32, #tpu.memory_space<vmem_shared>> -> memref<10240x128xf32, #tpu.memory_space<vmem_shared>>
      tpu.enqueue_indirect_dma source(%arg5 : memref<80x128xf32, #tpu.memory_space<vmem>>) target(%dma_start3A_117 : memref<10240x128xf32, #tpu.memory_space<vmem_shared>>) offsets(%dma_start3A_114 : memref<80xi32, #tpu.memory_space<vmem>>) semaphore(%arg7 : memref<!tpu.dma_semaphore, #tpu.memory_space<semaphore_mem>>) {add = true}
      %mul3A_118 = arith.constant 25 : i32
      %mul3A_119 = arith.muli %scan3A_58, %mul3A_118 : i32
      %add3A_120 = arith.constant 6 : i32
      %add3A_121 = arith.addi %mul3A_119, %add3A_120 : i32
      %mul3A_122 = arith.constant 80 : i32
      %mul3A_123 = arith.muli %add3A_121, %mul3A_122 : i32
      %dma_start3A_124 = tpu.memref_slice %arg4[%mul3A_123] : memref<10000xi32, #tpu.memory_space<vmem>> -> memref<80xi32, #tpu.memory_space<vmem>>
      %dma_start3A_125 = arith.constant 0 : i32
      %dma_start3A_126 = arith.constant 0 : i32
      %dma_start3A_127 = tpu.memref_slice %arg6[%dma_start3A_125, %dma_start3A_126] : memref<10240x128xf32, #tpu.memory_space<vmem_shared>> -> memref<10240x128xf32, #tpu.memory_space<vmem_shared>>
      tpu.enqueue_indirect_dma source(%arg5 : memref<80x128xf32, #tpu.memory_space<vmem>>) target(%dma_start3A_127 : memref<10240x128xf32, #tpu.memory_space<vmem_shared>>) offsets(%dma_start3A_124 : memref<80xi32, #tpu.memory_space<vmem>>) semaphore(%arg7 : memref<!tpu.dma_semaphore, #tpu.memory_space<semaphore_mem>>) {add = true}
      %mul3A_128 = arith.constant 25 : i32
      %mul3A_129 = arith.muli %scan3A_58, %mul3A_128 : i32
      %add3A_130 = arith.constant 7 : i32
      %add3A_131 = arith.addi %mul3A_129, %add3A_130 : i32
      %mul3A_132 = arith.constant 80 : i32
      %mul3A_133 = arith.muli %add3A_131, %mul3A_132 : i32
      %dma_start3A_134 = tpu.memref_slice %arg4[%mul3A_133] : memref<10000xi32, #tpu.memory_space<vmem>> -> memref<80xi32, #tpu.memory_space<vmem>>
      %dma_start3A_135 = arith.constant 0 : i32
      %dma_start3A_136 = arith.constant 0 : i32
      %dma_start3A_137 = tpu.memref_slice %arg6[%dma_start3A_135, %dma_start3A_136] : memref<10240x128xf32, #tpu.memory_space<vmem_shared>> -> memref<10240x128xf32, #tpu.memory_space<vmem_shared>>
      tpu.enqueue_indirect_dma source(%arg5 : memref<80x128xf32, #tpu.memory_space<vmem>>) target(%dma_start3A_137 : memref<10240x128xf32, #tpu.memory_space<vmem_shared>>) offsets(%dma_start3A_134 : memref<80xi32, #tpu.memory_space<vmem>>) semaphore(%arg7 : memref<!tpu.dma_semaphore, #tpu.memory_space<semaphore_mem>>) {add = true}
      %mul3A_138 = arith.constant 25 : i32
      %mul3A_139 = arith.muli %scan3A_58, %mul3A_138 : i32
      %add3A_140 = arith.constant 8 : i32
      %add3A_141 = arith.addi %mul3A_139, %add3A_140 : i32
      %mul3A_142 = arith.constant 80 : i32
      %mul3A_143 = arith.muli %add3A_141, %mul3A_142 : i32
      %dma_start3A_144 = tpu.memref_slice %arg4[%mul3A_143] : memref<10000xi32, #tpu.memory_space<vmem>> -> memref<80xi32, #tpu.memory_space<vmem>>
      %dma_start3A_145 = arith.constant 0 : i32
      %dma_start3A_146 = arith.constant 0 : i32
      %dma_start3A_147 = tpu.memref_slice %arg6[%dma_start3A_145, %dma_start3A_146] : memref<10240x128xf32, #tpu.memory_space<vmem_shared>> -> memref<10240x128xf32, #tpu.memory_space<vmem_shared>>
      tpu.enqueue_indirect_dma source(%arg5 : memref<80x128xf32, #tpu.memory_space<vmem>>) target(%dma_start3A_147 : memref<10240x128xf32, #tpu.memory_space<vmem_shared>>) offsets(%dma_start3A_144 : memref<80xi32, #tpu.memory_space<vmem>>) semaphore(%arg7 : memref<!tpu.dma_semaphore, #tpu.memory_space<semaphore_mem>>) {add = true}
      %mul3A_148 = arith.constant 25 : i32
      %mul3A_149 = arith.muli %scan3A_58, %mul3A_148 : i32
      %add3A_150 = arith.constant 9 : i32
      %add3A_151 = arith.addi %mul3A_149, %add3A_150 : i32
      %mul3A_152 = arith.constant 80 : i32
      %mul3A_153 = arith.muli %add3A_151, %mul3A_152 : i32
      %dma_start3A_154 = tpu.memref_slice %arg4[%mul3A_153] : memref<10000xi32, #tpu.memory_space<vmem>> -> memref<80xi32, #tpu.memory_space<vmem>>
      %dma_start3A_155 = arith.constant 0 : i32
      %dma_start3A_156 = arith.constant 0 : i32
      %dma_start3A_157 = tpu.memref_slice %arg6[%dma_start3A_155, %dma_start3A_156] : memref<10240x128xf32, #tpu.memory_space<vmem_shared>> -> memref<10240x128xf32, #tpu.memory_space<vmem_shared>>
      tpu.enqueue_indirect_dma source(%arg5 : memref<80x128xf32, #tpu.memory_space<vmem>>) target(%dma_start3A_157 : memref<10240x128xf32, #tpu.memory_space<vmem_shared>>) offsets(%dma_start3A_154 : memref<80xi32, #tpu.memory_space<vmem>>) semaphore(%arg7 : memref<!tpu.dma_semaphore, #tpu.memory_space<semaphore_mem>>) {add = true}
      %mul3A_158 = arith.constant 25 : i32
      %mul3A_159 = arith.muli %scan3A_58, %mul3A_158 : i32
      %add3A_160 = arith.constant 10 : i32
      %add3A_161 = arith.addi %mul3A_159, %add3A_160 : i32
      %mul3A_162 = arith.constant 80 : i32
      %mul3A_163 = arith.muli %add3A_161, %mul3A_162 : i32
      %dma_start3A_164 = tpu.memref_slice %arg4[%mul3A_163] : memref<10000xi32, #tpu.memory_space<vmem>> -> memref<80xi32, #tpu.memory_space<vmem>>
      %dma_start3A_165 = arith.constant 0 : i32
      %dma_start3A_166 = arith.constant 0 : i32
      %dma_start3A_167 = tpu.memref_slice %arg6[%dma_start3A_165, %dma_start3A_166] : memref<10240x128xf32, #tpu.memory_space<vmem_shared>> -> memref<10240x128xf32, #tpu.memory_space<vmem_shared>>
      tpu.enqueue_indirect_dma source(%arg5 : memref<80x128xf32, #tpu.memory_space<vmem>>) target(%dma_start3A_167 : memref<10240x128xf32, #tpu.memory_space<vmem_shared>>) offsets(%dma_start3A_164 : memref<80xi32, #tpu.memory_space<vmem>>) semaphore(%arg7 : memref<!tpu.dma_semaphore, #tpu.memory_space<semaphore_mem>>) {add = true}
      %mul3A_168 = arith.constant 25 : i32
      %mul3A_169 = arith.muli %scan3A_58, %mul3A_168 : i32
      %add3A_170 = arith.constant 11 : i32
      %add3A_171 = arith.addi %mul3A_169, %add3A_170 : i32
      %mul3A_172 = arith.constant 80 : i32
      %mul3A_173 = arith.muli %add3A_171, %mul3A_172 : i32
      %dma_start3A_174 = tpu.memref_slice %arg4[%mul3A_173] : memref<10000xi32, #tpu.memory_space<vmem>> -> memref<80xi32, #tpu.memory_space<vmem>>
      %dma_start3A_175 = arith.constant 0 : i32
      %dma_start3A_176 = arith.constant 0 : i32
      %dma_start3A_177 = tpu.memref_slice %arg6[%dma_start3A_175, %dma_start3A_176] : memref<10240x128xf32, #tpu.memory_space<vmem_shared>> -> memref<10240x128xf32, #tpu.memory_space<vmem_shared>>
      tpu.enqueue_indirect_dma source(%arg5 : memref<80x128xf32, #tpu.memory_space<vmem>>) target(%dma_start3A_177 : memref<10240x128xf32, #tpu.memory_space<vmem_shared>>) offsets(%dma_start3A_174 : memref<80xi32, #tpu.memory_space<vmem>>) semaphore(%arg7 : memref<!tpu.dma_semaphore, #tpu.memory_space<semaphore_mem>>) {add = true}
      %mul3A_178 = arith.constant 25 : i32
      %mul3A_179 = arith.muli %scan3A_58, %mul3A_178 : i32
      %add3A_180 = arith.constant 12 : i32
      %add3A_181 = arith.addi %mul3A_179, %add3A_180 : i32
      %mul3A_182 = arith.constant 80 : i32
      %mul3A_183 = arith.muli %add3A_181, %mul3A_182 : i32
      %dma_start3A_184 = tpu.memref_slice %arg4[%mul3A_183] : memref<10000xi32, #tpu.memory_space<vmem>> -> memref<80xi32, #tpu.memory_space<vmem>>
      %dma_start3A_185 = arith.constant 0 : i32
      %dma_start3A_186 = arith.constant 0 : i32
      %dma_start3A_187 = tpu.memref_slice %arg6[%dma_start3A_185, %dma_start3A_186] : memref<10240x128xf32, #tpu.memory_space<vmem_shared>> -> memref<10240x128xf32, #tpu.memory_space<vmem_shared>>
      tpu.enqueue_indirect_dma source(%arg5 : memref<80x128xf32, #tpu.memory_space<vmem>>) target(%dma_start3A_187 : memref<10240x128xf32, #tpu.memory_space<vmem_shared>>) offsets(%dma_start3A_184 : memref<80xi32, #tpu.memory_space<vmem>>) semaphore(%arg7 : memref<!tpu.dma_semaphore, #tpu.memory_space<semaphore_mem>>) {add = true}
      %mul3A_188 = arith.constant 25 : i32
      %mul3A_189 = arith.muli %scan3A_58, %mul3A_188 : i32
      %add3A_190 = arith.constant 13 : i32
      %add3A_191 = arith.addi %mul3A_189, %add3A_190 : i32
      %mul3A_192 = arith.constant 80 : i32
      %mul3A_193 = arith.muli %add3A_191, %mul3A_192 : i32
      %dma_start3A_194 = tpu.memref_slice %arg4[%mul3A_193] : memref<10000xi32, #tpu.memory_space<vmem>> -> memref<80xi32, #tpu.memory_space<vmem>>
      %dma_start3A_195 = arith.constant 0 : i32
      %dma_start3A_196 = arith.constant 0 : i32
      %dma_start3A_197 = tpu.memref_slice %arg6[%dma_start3A_195, %dma_start3A_196] : memref<10240x128xf32, #tpu.memory_space<vmem_shared>> -> memref<10240x128xf32, #tpu.memory_space<vmem_shared>>
      tpu.enqueue_indirect_dma source(%arg5 : memref<80x128xf32, #tpu.memory_space<vmem>>) target(%dma_start3A_197 : memref<10240x128xf32, #tpu.memory_space<vmem_shared>>) offsets(%dma_start3A_194 : memref<80xi32, #tpu.memory_space<vmem>>) semaphore(%arg7 : memref<!tpu.dma_semaphore, #tpu.memory_space<semaphore_mem>>) {add = true}
      %mul3A_198 = arith.constant 25 : i32
      %mul3A_199 = arith.muli %scan3A_58, %mul3A_198 : i32
      %add3A_200 = arith.constant 14 : i32
      %add3A_201 = arith.addi %mul3A_199, %add3A_200 : i32
      %mul3A_202 = arith.constant 80 : i32
      %mul3A_203 = arith.muli %add3A_201, %mul3A_202 : i32
      %dma_start3A_204 = tpu.memref_slice %arg4[%mul3A_203] : memref<10000xi32, #tpu.memory_space<vmem>> -> memref<80xi32, #tpu.memory_space<vmem>>
      %dma_start3A_205 = arith.constant 0 : i32
      %dma_start3A_206 = arith.constant 0 : i32
      %dma_start3A_207 = tpu.memref_slice %arg6[%dma_start3A_205, %dma_start3A_206] : memref<10240x128xf32, #tpu.memory_space<vmem_shared>> -> memref<10240x128xf32, #tpu.memory_space<vmem_shared>>
      tpu.enqueue_indirect_dma source(%arg5 : memref<80x128xf32, #tpu.memory_space<vmem>>) target(%dma_start3A_207 : memref<10240x128xf32, #tpu.memory_space<vmem_shared>>) offsets(%dma_start3A_204 : memref<80xi32, #tpu.memory_space<vmem>>) semaphore(%arg7 : memref<!tpu.dma_semaphore, #tpu.memory_space<semaphore_mem>>) {add = true}
      %mul3A_208 = arith.constant 25 : i32
      %mul3A_209 = arith.muli %scan3A_58, %mul3A_208 : i32
      %add3A_210 = arith.constant 15 : i32
      %add3A_211 = arith.addi %mul3A_209, %add3A_210 : i32
      %mul3A_212 = arith.constant 80 : i32
      %mul3A_213 = arith.muli %add3A_211, %mul3A_212 : i32
      %dma_start3A_214 = tpu.memref_slice %arg4[%mul3A_213] : memref<10000xi32, #tpu.memory_space<vmem>> -> memref<80xi32, #tpu.memory_space<vmem>>
      %dma_start3A_215 = arith.constant 0 : i32
      %dma_start3A_216 = arith.constant 0 : i32
      %dma_start3A_217 = tpu.memref_slice %arg6[%dma_start3A_215, %dma_start3A_216] : memref<10240x128xf32, #tpu.memory_space<vmem_shared>> -> memref<10240x128xf32, #tpu.memory_space<vmem_shared>>
      tpu.enqueue_indirect_dma source(%arg5 : memref<80x128xf32, #tpu.memory_space<vmem>>) target(%dma_start3A_217 : memref<10240x128xf32, #tpu.memory_space<vmem_shared>>) offsets(%dma_start3A_214 : memref<80xi32, #tpu.memory_space<vmem>>) semaphore(%arg7 : memref<!tpu.dma_semaphore, #tpu.memory_space<semaphore_mem>>) {add = true}
      %mul3A_218 = arith.constant 25 : i32
      %mul3A_219 = arith.muli %scan3A_58, %mul3A_218 : i32
      %add3A_220 = arith.constant 16 : i32
      %add3A_221 = arith.addi %mul3A_219, %add3A_220 : i32
      %mul3A_222 = arith.constant 80 : i32
      %mul3A_223 = arith.muli %add3A_221, %mul3A_222 : i32
      %dma_start3A_224 = tpu.memref_slice %arg4[%mul3A_223] : memref<10000xi32, #tpu.memory_space<vmem>> -> memref<80xi32, #tpu.memory_space<vmem>>
      %dma_start3A_225 = arith.constant 0 : i32
      %dma_start3A_226 = arith.constant 0 : i32
      %dma_start3A_227 = tpu.memref_slice %arg6[%dma_start3A_225, %dma_start3A_226] : memref<10240x128xf32, #tpu.memory_space<vmem_shared>> -> memref<10240x128xf32, #tpu.memory_space<vmem_shared>>
      tpu.enqueue_indirect_dma source(%arg5 : memref<80x128xf32, #tpu.memory_space<vmem>>) target(%dma_start3A_227 : memref<10240x128xf32, #tpu.memory_space<vmem_shared>>) offsets(%dma_start3A_224 : memref<80xi32, #tpu.memory_space<vmem>>) semaphore(%arg7 : memref<!tpu.dma_semaphore, #tpu.memory_space<semaphore_mem>>) {add = true}
      %mul3A_228 = arith.constant 25 : i32
      %mul3A_229 = arith.muli %scan3A_58, %mul3A_228 : i32
      %add3A_230 = arith.constant 17 : i32
      %add3A_231 = arith.addi %mul3A_229, %add3A_230 : i32
      %mul3A_232 = arith.constant 80 : i32
      %mul3A_233 = arith.muli %add3A_231, %mul3A_232 : i32
      %dma_start3A_234 = tpu.memref_slice %arg4[%mul3A_233] : memref<10000xi32, #tpu.memory_space<vmem>> -> memref<80xi32, #tpu.memory_space<vmem>>
      %dma_start3A_235 = arith.constant 0 : i32
      %dma_start3A_236 = arith.constant 0 : i32
      %dma_start3A_237 = tpu.memref_slice %arg6[%dma_start3A_235, %dma_start3A_236] : memref<10240x128xf32, #tpu.memory_space<vmem_shared>> -> memref<10240x128xf32, #tpu.memory_space<vmem_shared>>
      tpu.enqueue_indirect_dma source(%arg5 : memref<80x128xf32, #tpu.memory_space<vmem>>) target(%dma_start3A_237 : memref<10240x128xf32, #tpu.memory_space<vmem_shared>>) offsets(%dma_start3A_234 : memref<80xi32, #tpu.memory_space<vmem>>) semaphore(%arg7 : memref<!tpu.dma_semaphore, #tpu.memory_space<semaphore_mem>>) {add = true}
      %mul3A_238 = arith.constant 25 : i32
      %mul3A_239 = arith.muli %scan3A_58, %mul3A_238 : i32
      %add3A_240 = arith.constant 18 : i32
      %add3A_241 = arith.addi %mul3A_239, %add3A_240 : i32
      %mul3A_242 = arith.constant 80 : i32
      %mul3A_243 = arith.muli %add3A_241, %mul3A_242 : i32
      %dma_start3A_244 = tpu.memref_slice %arg4[%mul3A_243] : memref<10000xi32, #tpu.memory_space<vmem>> -> memref<80xi32, #tpu.memory_space<vmem>>
      %dma_start3A_245 = arith.constant 0 : i32
      %dma_start3A_246 = arith.constant 0 : i32
      %dma_start3A_247 = tpu.memref_slice %arg6[%dma_start3A_245, %dma_start3A_246] : memref<10240x128xf32, #tpu.memory_space<vmem_shared>> -> memref<10240x128xf32, #tpu.memory_space<vmem_shared>>
      tpu.enqueue_indirect_dma source(%arg5 : memref<80x128xf32, #tpu.memory_space<vmem>>) target(%dma_start3A_247 : memref<10240x128xf32, #tpu.memory_space<vmem_shared>>) offsets(%dma_start3A_244 : memref<80xi32, #tpu.memory_space<vmem>>) semaphore(%arg7 : memref<!tpu.dma_semaphore, #tpu.memory_space<semaphore_mem>>) {add = true}
      %mul3A_248 = arith.constant 25 : i32
      %mul3A_249 = arith.muli %scan3A_58, %mul3A_248 : i32
      %add3A_250 = arith.constant 19 : i32
      %add3A_251 = arith.addi %mul3A_249, %add3A_250 : i32
      %mul3A_252 = arith.constant 80 : i32
      %mul3A_253 = arith.muli %add3A_251, %mul3A_252 : i32
      %dma_start3A_254 = tpu.memref_slice %arg4[%mul3A_253] : memref<10000xi32, #tpu.memory_space<vmem>> -> memref<80xi32, #tpu.memory_space<vmem>>
      %dma_start3A_255 = arith.constant 0 : i32
      %dma_start3A_256 = arith.constant 0 : i32
      %dma_start3A_257 = tpu.memref_slice %arg6[%dma_start3A_255, %dma_start3A_256] : memref<10240x128xf32, #tpu.memory_space<vmem_shared>> -> memref<10240x128xf32, #tpu.memory_space<vmem_shared>>
      tpu.enqueue_indirect_dma source(%arg5 : memref<80x128xf32, #tpu.memory_space<vmem>>) target(%dma_start3A_257 : memref<10240x128xf32, #tpu.memory_space<vmem_shared>>) offsets(%dma_start3A_254 : memref<80xi32, #tpu.memory_space<vmem>>) semaphore(%arg7 : memref<!tpu.dma_semaphore, #tpu.memory_space<semaphore_mem>>) {add = true}
      %mul3A_258 = arith.constant 25 : i32
      %mul3A_259 = arith.muli %scan3A_58, %mul3A_258 : i32
      %add3A_260 = arith.constant 20 : i32
      %add3A_261 = arith.addi %mul3A_259, %add3A_260 : i32
      %mul3A_262 = arith.constant 80 : i32
      %mul3A_263 = arith.muli %add3A_261, %mul3A_262 : i32
      %dma_start3A_264 = tpu.memref_slice %arg4[%mul3A_263] : memref<10000xi32, #tpu.memory_space<vmem>> -> memref<80xi32, #tpu.memory_space<vmem>>
      %dma_start3A_265 = arith.constant 0 : i32
      %dma_start3A_266 = arith.constant 0 : i32
      %dma_start3A_267 = tpu.memref_slice %arg6[%dma_start3A_265, %dma_start3A_266] : memref<10240x128xf32, #tpu.memory_space<vmem_shared>> -> memref<10240x128xf32, #tpu.memory_space<vmem_shared>>
      tpu.enqueue_indirect_dma source(%arg5 : memref<80x128xf32, #tpu.memory_space<vmem>>) target(%dma_start3A_267 : memref<10240x128xf32, #tpu.memory_space<vmem_shared>>) offsets(%dma_start3A_264 : memref<80xi32, #tpu.memory_space<vmem>>) semaphore(%arg7 : memref<!tpu.dma_semaphore, #tpu.memory_space<semaphore_mem>>) {add = true}
      %mul3A_268 = arith.constant 25 : i32
      %mul3A_269 = arith.muli %scan3A_58, %mul3A_268 : i32
      %add3A_270 = arith.constant 21 : i32
      %add3A_271 = arith.addi %mul3A_269, %add3A_270 : i32
      %mul3A_272 = arith.constant 80 : i32
      %mul3A_273 = arith.muli %add3A_271, %mul3A_272 : i32
      %dma_start3A_274 = tpu.memref_slice %arg4[%mul3A_273] : memref<10000xi32, #tpu.memory_space<vmem>> -> memref<80xi32, #tpu.memory_space<vmem>>
      %dma_start3A_275 = arith.constant 0 : i32
      %dma_start3A_276 = arith.constant 0 : i32
      %dma_start3A_277 = tpu.memref_slice %arg6[%dma_start3A_275, %dma_start3A_276] : memref<10240x128xf32, #tpu.memory_space<vmem_shared>> -> memref<10240x128xf32, #tpu.memory_space<vmem_shared>>
      tpu.enqueue_indirect_dma source(%arg5 : memref<80x128xf32, #tpu.memory_space<vmem>>) target(%dma_start3A_277 : memref<10240x128xf32, #tpu.memory_space<vmem_shared>>) offsets(%dma_start3A_274 : memref<80xi32, #tpu.memory_space<vmem>>) semaphore(%arg7 : memref<!tpu.dma_semaphore, #tpu.memory_space<semaphore_mem>>) {add = true}
      %mul3A_278 = arith.constant 25 : i32
      %mul3A_279 = arith.muli %scan3A_58, %mul3A_278 : i32
      %add3A_280 = arith.constant 22 : i32
      %add3A_281 = arith.addi %mul3A_279, %add3A_280 : i32
      %mul3A_282 = arith.constant 80 : i32
      %mul3A_283 = arith.muli %add3A_281, %mul3A_282 : i32
      %dma_start3A_284 = tpu.memref_slice %arg4[%mul3A_283] : memref<10000xi32, #tpu.memory_space<vmem>> -> memref<80xi32, #tpu.memory_space<vmem>>
      %dma_start3A_285 = arith.constant 0 : i32
      %dma_start3A_286 = arith.constant 0 : i32
      %dma_start3A_287 = tpu.memref_slice %arg6[%dma_start3A_285, %dma_start3A_286] : memref<10240x128xf32, #tpu.memory_space<vmem_shared>> -> memref<10240x128xf32, #tpu.memory_space<vmem_shared>>
      tpu.enqueue_indirect_dma source(%arg5 : memref<80x128xf32, #tpu.memory_space<vmem>>) target(%dma_start3A_287 : memref<10240x128xf32, #tpu.memory_space<vmem_shared>>) offsets(%dma_start3A_284 : memref<80xi32, #tpu.memory_space<vmem>>) semaphore(%arg7 : memref<!tpu.dma_semaphore, #tpu.memory_space<semaphore_mem>>) {add = true}
      %mul3A_288 = arith.constant 25 : i32
      %mul3A_289 = arith.muli %scan3A_58, %mul3A_288 : i32
      %add3A_290 = arith.constant 23 : i32
      %add3A_291 = arith.addi %mul3A_289, %add3A_290 : i32
      %mul3A_292 = arith.constant 80 : i32
      %mul3A_293 = arith.muli %add3A_291, %mul3A_292 : i32
      %dma_start3A_294 = tpu.memref_slice %arg4[%mul3A_293] : memref<10000xi32, #tpu.memory_space<vmem>> -> memref<80xi32, #tpu.memory_space<vmem>>
      %dma_start3A_295 = arith.constant 0 : i32
      %dma_start3A_296 = arith.constant 0 : i32
      %dma_start3A_297 = tpu.memref_slice %arg6[%dma_start3A_295, %dma_start3A_296] : memref<10240x128xf32, #tpu.memory_space<vmem_shared>> -> memref<10240x128xf32, #tpu.memory_space<vmem_shared>>
      tpu.enqueue_indirect_dma source(%arg5 : memref<80x128xf32, #tpu.memory_space<vmem>>) target(%dma_start3A_297 : memref<10240x128xf32, #tpu.memory_space<vmem_shared>>) offsets(%dma_start3A_294 : memref<80xi32, #tpu.memory_space<vmem>>) semaphore(%arg7 : memref<!tpu.dma_semaphore, #tpu.memory_space<semaphore_mem>>) {add = true}
      %mul3A_298 = arith.constant 25 : i32
      %mul3A_299 = arith.muli %scan3A_58, %mul3A_298 : i32
      %add3A_300 = arith.constant 24 : i32
      %add3A_301 = arith.addi %mul3A_299, %add3A_300 : i32
      %mul3A_302 = arith.constant 80 : i32
      %mul3A_303 = arith.muli %add3A_301, %mul3A_302 : i32
      %dma_start3A_304 = tpu.memref_slice %arg4[%mul3A_303] : memref<10000xi32, #tpu.memory_space<vmem>> -> memref<80xi32, #tpu.memory_space<vmem>>
      %dma_start3A_305 = arith.constant 0 : i32
      %dma_start3A_306 = arith.constant 0 : i32
      %dma_start3A_307 = tpu.memref_slice %arg6[%dma_start3A_305, %dma_start3A_306] : memref<10240x128xf32, #tpu.memory_space<vmem_shared>> -> memref<10240x128xf32, #tpu.memory_space<vmem_shared>>
      tpu.enqueue_indirect_dma source(%arg5 : memref<80x128xf32, #tpu.memory_space<vmem>>) target(%dma_start3A_307 : memref<10240x128xf32, #tpu.memory_space<vmem_shared>>) offsets(%dma_start3A_304 : memref<80xi32, #tpu.memory_space<vmem>>) semaphore(%arg7 : memref<!tpu.dma_semaphore, #tpu.memory_space<semaphore_mem>>) {add = true}
      %mul3A_308 = arith.constant 25 : i32
      %mul3A_309 = arith.muli %scan3A_58, %mul3A_308 : i32
      %add3A_310 = arith.constant 0 : i32
      %add3A_311 = arith.addi %mul3A_309, %add3A_310 : i32
      %mul3A_312 = arith.constant 80 : i32
      %mul3A_313 = arith.muli %add3A_311, %mul3A_312 : i32
      %dma_wait3A = tpu.memref_slice %arg4[%mul3A_313] : memref<10000xi32, #tpu.memory_space<vmem>> -> memref<80xi32, #tpu.memory_space<vmem>>
      %dma_wait3A_314 = arith.constant 0 : i32
      %dma_wait3A_315 = arith.constant 0 : i32
      %dma_wait3A_316 = tpu.memref_slice %arg6[%dma_wait3A_314, %dma_wait3A_315] : memref<10240x128xf32, #tpu.memory_space<vmem_shared>> -> memref<10240x128xf32, #tpu.memory_space<vmem_shared>>
      tpu.wait_indirect_dma semaphore(%arg7 : memref<!tpu.dma_semaphore, #tpu.memory_space<semaphore_mem>>) src(%arg5 : memref<80x128xf32, #tpu.memory_space<vmem>>) dst(%dma_wait3A_316 : memref<10240x128xf32, #tpu.memory_space<vmem_shared>>)
      %mul3A_317 = arith.constant 25 : i32
      %mul3A_318 = arith.muli %scan3A_58, %mul3A_317 : i32
      %add3A_319 = arith.constant 1 : i32
      %add3A_320 = arith.addi %mul3A_318, %add3A_319 : i32
      %mul3A_321 = arith.constant 80 : i32
      %mul3A_322 = arith.muli %add3A_320, %mul3A_321 : i32
      %dma_wait3A_323 = tpu.memref_slice %arg4[%mul3A_322] : memref<10000xi32, #tpu.memory_space<vmem>> -> memref<80xi32, #tpu.memory_space<vmem>>
      %dma_wait3A_324 = arith.constant 0 : i32
      %dma_wait3A_325 = arith.constant 0 : i32
      %dma_wait3A_326 = tpu.memref_slice %arg6[%dma_wait3A_324, %dma_wait3A_325] : memref<10240x128xf32, #tpu.memory_space<vmem_shared>> -> memref<10240x128xf32, #tpu.memory_space<vmem_shared>>
      tpu.wait_indirect_dma semaphore(%arg7 : memref<!tpu.dma_semaphore, #tpu.memory_space<semaphore_mem>>) src(%arg5 : memref<80x128xf32, #tpu.memory_space<vmem>>) dst(%dma_wait3A_326 : memref<10240x128xf32, #tpu.memory_space<vmem_shared>>)
      %mul3A_327 = arith.constant 25 : i32
      %mul3A_328 = arith.muli %scan3A_58, %mul3A_327 : i32
      %add3A_329 = arith.constant 2 : i32
      %add3A_330 = arith.addi %mul3A_328, %add3A_329 : i32
      %mul3A_331 = arith.constant 80 : i32
      %mul3A_332 = arith.muli %add3A_330, %mul3A_331 : i32
      %dma_wait3A_333 = tpu.memref_slice %arg4[%mul3A_332] : memref<10000xi32, #tpu.memory_space<vmem>> -> memref<80xi32, #tpu.memory_space<vmem>>
      %dma_wait3A_334 = arith.constant 0 : i32
      %dma_wait3A_335 = arith.constant 0 : i32
      %dma_wait3A_336 = tpu.memref_slice %arg6[%dma_wait3A_334, %dma_wait3A_335] : memref<10240x128xf32, #tpu.memory_space<vmem_shared>> -> memref<10240x128xf32, #tpu.memory_space<vmem_shared>>
      tpu.wait_indirect_dma semaphore(%arg7 : memref<!tpu.dma_semaphore, #tpu.memory_space<semaphore_mem>>) src(%arg5 : memref<80x128xf32, #tpu.memory_space<vmem>>) dst(%dma_wait3A_336 : memref<10240x128xf32, #tpu.memory_space<vmem_shared>>)
      %mul3A_337 = arith.constant 25 : i32
      %mul3A_338 = arith.muli %scan3A_58, %mul3A_337 : i32
      %add3A_339 = arith.constant 3 : i32
      %add3A_340 = arith.addi %mul3A_338, %add3A_339 : i32
      %mul3A_341 = arith.constant 80 : i32
      %mul3A_342 = arith.muli %add3A_340, %mul3A_341 : i32
      %dma_wait3A_343 = tpu.memref_slice %arg4[%mul3A_342] : memref<10000xi32, #tpu.memory_space<vmem>> -> memref<80xi32, #tpu.memory_space<vmem>>
      %dma_wait3A_344 = arith.constant 0 : i32
      %dma_wait3A_345 = arith.constant 0 : i32
      %dma_wait3A_346 = tpu.memref_slice %arg6[%dma_wait3A_344, %dma_wait3A_345] : memref<10240x128xf32, #tpu.memory_space<vmem_shared>> -> memref<10240x128xf32, #tpu.memory_space<vmem_shared>>
      tpu.wait_indirect_dma semaphore(%arg7 : memref<!tpu.dma_semaphore, #tpu.memory_space<semaphore_mem>>) src(%arg5 : memref<80x128xf32, #tpu.memory_space<vmem>>) dst(%dma_wait3A_346 : memref<10240x128xf32, #tpu.memory_space<vmem_shared>>)
      %mul3A_347 = arith.constant 25 : i32
      %mul3A_348 = arith.muli %scan3A_58, %mul3A_347 : i32
      %add3A_349 = arith.constant 4 : i32
      %add3A_350 = arith.addi %mul3A_348, %add3A_349 : i32
      %mul3A_351 = arith.constant 80 : i32
      %mul3A_352 = arith.muli %add3A_350, %mul3A_351 : i32
      %dma_wait3A_353 = tpu.memref_slice %arg4[%mul3A_352] : memref<10000xi32, #tpu.memory_space<vmem>> -> memref<80xi32, #tpu.memory_space<vmem>>
      %dma_wait3A_354 = arith.constant 0 : i32
      %dma_wait3A_355 = arith.constant 0 : i32
      %dma_wait3A_356 = tpu.memref_slice %arg6[%dma_wait3A_354, %dma_wait3A_355] : memref<10240x128xf32, #tpu.memory_space<vmem_shared>> -> memref<10240x128xf32, #tpu.memory_space<vmem_shared>>
      tpu.wait_indirect_dma semaphore(%arg7 : memref<!tpu.dma_semaphore, #tpu.memory_space<semaphore_mem>>) src(%arg5 : memref<80x128xf32, #tpu.memory_space<vmem>>) dst(%dma_wait3A_356 : memref<10240x128xf32, #tpu.memory_space<vmem_shared>>)
      %mul3A_357 = arith.constant 25 : i32
      %mul3A_358 = arith.muli %scan3A_58, %mul3A_357 : i32
      %add3A_359 = arith.constant 5 : i32
      %add3A_360 = arith.addi %mul3A_358, %add3A_359 : i32
      %mul3A_361 = arith.constant 80 : i32
      %mul3A_362 = arith.muli %add3A_360, %mul3A_361 : i32
      %dma_wait3A_363 = tpu.memref_slice %arg4[%mul3A_362] : memref<10000xi32, #tpu.memory_space<vmem>> -> memref<80xi32, #tpu.memory_space<vmem>>
      %dma_wait3A_364 = arith.constant 0 : i32
      %dma_wait3A_365 = arith.constant 0 : i32
      %dma_wait3A_366 = tpu.memref_slice %arg6[%dma_wait3A_364, %dma_wait3A_365] : memref<10240x128xf32, #tpu.memory_space<vmem_shared>> -> memref<10240x128xf32, #tpu.memory_space<vmem_shared>>
      tpu.wait_indirect_dma semaphore(%arg7 : memref<!tpu.dma_semaphore, #tpu.memory_space<semaphore_mem>>) src(%arg5 : memref<80x128xf32, #tpu.memory_space<vmem>>) dst(%dma_wait3A_366 : memref<10240x128xf32, #tpu.memory_space<vmem_shared>>)
      %mul3A_367 = arith.constant 25 : i32
      %mul3A_368 = arith.muli %scan3A_58, %mul3A_367 : i32
      %add3A_369 = arith.constant 6 : i32
      %add3A_370 = arith.addi %mul3A_368, %add3A_369 : i32
      %mul3A_371 = arith.constant 80 : i32
      %mul3A_372 = arith.muli %add3A_370, %mul3A_371 : i32
      %dma_wait3A_373 = tpu.memref_slice %arg4[%mul3A_372] : memref<10000xi32, #tpu.memory_space<vmem>> -> memref<80xi32, #tpu.memory_space<vmem>>
      %dma_wait3A_374 = arith.constant 0 : i32
      %dma_wait3A_375 = arith.constant 0 : i32
      %dma_wait3A_376 = tpu.memref_slice %arg6[%dma_wait3A_374, %dma_wait3A_375] : memref<10240x128xf32, #tpu.memory_space<vmem_shared>> -> memref<10240x128xf32, #tpu.memory_space<vmem_shared>>
      tpu.wait_indirect_dma semaphore(%arg7 : memref<!tpu.dma_semaphore, #tpu.memory_space<semaphore_mem>>) src(%arg5 : memref<80x128xf32, #tpu.memory_space<vmem>>) dst(%dma_wait3A_376 : memref<10240x128xf32, #tpu.memory_space<vmem_shared>>)
      %mul3A_377 = arith.constant 25 : i32
      %mul3A_378 = arith.muli %scan3A_58, %mul3A_377 : i32
      %add3A_379 = arith.constant 7 : i32
      %add3A_380 = arith.addi %mul3A_378, %add3A_379 : i32
      %mul3A_381 = arith.constant 80 : i32
      %mul3A_382 = arith.muli %add3A_380, %mul3A_381 : i32
      %dma_wait3A_383 = tpu.memref_slice %arg4[%mul3A_382] : memref<10000xi32, #tpu.memory_space<vmem>> -> memref<80xi32, #tpu.memory_space<vmem>>
      %dma_wait3A_384 = arith.constant 0 : i32
      %dma_wait3A_385 = arith.constant 0 : i32
      %dma_wait3A_386 = tpu.memref_slice %arg6[%dma_wait3A_384, %dma_wait3A_385] : memref<10240x128xf32, #tpu.memory_space<vmem_shared>> -> memref<10240x128xf32, #tpu.memory_space<vmem_shared>>
      tpu.wait_indirect_dma semaphore(%arg7 : memref<!tpu.dma_semaphore, #tpu.memory_space<semaphore_mem>>) src(%arg5 : memref<80x128xf32, #tpu.memory_space<vmem>>) dst(%dma_wait3A_386 : memref<10240x128xf32, #tpu.memory_space<vmem_shared>>)
      %mul3A_387 = arith.constant 25 : i32
      %mul3A_388 = arith.muli %scan3A_58, %mul3A_387 : i32
      %add3A_389 = arith.constant 8 : i32
      %add3A_390 = arith.addi %mul3A_388, %add3A_389 : i32
      %mul3A_391 = arith.constant 80 : i32
      %mul3A_392 = arith.muli %add3A_390, %mul3A_391 : i32
      %dma_wait3A_393 = tpu.memref_slice %arg4[%mul3A_392] : memref<10000xi32, #tpu.memory_space<vmem>> -> memref<80xi32, #tpu.memory_space<vmem>>
      %dma_wait3A_394 = arith.constant 0 : i32
      %dma_wait3A_395 = arith.constant 0 : i32
      %dma_wait3A_396 = tpu.memref_slice %arg6[%dma_wait3A_394, %dma_wait3A_395] : memref<10240x128xf32, #tpu.memory_space<vmem_shared>> -> memref<10240x128xf32, #tpu.memory_space<vmem_shared>>
      tpu.wait_indirect_dma semaphore(%arg7 : memref<!tpu.dma_semaphore, #tpu.memory_space<semaphore_mem>>) src(%arg5 : memref<80x128xf32, #tpu.memory_space<vmem>>) dst(%dma_wait3A_396 : memref<10240x128xf32, #tpu.memory_space<vmem_shared>>)
      %mul3A_397 = arith.constant 25 : i32
      %mul3A_398 = arith.muli %scan3A_58, %mul3A_397 : i32
      %add3A_399 = arith.constant 9 : i32
      %add3A_400 = arith.addi %mul3A_398, %add3A_399 : i32
      %mul3A_401 = arith.constant 80 : i32
      %mul3A_402 = arith.muli %add3A_400, %mul3A_401 : i32
      %dma_wait3A_403 = tpu.memref_slice %arg4[%mul3A_402] : memref<10000xi32, #tpu.memory_space<vmem>> -> memref<80xi32, #tpu.memory_space<vmem>>
      %dma_wait3A_404 = arith.constant 0 : i32
      %dma_wait3A_405 = arith.constant 0 : i32
      %dma_wait3A_406 = tpu.memref_slice %arg6[%dma_wait3A_404, %dma_wait3A_405] : memref<10240x128xf32, #tpu.memory_space<vmem_shared>> -> memref<10240x128xf32, #tpu.memory_space<vmem_shared>>
      tpu.wait_indirect_dma semaphore(%arg7 : memref<!tpu.dma_semaphore, #tpu.memory_space<semaphore_mem>>) src(%arg5 : memref<80x128xf32, #tpu.memory_space<vmem>>) dst(%dma_wait3A_406 : memref<10240x128xf32, #tpu.memory_space<vmem_shared>>)
      %mul3A_407 = arith.constant 25 : i32
      %mul3A_408 = arith.muli %scan3A_58, %mul3A_407 : i32
      %add3A_409 = arith.constant 10 : i32
      %add3A_410 = arith.addi %mul3A_408, %add3A_409 : i32
      %mul3A_411 = arith.constant 80 : i32
      %mul3A_412 = arith.muli %add3A_410, %mul3A_411 : i32
      %dma_wait3A_413 = tpu.memref_slice %arg4[%mul3A_412] : memref<10000xi32, #tpu.memory_space<vmem>> -> memref<80xi32, #tpu.memory_space<vmem>>
      %dma_wait3A_414 = arith.constant 0 : i32
      %dma_wait3A_415 = arith.constant 0 : i32
      %dma_wait3A_416 = tpu.memref_slice %arg6[%dma_wait3A_414, %dma_wait3A_415] : memref<10240x128xf32, #tpu.memory_space<vmem_shared>> -> memref<10240x128xf32, #tpu.memory_space<vmem_shared>>
      tpu.wait_indirect_dma semaphore(%arg7 : memref<!tpu.dma_semaphore, #tpu.memory_space<semaphore_mem>>) src(%arg5 : memref<80x128xf32, #tpu.memory_space<vmem>>) dst(%dma_wait3A_416 : memref<10240x128xf32, #tpu.memory_space<vmem_shared>>)
      %mul3A_417 = arith.constant 25 : i32
      %mul3A_418 = arith.muli %scan3A_58, %mul3A_417 : i32
      %add3A_419 = arith.constant 11 : i32
      %add3A_420 = arith.addi %mul3A_418, %add3A_419 : i32
      %mul3A_421 = arith.constant 80 : i32
      %mul3A_422 = arith.muli %add3A_420, %mul3A_421 : i32
      %dma_wait3A_423 = tpu.memref_slice %arg4[%mul3A_422] : memref<10000xi32, #tpu.memory_space<vmem>> -> memref<80xi32, #tpu.memory_space<vmem>>
      %dma_wait3A_424 = arith.constant 0 : i32
      %dma_wait3A_425 = arith.constant 0 : i32
      %dma_wait3A_426 = tpu.memref_slice %arg6[%dma_wait3A_424, %dma_wait3A_425] : memref<10240x128xf32, #tpu.memory_space<vmem_shared>> -> memref<10240x128xf32, #tpu.memory_space<vmem_shared>>
      tpu.wait_indirect_dma semaphore(%arg7 : memref<!tpu.dma_semaphore, #tpu.memory_space<semaphore_mem>>) src(%arg5 : memref<80x128xf32, #tpu.memory_space<vmem>>) dst(%dma_wait3A_426 : memref<10240x128xf32, #tpu.memory_space<vmem_shared>>)
      %mul3A_427 = arith.constant 25 : i32
      %mul3A_428 = arith.muli %scan3A_58, %mul3A_427 : i32
      %add3A_429 = arith.constant 12 : i32
      %add3A_430 = arith.addi %mul3A_428, %add3A_429 : i32
      %mul3A_431 = arith.constant 80 : i32
      %mul3A_432 = arith.muli %add3A_430, %mul3A_431 : i32
      %dma_wait3A_433 = tpu.memref_slice %arg4[%mul3A_432] : memref<10000xi32, #tpu.memory_space<vmem>> -> memref<80xi32, #tpu.memory_space<vmem>>
      %dma_wait3A_434 = arith.constant 0 : i32
      %dma_wait3A_435 = arith.constant 0 : i32
      %dma_wait3A_436 = tpu.memref_slice %arg6[%dma_wait3A_434, %dma_wait3A_435] : memref<10240x128xf32, #tpu.memory_space<vmem_shared>> -> memref<10240x128xf32, #tpu.memory_space<vmem_shared>>
      tpu.wait_indirect_dma semaphore(%arg7 : memref<!tpu.dma_semaphore, #tpu.memory_space<semaphore_mem>>) src(%arg5 : memref<80x128xf32, #tpu.memory_space<vmem>>) dst(%dma_wait3A_436 : memref<10240x128xf32, #tpu.memory_space<vmem_shared>>)
      %mul3A_437 = arith.constant 25 : i32
      %mul3A_438 = arith.muli %scan3A_58, %mul3A_437 : i32
      %add3A_439 = arith.constant 13 : i32
      %add3A_440 = arith.addi %mul3A_438, %add3A_439 : i32
      %mul3A_441 = arith.constant 80 : i32
      %mul3A_442 = arith.muli %add3A_440, %mul3A_441 : i32
      %dma_wait3A_443 = tpu.memref_slice %arg4[%mul3A_442] : memref<10000xi32, #tpu.memory_space<vmem>> -> memref<80xi32, #tpu.memory_space<vmem>>
      %dma_wait3A_444 = arith.constant 0 : i32
      %dma_wait3A_445 = arith.constant 0 : i32
      %dma_wait3A_446 = tpu.memref_slice %arg6[%dma_wait3A_444, %dma_wait3A_445] : memref<10240x128xf32, #tpu.memory_space<vmem_shared>> -> memref<10240x128xf32, #tpu.memory_space<vmem_shared>>
      tpu.wait_indirect_dma semaphore(%arg7 : memref<!tpu.dma_semaphore, #tpu.memory_space<semaphore_mem>>) src(%arg5 : memref<80x128xf32, #tpu.memory_space<vmem>>) dst(%dma_wait3A_446 : memref<10240x128xf32, #tpu.memory_space<vmem_shared>>)
      %mul3A_447 = arith.constant 25 : i32
      %mul3A_448 = arith.muli %scan3A_58, %mul3A_447 : i32
      %add3A_449 = arith.constant 14 : i32
      %add3A_450 = arith.addi %mul3A_448, %add3A_449 : i32
      %mul3A_451 = arith.constant 80 : i32
      %mul3A_452 = arith.muli %add3A_450, %mul3A_451 : i32
      %dma_wait3A_453 = tpu.memref_slice %arg4[%mul3A_452] : memref<10000xi32, #tpu.memory_space<vmem>> -> memref<80xi32, #tpu.memory_space<vmem>>
      %dma_wait3A_454 = arith.constant 0 : i32
      %dma_wait3A_455 = arith.constant 0 : i32
      %dma_wait3A_456 = tpu.memref_slice %arg6[%dma_wait3A_454, %dma_wait3A_455] : memref<10240x128xf32, #tpu.memory_space<vmem_shared>> -> memref<10240x128xf32, #tpu.memory_space<vmem_shared>>
      tpu.wait_indirect_dma semaphore(%arg7 : memref<!tpu.dma_semaphore, #tpu.memory_space<semaphore_mem>>) src(%arg5 : memref<80x128xf32, #tpu.memory_space<vmem>>) dst(%dma_wait3A_456 : memref<10240x128xf32, #tpu.memory_space<vmem_shared>>)
      %mul3A_457 = arith.constant 25 : i32
      %mul3A_458 = arith.muli %scan3A_58, %mul3A_457 : i32
      %add3A_459 = arith.constant 15 : i32
      %add3A_460 = arith.addi %mul3A_458, %add3A_459 : i32
      %mul3A_461 = arith.constant 80 : i32
      %mul3A_462 = arith.muli %add3A_460, %mul3A_461 : i32
      %dma_wait3A_463 = tpu.memref_slice %arg4[%mul3A_462] : memref<10000xi32, #tpu.memory_space<vmem>> -> memref<80xi32, #tpu.memory_space<vmem>>
      %dma_wait3A_464 = arith.constant 0 : i32
      %dma_wait3A_465 = arith.constant 0 : i32
      %dma_wait3A_466 = tpu.memref_slice %arg6[%dma_wait3A_464, %dma_wait3A_465] : memref<10240x128xf32, #tpu.memory_space<vmem_shared>> -> memref<10240x128xf32, #tpu.memory_space<vmem_shared>>
      tpu.wait_indirect_dma semaphore(%arg7 : memref<!tpu.dma_semaphore, #tpu.memory_space<semaphore_mem>>) src(%arg5 : memref<80x128xf32, #tpu.memory_space<vmem>>) dst(%dma_wait3A_466 : memref<10240x128xf32, #tpu.memory_space<vmem_shared>>)
      %mul3A_467 = arith.constant 25 : i32
      %mul3A_468 = arith.muli %scan3A_58, %mul3A_467 : i32
      %add3A_469 = arith.constant 16 : i32
      %add3A_470 = arith.addi %mul3A_468, %add3A_469 : i32
      %mul3A_471 = arith.constant 80 : i32
      %mul3A_472 = arith.muli %add3A_470, %mul3A_471 : i32
      %dma_wait3A_473 = tpu.memref_slice %arg4[%mul3A_472] : memref<10000xi32, #tpu.memory_space<vmem>> -> memref<80xi32, #tpu.memory_space<vmem>>
      %dma_wait3A_474 = arith.constant 0 : i32
      %dma_wait3A_475 = arith.constant 0 : i32
      %dma_wait3A_476 = tpu.memref_slice %arg6[%dma_wait3A_474, %dma_wait3A_475] : memref<10240x128xf32, #tpu.memory_space<vmem_shared>> -> memref<10240x128xf32, #tpu.memory_space<vmem_shared>>
      tpu.wait_indirect_dma semaphore(%arg7 : memref<!tpu.dma_semaphore, #tpu.memory_space<semaphore_mem>>) src(%arg5 : memref<80x128xf32, #tpu.memory_space<vmem>>) dst(%dma_wait3A_476 : memref<10240x128xf32, #tpu.memory_space<vmem_shared>>)
      %mul3A_477 = arith.constant 25 : i32
      %mul3A_478 = arith.muli %scan3A_58, %mul3A_477 : i32
      %add3A_479 = arith.constant 17 : i32
      %add3A_480 = arith.addi %mul3A_478, %add3A_479 : i32
      %mul3A_481 = arith.constant 80 : i32
      %mul3A_482 = arith.muli %add3A_480, %mul3A_481 : i32
      %dma_wait3A_483 = tpu.memref_slice %arg4[%mul3A_482] : memref<10000xi32, #tpu.memory_space<vmem>> -> memref<80xi32, #tpu.memory_space<vmem>>
      %dma_wait3A_484 = arith.constant 0 : i32
      %dma_wait3A_485 = arith.constant 0 : i32
      %dma_wait3A_486 = tpu.memref_slice %arg6[%dma_wait3A_484, %dma_wait3A_485] : memref<10240x128xf32, #tpu.memory_space<vmem_shared>> -> memref<10240x128xf32, #tpu.memory_space<vmem_shared>>
      tpu.wait_indirect_dma semaphore(%arg7 : memref<!tpu.dma_semaphore, #tpu.memory_space<semaphore_mem>>) src(%arg5 : memref<80x128xf32, #tpu.memory_space<vmem>>) dst(%dma_wait3A_486 : memref<10240x128xf32, #tpu.memory_space<vmem_shared>>)
      %mul3A_487 = arith.constant 25 : i32
      %mul3A_488 = arith.muli %scan3A_58, %mul3A_487 : i32
      %add3A_489 = arith.constant 18 : i32
      %add3A_490 = arith.addi %mul3A_488, %add3A_489 : i32
      %mul3A_491 = arith.constant 80 : i32
      %mul3A_492 = arith.muli %add3A_490, %mul3A_491 : i32
      %dma_wait3A_493 = tpu.memref_slice %arg4[%mul3A_492] : memref<10000xi32, #tpu.memory_space<vmem>> -> memref<80xi32, #tpu.memory_space<vmem>>
      %dma_wait3A_494 = arith.constant 0 : i32
      %dma_wait3A_495 = arith.constant 0 : i32
      %dma_wait3A_496 = tpu.memref_slice %arg6[%dma_wait3A_494, %dma_wait3A_495] : memref<10240x128xf32, #tpu.memory_space<vmem_shared>> -> memref<10240x128xf32, #tpu.memory_space<vmem_shared>>
      tpu.wait_indirect_dma semaphore(%arg7 : memref<!tpu.dma_semaphore, #tpu.memory_space<semaphore_mem>>) src(%arg5 : memref<80x128xf32, #tpu.memory_space<vmem>>) dst(%dma_wait3A_496 : memref<10240x128xf32, #tpu.memory_space<vmem_shared>>)
      %mul3A_497 = arith.constant 25 : i32
      %mul3A_498 = arith.muli %scan3A_58, %mul3A_497 : i32
      %add3A_499 = arith.constant 19 : i32
      %add3A_500 = arith.addi %mul3A_498, %add3A_499 : i32
      %mul3A_501 = arith.constant 80 : i32
      %mul3A_502 = arith.muli %add3A_500, %mul3A_501 : i32
      %dma_wait3A_503 = tpu.memref_slice %arg4[%mul3A_502] : memref<10000xi32, #tpu.memory_space<vmem>> -> memref<80xi32, #tpu.memory_space<vmem>>
      %dma_wait3A_504 = arith.constant 0 : i32
      %dma_wait3A_505 = arith.constant 0 : i32
      %dma_wait3A_506 = tpu.memref_slice %arg6[%dma_wait3A_504, %dma_wait3A_505] : memref<10240x128xf32, #tpu.memory_space<vmem_shared>> -> memref<10240x128xf32, #tpu.memory_space<vmem_shared>>
      tpu.wait_indirect_dma semaphore(%arg7 : memref<!tpu.dma_semaphore, #tpu.memory_space<semaphore_mem>>) src(%arg5 : memref<80x128xf32, #tpu.memory_space<vmem>>) dst(%dma_wait3A_506 : memref<10240x128xf32, #tpu.memory_space<vmem_shared>>)
      %mul3A_507 = arith.constant 25 : i32
      %mul3A_508 = arith.muli %scan3A_58, %mul3A_507 : i32
      %add3A_509 = arith.constant 20 : i32
      %add3A_510 = arith.addi %mul3A_508, %add3A_509 : i32
      %mul3A_511 = arith.constant 80 : i32
      %mul3A_512 = arith.muli %add3A_510, %mul3A_511 : i32
      %dma_wait3A_513 = tpu.memref_slice %arg4[%mul3A_512] : memref<10000xi32, #tpu.memory_space<vmem>> -> memref<80xi32, #tpu.memory_space<vmem>>
      %dma_wait3A_514 = arith.constant 0 : i32
      %dma_wait3A_515 = arith.constant 0 : i32
      %dma_wait3A_516 = tpu.memref_slice %arg6[%dma_wait3A_514, %dma_wait3A_515] : memref<10240x128xf32, #tpu.memory_space<vmem_shared>> -> memref<10240x128xf32, #tpu.memory_space<vmem_shared>>
      tpu.wait_indirect_dma semaphore(%arg7 : memref<!tpu.dma_semaphore, #tpu.memory_space<semaphore_mem>>) src(%arg5 : memref<80x128xf32, #tpu.memory_space<vmem>>) dst(%dma_wait3A_516 : memref<10240x128xf32, #tpu.memory_space<vmem_shared>>)
      %mul3A_517 = arith.constant 25 : i32
      %mul3A_518 = arith.muli %scan3A_58, %mul3A_517 : i32
      %add3A_519 = arith.constant 21 : i32
      %add3A_520 = arith.addi %mul3A_518, %add3A_519 : i32
      %mul3A_521 = arith.constant 80 : i32
      %mul3A_522 = arith.muli %add3A_520, %mul3A_521 : i32
      %dma_wait3A_523 = tpu.memref_slice %arg4[%mul3A_522] : memref<10000xi32, #tpu.memory_space<vmem>> -> memref<80xi32, #tpu.memory_space<vmem>>
      %dma_wait3A_524 = arith.constant 0 : i32
      %dma_wait3A_525 = arith.constant 0 : i32
      %dma_wait3A_526 = tpu.memref_slice %arg6[%dma_wait3A_524, %dma_wait3A_525] : memref<10240x128xf32, #tpu.memory_space<vmem_shared>> -> memref<10240x128xf32, #tpu.memory_space<vmem_shared>>
      tpu.wait_indirect_dma semaphore(%arg7 : memref<!tpu.dma_semaphore, #tpu.memory_space<semaphore_mem>>) src(%arg5 : memref<80x128xf32, #tpu.memory_space<vmem>>) dst(%dma_wait3A_526 : memref<10240x128xf32, #tpu.memory_space<vmem_shared>>)
      %mul3A_527 = arith.constant 25 : i32
      %mul3A_528 = arith.muli %scan3A_58, %mul3A_527 : i32
      %add3A_529 = arith.constant 22 : i32
      %add3A_530 = arith.addi %mul3A_528, %add3A_529 : i32
      %mul3A_531 = arith.constant 80 : i32
      %mul3A_532 = arith.muli %add3A_530, %mul3A_531 : i32
      %dma_wait3A_533 = tpu.memref_slice %arg4[%mul3A_532] : memref<10000xi32, #tpu.memory_space<vmem>> -> memref<80xi32, #tpu.memory_space<vmem>>
      %dma_wait3A_534 = arith.constant 0 : i32
      %dma_wait3A_535 = arith.constant 0 : i32
      %dma_wait3A_536 = tpu.memref_slice %arg6[%dma_wait3A_534, %dma_wait3A_535] : memref<10240x128xf32, #tpu.memory_space<vmem_shared>> -> memref<10240x128xf32, #tpu.memory_space<vmem_shared>>
      tpu.wait_indirect_dma semaphore(%arg7 : memref<!tpu.dma_semaphore, #tpu.memory_space<semaphore_mem>>) src(%arg5 : memref<80x128xf32, #tpu.memory_space<vmem>>) dst(%dma_wait3A_536 : memref<10240x128xf32, #tpu.memory_space<vmem_shared>>)
      %mul3A_537 = arith.constant 25 : i32
      %mul3A_538 = arith.muli %scan3A_58, %mul3A_537 : i32
      %add3A_539 = arith.constant 23 : i32
      %add3A_540 = arith.addi %mul3A_538, %add3A_539 : i32
      %mul3A_541 = arith.constant 80 : i32
      %mul3A_542 = arith.muli %add3A_540, %mul3A_541 : i32
      %dma_wait3A_543 = tpu.memref_slice %arg4[%mul3A_542] : memref<10000xi32, #tpu.memory_space<vmem>> -> memref<80xi32, #tpu.memory_space<vmem>>
      %dma_wait3A_544 = arith.constant 0 : i32
      %dma_wait3A_545 = arith.constant 0 : i32
      %dma_wait3A_546 = tpu.memref_slice %arg6[%dma_wait3A_544, %dma_wait3A_545] : memref<10240x128xf32, #tpu.memory_space<vmem_shared>> -> memref<10240x128xf32, #tpu.memory_space<vmem_shared>>
      tpu.wait_indirect_dma semaphore(%arg7 : memref<!tpu.dma_semaphore, #tpu.memory_space<semaphore_mem>>) src(%arg5 : memref<80x128xf32, #tpu.memory_space<vmem>>) dst(%dma_wait3A_546 : memref<10240x128xf32, #tpu.memory_space<vmem_shared>>)
      %mul3A_547 = arith.constant 25 : i32
      %mul3A_548 = arith.muli %scan3A_58, %mul3A_547 : i32
      %add3A_549 = arith.constant 24 : i32
      %add3A_550 = arith.addi %mul3A_548, %add3A_549 : i32
      %mul3A_551 = arith.constant 80 : i32
      %mul3A_552 = arith.muli %add3A_550, %mul3A_551 : i32
      %dma_wait3A_553 = tpu.memref_slice %arg4[%mul3A_552] : memref<10000xi32, #tpu.memory_space<vmem>> -> memref<80xi32, #tpu.memory_space<vmem>>
      %dma_wait3A_554 = arith.constant 0 : i32
      %dma_wait3A_555 = arith.constant 0 : i32
      %dma_wait3A_556 = tpu.memref_slice %arg6[%dma_wait3A_554, %dma_wait3A_555] : memref<10240x128xf32, #tpu.memory_space<vmem_shared>> -> memref<10240x128xf32, #tpu.memory_space<vmem_shared>>
      tpu.wait_indirect_dma semaphore(%arg7 : memref<!tpu.dma_semaphore, #tpu.memory_space<semaphore_mem>>) src(%arg5 : memref<80x128xf32, #tpu.memory_space<vmem>>) dst(%dma_wait3A_556 : memref<10240x128xf32, #tpu.memory_space<vmem_shared>>)
    }
    %scan3A_52 = arith.constant 5 : i32
    %barrier3A_53 = arith.constant 0 : index
    tpu.barrier barrier_id(%barrier3A_53)
    %mul3A_54 = arith.constant 640 : i32
    %mul3A_55 = arith.muli %arg1, %mul3A_54 : i32
    %mul3A_56 = arith.constant 640 : i32
    %mul3A_57 = arith.muli %arg1, %mul3A_56 : i32
    "tpu.region"() ({
      %run_scoped3A = tpu.sem_alloc : memref<!tpu.dma_semaphore, #tpu.memory_space<semaphore_mem>>
      %dma_start3A = arith.constant 0 : i32
      %dma_start3A_58 = tpu.memref_slice %arg3[%arg0, %mul3A_57, %dma_start3A] : memref<2x10240x128xf32, #tpu.memory_space<hbm>> -> memref<1x640x128xf32, #tpu.memory_space<hbm>>
      %dma_start3A_59 = tpu.memref_squeeze %dma_start3A_58 : memref<1x640x128xf32, #tpu.memory_space<hbm>> -> memref<640x128xf32, #tpu.memory_space<hbm>>
      %dma_start3A_60 = arith.constant 0 : i32
      %dma_start3A_61 = tpu.memref_slice %arg6[%mul3A_55, %dma_start3A_60] : memref<10240x128xf32, #tpu.memory_space<vmem_shared>> -> memref<640x128xf32, #tpu.memory_space<vmem_shared>>
      tpu.enqueue_dma source(%dma_start3A_61 : memref<640x128xf32, #tpu.memory_space<vmem_shared>>) target(%dma_start3A_59 : memref<640x128xf32, #tpu.memory_space<hbm>>) target_semaphore(%run_scoped3A : memref<!tpu.dma_semaphore, #tpu.memory_space<semaphore_mem>>)
      %dma_wait3A = arith.constant 0 : i32
      %dma_wait3A_62 = tpu.memref_slice %arg3[%arg0, %mul3A_57, %dma_wait3A] : memref<2x10240x128xf32, #tpu.memory_space<hbm>> -> memref<1x640x128xf32, #tpu.memory_space<hbm>>
      %dma_wait3A_63 = tpu.memref_squeeze %dma_wait3A_62 : memref<1x640x128xf32, #tpu.memory_space<hbm>> -> memref<640x128xf32, #tpu.memory_space<hbm>>
      %dma_wait3A_64 = arith.constant 0 : i32
      %dma_wait3A_65 = tpu.memref_slice %arg6[%mul3A_55, %dma_wait3A_64] : memref<10240x128xf32, #tpu.memory_space<vmem_shared>> -> memref<640x128xf32, #tpu.memory_space<vmem_shared>>
      tpu.wait_dma2 semaphore(%run_scoped3A : memref<!tpu.dma_semaphore, #tpu.memory_space<semaphore_mem>>) src(%dma_wait3A_65 : memref<640x128xf32, #tpu.memory_space<vmem_shared>>) dst(%dma_wait3A_63 : memref<640x128xf32, #tpu.memory_space<hbm>>)
      tpu.yield
    }) : () -> ()
    return
  }
}

#map = affine_map<(d0, d1) -> (0, 0)>
#map1 = affine_map<(d0, d1) -> (0)>
#map2 = affine_map<(d0, d1) -> (0, 0, 0)>
module attributes {stable_mosaic.version = 14 : i64} {
  func.func @_sc_push(%arg0: i32, %arg1: i32, %arg2: memref<20000x128xf32, #tpu.memory_space<hbm>>, %arg3: memref<160000xi32, #tpu.memory_space<hbm>>, %arg4: memref<160000xi32, #tpu.memory_space<hbm>>, %arg5: memref<2x10240x128xf32, #tpu.memory_space<hbm>>, %arg6: memref<10000xi32, #tpu.memory_space<vmem>>, %arg7: memref<10000xi32, #tpu.memory_space<vmem>>, %arg8: memref<40x128xf32, #tpu.memory_space<vmem>>, %arg9: memref<40x128xf32, #tpu.memory_space<vmem>>, %arg10: memref<40x128xf32, #tpu.memory_space<vmem>>, %arg11: memref<40x128xf32, #tpu.memory_space<vmem>>, %arg12: memref<40x128xf32, #tpu.memory_space<vmem>>, %arg13: memref<10240x128xf32, #tpu.memory_space<vmem_shared>>, %arg14: memref<!tpu.dma_semaphore, #tpu.memory_space<semaphore_mem>>, %arg15: memref<!tpu.dma_semaphore, #tpu.memory_space<semaphore_mem>>, %arg16: memref<!tpu.dma_semaphore, #tpu.memory_space<semaphore_mem>>, %arg17: memref<!tpu.dma_semaphore, #tpu.memory_space<semaphore_mem>>, %arg18: memref<!tpu.dma_semaphore, #tpu.memory_space<semaphore_mem>>, %arg19: memref<!tpu.dma_semaphore, #tpu.memory_space<semaphore_mem>>, %arg20: memref<!tpu.dma_semaphore, #tpu.memory_space<semaphore_mem>>, %arg21: memref<!tpu.dma_semaphore, #tpu.memory_space<semaphore_mem>>, %arg22: memref<!tpu.dma_semaphore, #tpu.memory_space<semaphore_mem>>, %arg23: memref<!tpu.dma_semaphore, #tpu.memory_space<semaphore_mem>>) attributes {dimension_semantics = [#tpu.dimension_semantics<core_parallel>, #tpu.dimension_semantics<subcore_parallel>], iteration_bounds = array<i64: 2, 16>, scalar_prefetch = 0 : i64, scratch_operands = 18 : i64, tpu.core_type = #tpu.core_type<sc_vector_subcore>, window_params = [{transform_indices = #map}, {transform_indices = #map1}, {transform_indices = #map1}, {transform_indices = #map2}]} {
    %broadcast_in_dim3A = arith.constant 0.000000e+00 : f32
    %broadcast_in_dim3A_0 = vector.broadcast %broadcast_in_dim3A : f32 to vector<16xf32>
    %scan3A = arith.constant 0 : i32
    %scan3A_1 = arith.constant 0 : i32
    %scan3A_2 = arith.constant 40 : i32
    %scan3A_3 = arith.addi %scan3A_1, %scan3A_2 : i32
    %scan3A_4 = arith.constant 1 : i32
    scf.for %scan3A_119 = %scan3A_1 to %scan3A_3 step %scan3A_4  : i32 {
      %swap3A = arith.index_cast %scan3A_119 : i32 to index
      %swap3A_120 = arith.constant 0 : index
      %swap3A_121 = tpu.vector_load %arg8[%swap3A, %swap3A_120] {strides = array<i32>} : memref<40x128xf32, #tpu.memory_space<vmem>>, vector<1x16xf32>,
      %swap3A_122 = vector.shape_cast %swap3A_121 : vector<1x16xf32> to vector<16xf32>
      %swap3A_123 = vector.shape_cast %broadcast_in_dim3A_0 : vector<16xf32> to vector<1x16xf32>
      tpu.vector_store %arg8[%swap3A, %swap3A_120], %swap3A_123 {strides = array<i32>} : memref<40x128xf32, #tpu.memory_space<vmem>>, vector<1x16xf32>,
      %swap3A_124 = arith.index_cast %scan3A_119 : i32 to index
      %swap3A_125 = arith.constant 16 : index
      %swap3A_126 = tpu.vector_load %arg8[%swap3A_124, %swap3A_125] {strides = array<i32>} : memref<40x128xf32, #tpu.memory_space<vmem>>, vector<1x16xf32>,
      %swap3A_127 = vector.shape_cast %swap3A_126 : vector<1x16xf32> to vector<16xf32>
      %swap3A_128 = vector.shape_cast %broadcast_in_dim3A_0 : vector<16xf32> to vector<1x16xf32>
      tpu.vector_store %arg8[%swap3A_124, %swap3A_125], %swap3A_128 {strides = array<i32>} : memref<40x128xf32, #tpu.memory_space<vmem>>, vector<1x16xf32>,
      %swap3A_129 = arith.index_cast %scan3A_119 : i32 to index
      %swap3A_130 = arith.constant 32 : index
      %swap3A_131 = tpu.vector_load %arg8[%swap3A_129, %swap3A_130] {strides = array<i32>} : memref<40x128xf32, #tpu.memory_space<vmem>>, vector<1x16xf32>,
      %swap3A_132 = vector.shape_cast %swap3A_131 : vector<1x16xf32> to vector<16xf32>
      %swap3A_133 = vector.shape_cast %broadcast_in_dim3A_0 : vector<16xf32> to vector<1x16xf32>
      tpu.vector_store %arg8[%swap3A_129, %swap3A_130], %swap3A_133 {strides = array<i32>} : memref<40x128xf32, #tpu.memory_space<vmem>>, vector<1x16xf32>,
      %swap3A_134 = arith.index_cast %scan3A_119 : i32 to index
      %swap3A_135 = arith.constant 48 : index
      %swap3A_136 = tpu.vector_load %arg8[%swap3A_134, %swap3A_135] {strides = array<i32>} : memref<40x128xf32, #tpu.memory_space<vmem>>, vector<1x16xf32>,
      %swap3A_137 = vector.shape_cast %swap3A_136 : vector<1x16xf32> to vector<16xf32>
      %swap3A_138 = vector.shape_cast %broadcast_in_dim3A_0 : vector<16xf32> to vector<1x16xf32>
      tpu.vector_store %arg8[%swap3A_134, %swap3A_135], %swap3A_138 {strides = array<i32>} : memref<40x128xf32, #tpu.memory_space<vmem>>, vector<1x16xf32>,
      %swap3A_139 = arith.index_cast %scan3A_119 : i32 to index
      %swap3A_140 = arith.constant 64 : index
      %swap3A_141 = tpu.vector_load %arg8[%swap3A_139, %swap3A_140] {strides = array<i32>} : memref<40x128xf32, #tpu.memory_space<vmem>>, vector<1x16xf32>,
      %swap3A_142 = vector.shape_cast %swap3A_141 : vector<1x16xf32> to vector<16xf32>
      %swap3A_143 = vector.shape_cast %broadcast_in_dim3A_0 : vector<16xf32> to vector<1x16xf32>
      tpu.vector_store %arg8[%swap3A_139, %swap3A_140], %swap3A_143 {strides = array<i32>} : memref<40x128xf32, #tpu.memory_space<vmem>>, vector<1x16xf32>,
      %swap3A_144 = arith.index_cast %scan3A_119 : i32 to index
      %swap3A_145 = arith.constant 80 : index
      %swap3A_146 = tpu.vector_load %arg8[%swap3A_144, %swap3A_145] {strides = array<i32>} : memref<40x128xf32, #tpu.memory_space<vmem>>, vector<1x16xf32>,
      %swap3A_147 = vector.shape_cast %swap3A_146 : vector<1x16xf32> to vector<16xf32>
      %swap3A_148 = vector.shape_cast %broadcast_in_dim3A_0 : vector<16xf32> to vector<1x16xf32>
      tpu.vector_store %arg8[%swap3A_144, %swap3A_145], %swap3A_148 {strides = array<i32>} : memref<40x128xf32, #tpu.memory_space<vmem>>, vector<1x16xf32>,
      %swap3A_149 = arith.index_cast %scan3A_119 : i32 to index
      %swap3A_150 = arith.constant 96 : index
      %swap3A_151 = tpu.vector_load %arg8[%swap3A_149, %swap3A_150] {strides = array<i32>} : memref<40x128xf32, #tpu.memory_space<vmem>>, vector<1x16xf32>,
      %swap3A_152 = vector.shape_cast %swap3A_151 : vector<1x16xf32> to vector<16xf32>
      %swap3A_153 = vector.shape_cast %broadcast_in_dim3A_0 : vector<16xf32> to vector<1x16xf32>
      tpu.vector_store %arg8[%swap3A_149, %swap3A_150], %swap3A_153 {strides = array<i32>} : memref<40x128xf32, #tpu.memory_space<vmem>>, vector<1x16xf32>,
      %swap3A_154 = arith.index_cast %scan3A_119 : i32 to index
      %swap3A_155 = arith.constant 112 : index
      %swap3A_156 = tpu.vector_load %arg8[%swap3A_154, %swap3A_155] {strides = array<i32>} : memref<40x128xf32, #tpu.memory_space<vmem>>, vector<1x16xf32>,
      %swap3A_157 = vector.shape_cast %swap3A_156 : vector<1x16xf32> to vector<16xf32>
      %swap3A_158 = vector.shape_cast %broadcast_in_dim3A_0 : vector<16xf32> to vector<1x16xf32>
      tpu.vector_store %arg8[%swap3A_154, %swap3A_155], %swap3A_158 {strides = array<i32>} : memref<40x128xf32, #tpu.memory_space<vmem>>, vector<1x16xf32>,
    }
    %scan3A_5 = arith.constant 40 : i32
    %mul3A = arith.constant 640 : i32
    %mul3A_6 = arith.muli %arg1, %mul3A : i32
    %add3A = arith.constant 0 : i32
    %add3A_7 = arith.addi %mul3A_6, %add3A : i32
    "tpu.region"() ({
      %run_scoped3A = tpu.sem_alloc : memref<!tpu.dma_semaphore, #tpu.memory_space<semaphore_mem>>
      %dma_start3A = arith.constant 0 : i32
      %dma_start3A_119 = tpu.memref_slice %arg13[%add3A_7, %dma_start3A] : memref<10240x128xf32, #tpu.memory_space<vmem_shared>> -> memref<40x128xf32, #tpu.memory_space<vmem_shared>>
      %dma_start3A_120 = arith.constant 0 : i32
      %dma_start3A_121 = tpu.memref_slice %arg13[%add3A_7, %dma_start3A_120] : memref<10240x128xf32, #tpu.memory_space<vmem_shared>> -> memref<40x128xf32, #tpu.memory_space<vmem_shared>>
      tpu.enqueue_dma source(%arg8 : memref<40x128xf32, #tpu.memory_space<vmem>>) target(%dma_start3A_121 : memref<40x128xf32, #tpu.memory_space<vmem_shared>>) target_semaphore(%run_scoped3A : memref<!tpu.dma_semaphore, #tpu.memory_space<semaphore_mem>>)
      %dma_wait3A_122 = arith.constant 0 : i32
      %dma_wait3A_123 = tpu.memref_slice %arg13[%add3A_7, %dma_wait3A_122] : memref<10240x128xf32, #tpu.memory_space<vmem_shared>> -> memref<40x128xf32, #tpu.memory_space<vmem_shared>>
      %dma_wait3A_124 = arith.constant 0 : i32
      %dma_wait3A_125 = tpu.memref_slice %arg13[%add3A_7, %dma_wait3A_124] : memref<10240x128xf32, #tpu.memory_space<vmem_shared>> -> memref<40x128xf32, #tpu.memory_space<vmem_shared>>
      tpu.wait_dma2 semaphore(%run_scoped3A : memref<!tpu.dma_semaphore, #tpu.memory_space<semaphore_mem>>) src(%arg8 : memref<40x128xf32, #tpu.memory_space<vmem>>) dst(%dma_wait3A_125 : memref<40x128xf32, #tpu.memory_space<vmem_shared>>)
      tpu.yield
    }) : () -> ()
    %mul3A_8 = arith.constant 640 : i32
    %mul3A_9 = arith.muli %arg1, %mul3A_8 : i32
    %add3A_10 = arith.constant 40 : i32
    %add3A_11 = arith.addi %mul3A_9, %add3A_10 : i32
    "tpu.region"() ({
      %run_scoped3A = tpu.sem_alloc : memref<!tpu.dma_semaphore, #tpu.memory_space<semaphore_mem>>
      %dma_start3A = arith.constant 0 : i32
      %dma_start3A_119 = tpu.memref_slice %arg13[%add3A_11, %dma_start3A] : memref<10240x128xf32, #tpu.memory_space<vmem_shared>> -> memref<40x128xf32, #tpu.memory_space<vmem_shared>>
      %dma_start3A_120 = arith.constant 0 : i32
      %dma_start3A_121 = tpu.memref_slice %arg13[%add3A_11, %dma_start3A_120] : memref<10240x128xf32, #tpu.memory_space<vmem_shared>> -> memref<40x128xf32, #tpu.memory_space<vmem_shared>>
      tpu.enqueue_dma source(%arg8 : memref<40x128xf32, #tpu.memory_space<vmem>>) target(%dma_start3A_121 : memref<40x128xf32, #tpu.memory_space<vmem_shared>>) target_semaphore(%run_scoped3A : memref<!tpu.dma_semaphore, #tpu.memory_space<semaphore_mem>>)
      %dma_wait3A_122 = arith.constant 0 : i32
      %dma_wait3A_123 = tpu.memref_slice %arg13[%add3A_11, %dma_wait3A_122] : memref<10240x128xf32, #tpu.memory_space<vmem_shared>> -> memref<40x128xf32, #tpu.memory_space<vmem_shared>>
      %dma_wait3A_124 = arith.constant 0 : i32
      %dma_wait3A_125 = tpu.memref_slice %arg13[%add3A_11, %dma_wait3A_124] : memref<10240x128xf32, #tpu.memory_space<vmem_shared>> -> memref<40x128xf32, #tpu.memory_space<vmem_shared>>
      tpu.wait_dma2 semaphore(%run_scoped3A : memref<!tpu.dma_semaphore, #tpu.memory_space<semaphore_mem>>) src(%arg8 : memref<40x128xf32, #tpu.memory_space<vmem>>) dst(%dma_wait3A_125 : memref<40x128xf32, #tpu.memory_space<vmem_shared>>)
      tpu.yield
    }) : () -> ()
    %mul3A_12 = arith.constant 640 : i32
    %mul3A_13 = arith.muli %arg1, %mul3A_12 : i32
    %add3A_14 = arith.constant 80 : i32
    %add3A_15 = arith.addi %mul3A_13, %add3A_14 : i32
    "tpu.region"() ({
      %run_scoped3A = tpu.sem_alloc : memref<!tpu.dma_semaphore, #tpu.memory_space<semaphore_mem>>
      %dma_start3A = arith.constant 0 : i32
      %dma_start3A_119 = tpu.memref_slice %arg13[%add3A_15, %dma_start3A] : memref<10240x128xf32, #tpu.memory_space<vmem_shared>> -> memref<40x128xf32, #tpu.memory_space<vmem_shared>>
      %dma_start3A_120 = arith.constant 0 : i32
      %dma_start3A_121 = tpu.memref_slice %arg13[%add3A_15, %dma_start3A_120] : memref<10240x128xf32, #tpu.memory_space<vmem_shared>> -> memref<40x128xf32, #tpu.memory_space<vmem_shared>>
      tpu.enqueue_dma source(%arg8 : memref<40x128xf32, #tpu.memory_space<vmem>>) target(%dma_start3A_121 : memref<40x128xf32, #tpu.memory_space<vmem_shared>>) target_semaphore(%run_scoped3A : memref<!tpu.dma_semaphore, #tpu.memory_space<semaphore_mem>>)
      %dma_wait3A_122 = arith.constant 0 : i32
      %dma_wait3A_123 = tpu.memref_slice %arg13[%add3A_15, %dma_wait3A_122] : memref<10240x128xf32, #tpu.memory_space<vmem_shared>> -> memref<40x128xf32, #tpu.memory_space<vmem_shared>>
      %dma_wait3A_124 = arith.constant 0 : i32
      %dma_wait3A_125 = tpu.memref_slice %arg13[%add3A_15, %dma_wait3A_124] : memref<10240x128xf32, #tpu.memory_space<vmem_shared>> -> memref<40x128xf32, #tpu.memory_space<vmem_shared>>
      tpu.wait_dma2 semaphore(%run_scoped3A : memref<!tpu.dma_semaphore, #tpu.memory_space<semaphore_mem>>) src(%arg8 : memref<40x128xf32, #tpu.memory_space<vmem>>) dst(%dma_wait3A_125 : memref<40x128xf32, #tpu.memory_space<vmem_shared>>)
      tpu.yield
    }) : () -> ()
    %mul3A_16 = arith.constant 640 : i32
    %mul3A_17 = arith.muli %arg1, %mul3A_16 : i32
    %add3A_18 = arith.constant 120 : i32
    %add3A_19 = arith.addi %mul3A_17, %add3A_18 : i32
    "tpu.region"() ({
      %run_scoped3A = tpu.sem_alloc : memref<!tpu.dma_semaphore, #tpu.memory_space<semaphore_mem>>
      %dma_start3A = arith.constant 0 : i32
      %dma_start3A_119 = tpu.memref_slice %arg13[%add3A_19, %dma_start3A] : memref<10240x128xf32, #tpu.memory_space<vmem_shared>> -> memref<40x128xf32, #tpu.memory_space<vmem_shared>>
      %dma_start3A_120 = arith.constant 0 : i32
      %dma_start3A_121 = tpu.memref_slice %arg13[%add3A_19, %dma_start3A_120] : memref<10240x128xf32, #tpu.memory_space<vmem_shared>> -> memref<40x128xf32, #tpu.memory_space<vmem_shared>>
      tpu.enqueue_dma source(%arg8 : memref<40x128xf32, #tpu.memory_space<vmem>>) target(%dma_start3A_121 : memref<40x128xf32, #tpu.memory_space<vmem_shared>>) target_semaphore(%run_scoped3A : memref<!tpu.dma_semaphore, #tpu.memory_space<semaphore_mem>>)
      %dma_wait3A_122 = arith.constant 0 : i32
      %dma_wait3A_123 = tpu.memref_slice %arg13[%add3A_19, %dma_wait3A_122] : memref<10240x128xf32, #tpu.memory_space<vmem_shared>> -> memref<40x128xf32, #tpu.memory_space<vmem_shared>>
      %dma_wait3A_124 = arith.constant 0 : i32
      %dma_wait3A_125 = tpu.memref_slice %arg13[%add3A_19, %dma_wait3A_124] : memref<10240x128xf32, #tpu.memory_space<vmem_shared>> -> memref<40x128xf32, #tpu.memory_space<vmem_shared>>
      tpu.wait_dma2 semaphore(%run_scoped3A : memref<!tpu.dma_semaphore, #tpu.memory_space<semaphore_mem>>) src(%arg8 : memref<40x128xf32, #tpu.memory_space<vmem>>) dst(%dma_wait3A_125 : memref<40x128xf32, #tpu.memory_space<vmem_shared>>)
      tpu.yield
    }) : () -> ()
    %mul3A_20 = arith.constant 640 : i32
    %mul3A_21 = arith.muli %arg1, %mul3A_20 : i32
    %add3A_22 = arith.constant 160 : i32
    %add3A_23 = arith.addi %mul3A_21, %add3A_22 : i32
    "tpu.region"() ({
      %run_scoped3A = tpu.sem_alloc : memref<!tpu.dma_semaphore, #tpu.memory_space<semaphore_mem>>
      %dma_start3A = arith.constant 0 : i32
      %dma_start3A_119 = tpu.memref_slice %arg13[%add3A_23, %dma_start3A] : memref<10240x128xf32, #tpu.memory_space<vmem_shared>> -> memref<40x128xf32, #tpu.memory_space<vmem_shared>>
      %dma_start3A_120 = arith.constant 0 : i32
      %dma_start3A_121 = tpu.memref_slice %arg13[%add3A_23, %dma_start3A_120] : memref<10240x128xf32, #tpu.memory_space<vmem_shared>> -> memref<40x128xf32, #tpu.memory_space<vmem_shared>>
      tpu.enqueue_dma source(%arg8 : memref<40x128xf32, #tpu.memory_space<vmem>>) target(%dma_start3A_121 : memref<40x128xf32, #tpu.memory_space<vmem_shared>>) target_semaphore(%run_scoped3A : memref<!tpu.dma_semaphore, #tpu.memory_space<semaphore_mem>>)
      %dma_wait3A_122 = arith.constant 0 : i32
      %dma_wait3A_123 = tpu.memref_slice %arg13[%add3A_23, %dma_wait3A_122] : memref<10240x128xf32, #tpu.memory_space<vmem_shared>> -> memref<40x128xf32, #tpu.memory_space<vmem_shared>>
      %dma_wait3A_124 = arith.constant 0 : i32
      %dma_wait3A_125 = tpu.memref_slice %arg13[%add3A_23, %dma_wait3A_124] : memref<10240x128xf32, #tpu.memory_space<vmem_shared>> -> memref<40x128xf32, #tpu.memory_space<vmem_shared>>
      tpu.wait_dma2 semaphore(%run_scoped3A : memref<!tpu.dma_semaphore, #tpu.memory_space<semaphore_mem>>) src(%arg8 : memref<40x128xf32, #tpu.memory_space<vmem>>) dst(%dma_wait3A_125 : memref<40x128xf32, #tpu.memory_space<vmem_shared>>)
      tpu.yield
    }) : () -> ()
    %mul3A_24 = arith.constant 640 : i32
    %mul3A_25 = arith.muli %arg1, %mul3A_24 : i32
    %add3A_26 = arith.constant 200 : i32
    %add3A_27 = arith.addi %mul3A_25, %add3A_26 : i32
    "tpu.region"() ({
      %run_scoped3A = tpu.sem_alloc : memref<!tpu.dma_semaphore, #tpu.memory_space<semaphore_mem>>
      %dma_start3A = arith.constant 0 : i32
      %dma_start3A_119 = tpu.memref_slice %arg13[%add3A_27, %dma_start3A] : memref<10240x128xf32, #tpu.memory_space<vmem_shared>> -> memref<40x128xf32, #tpu.memory_space<vmem_shared>>
      %dma_start3A_120 = arith.constant 0 : i32
      %dma_start3A_121 = tpu.memref_slice %arg13[%add3A_27, %dma_start3A_120] : memref<10240x128xf32, #tpu.memory_space<vmem_shared>> -> memref<40x128xf32, #tpu.memory_space<vmem_shared>>
      tpu.enqueue_dma source(%arg8 : memref<40x128xf32, #tpu.memory_space<vmem>>) target(%dma_start3A_121 : memref<40x128xf32, #tpu.memory_space<vmem_shared>>) target_semaphore(%run_scoped3A : memref<!tpu.dma_semaphore, #tpu.memory_space<semaphore_mem>>)
      %dma_wait3A_122 = arith.constant 0 : i32
      %dma_wait3A_123 = tpu.memref_slice %arg13[%add3A_27, %dma_wait3A_122] : memref<10240x128xf32, #tpu.memory_space<vmem_shared>> -> memref<40x128xf32, #tpu.memory_space<vmem_shared>>
      %dma_wait3A_124 = arith.constant 0 : i32
      %dma_wait3A_125 = tpu.memref_slice %arg13[%add3A_27, %dma_wait3A_124] : memref<10240x128xf32, #tpu.memory_space<vmem_shared>> -> memref<40x128xf32, #tpu.memory_space<vmem_shared>>
      tpu.wait_dma2 semaphore(%run_scoped3A : memref<!tpu.dma_semaphore, #tpu.memory_space<semaphore_mem>>) src(%arg8 : memref<40x128xf32, #tpu.memory_space<vmem>>) dst(%dma_wait3A_125 : memref<40x128xf32, #tpu.memory_space<vmem_shared>>)
      tpu.yield
    }) : () -> ()
    %mul3A_28 = arith.constant 640 : i32
    %mul3A_29 = arith.muli %arg1, %mul3A_28 : i32
    %add3A_30 = arith.constant 240 : i32
    %add3A_31 = arith.addi %mul3A_29, %add3A_30 : i32
    "tpu.region"() ({
      %run_scoped3A = tpu.sem_alloc : memref<!tpu.dma_semaphore, #tpu.memory_space<semaphore_mem>>
      %dma_start3A = arith.constant 0 : i32
      %dma_start3A_119 = tpu.memref_slice %arg13[%add3A_31, %dma_start3A] : memref<10240x128xf32, #tpu.memory_space<vmem_shared>> -> memref<40x128xf32, #tpu.memory_space<vmem_shared>>
      %dma_start3A_120 = arith.constant 0 : i32
      %dma_start3A_121 = tpu.memref_slice %arg13[%add3A_31, %dma_start3A_120] : memref<10240x128xf32, #tpu.memory_space<vmem_shared>> -> memref<40x128xf32, #tpu.memory_space<vmem_shared>>
      tpu.enqueue_dma source(%arg8 : memref<40x128xf32, #tpu.memory_space<vmem>>) target(%dma_start3A_121 : memref<40x128xf32, #tpu.memory_space<vmem_shared>>) target_semaphore(%run_scoped3A : memref<!tpu.dma_semaphore, #tpu.memory_space<semaphore_mem>>)
      %dma_wait3A_122 = arith.constant 0 : i32
      %dma_wait3A_123 = tpu.memref_slice %arg13[%add3A_31, %dma_wait3A_122] : memref<10240x128xf32, #tpu.memory_space<vmem_shared>> -> memref<40x128xf32, #tpu.memory_space<vmem_shared>>
      %dma_wait3A_124 = arith.constant 0 : i32
      %dma_wait3A_125 = tpu.memref_slice %arg13[%add3A_31, %dma_wait3A_124] : memref<10240x128xf32, #tpu.memory_space<vmem_shared>> -> memref<40x128xf32, #tpu.memory_space<vmem_shared>>
      tpu.wait_dma2 semaphore(%run_scoped3A : memref<!tpu.dma_semaphore, #tpu.memory_space<semaphore_mem>>) src(%arg8 : memref<40x128xf32, #tpu.memory_space<vmem>>) dst(%dma_wait3A_125 : memref<40x128xf32, #tpu.memory_space<vmem_shared>>)
      tpu.yield
    }) : () -> ()
    %mul3A_32 = arith.constant 640 : i32
    %mul3A_33 = arith.muli %arg1, %mul3A_32 : i32
    %add3A_34 = arith.constant 280 : i32
    %add3A_35 = arith.addi %mul3A_33, %add3A_34 : i32
    "tpu.region"() ({
      %run_scoped3A = tpu.sem_alloc : memref<!tpu.dma_semaphore, #tpu.memory_space<semaphore_mem>>
      %dma_start3A = arith.constant 0 : i32
      %dma_start3A_119 = tpu.memref_slice %arg13[%add3A_35, %dma_start3A] : memref<10240x128xf32, #tpu.memory_space<vmem_shared>> -> memref<40x128xf32, #tpu.memory_space<vmem_shared>>
      %dma_start3A_120 = arith.constant 0 : i32
      %dma_start3A_121 = tpu.memref_slice %arg13[%add3A_35, %dma_start3A_120] : memref<10240x128xf32, #tpu.memory_space<vmem_shared>> -> memref<40x128xf32, #tpu.memory_space<vmem_shared>>
      tpu.enqueue_dma source(%arg8 : memref<40x128xf32, #tpu.memory_space<vmem>>) target(%dma_start3A_121 : memref<40x128xf32, #tpu.memory_space<vmem_shared>>) target_semaphore(%run_scoped3A : memref<!tpu.dma_semaphore, #tpu.memory_space<semaphore_mem>>)
      %dma_wait3A_122 = arith.constant 0 : i32
      %dma_wait3A_123 = tpu.memref_slice %arg13[%add3A_35, %dma_wait3A_122] : memref<10240x128xf32, #tpu.memory_space<vmem_shared>> -> memref<40x128xf32, #tpu.memory_space<vmem_shared>>
      %dma_wait3A_124 = arith.constant 0 : i32
      %dma_wait3A_125 = tpu.memref_slice %arg13[%add3A_35, %dma_wait3A_124] : memref<10240x128xf32, #tpu.memory_space<vmem_shared>> -> memref<40x128xf32, #tpu.memory_space<vmem_shared>>
      tpu.wait_dma2 semaphore(%run_scoped3A : memref<!tpu.dma_semaphore, #tpu.memory_space<semaphore_mem>>) src(%arg8 : memref<40x128xf32, #tpu.memory_space<vmem>>) dst(%dma_wait3A_125 : memref<40x128xf32, #tpu.memory_space<vmem_shared>>)
      tpu.yield
    }) : () -> ()
    %mul3A_36 = arith.constant 640 : i32
    %mul3A_37 = arith.muli %arg1, %mul3A_36 : i32
    %add3A_38 = arith.constant 320 : i32
    %add3A_39 = arith.addi %mul3A_37, %add3A_38 : i32
    "tpu.region"() ({
      %run_scoped3A = tpu.sem_alloc : memref<!tpu.dma_semaphore, #tpu.memory_space<semaphore_mem>>
      %dma_start3A = arith.constant 0 : i32
      %dma_start3A_119 = tpu.memref_slice %arg13[%add3A_39, %dma_start3A] : memref<10240x128xf32, #tpu.memory_space<vmem_shared>> -> memref<40x128xf32, #tpu.memory_space<vmem_shared>>
      %dma_start3A_120 = arith.constant 0 : i32
      %dma_start3A_121 = tpu.memref_slice %arg13[%add3A_39, %dma_start3A_120] : memref<10240x128xf32, #tpu.memory_space<vmem_shared>> -> memref<40x128xf32, #tpu.memory_space<vmem_shared>>
      tpu.enqueue_dma source(%arg8 : memref<40x128xf32, #tpu.memory_space<vmem>>) target(%dma_start3A_121 : memref<40x128xf32, #tpu.memory_space<vmem_shared>>) target_semaphore(%run_scoped3A : memref<!tpu.dma_semaphore, #tpu.memory_space<semaphore_mem>>)
      %dma_wait3A_122 = arith.constant 0 : i32
      %dma_wait3A_123 = tpu.memref_slice %arg13[%add3A_39, %dma_wait3A_122] : memref<10240x128xf32, #tpu.memory_space<vmem_shared>> -> memref<40x128xf32, #tpu.memory_space<vmem_shared>>
      %dma_wait3A_124 = arith.constant 0 : i32
      %dma_wait3A_125 = tpu.memref_slice %arg13[%add3A_39, %dma_wait3A_124] : memref<10240x128xf32, #tpu.memory_space<vmem_shared>> -> memref<40x128xf32, #tpu.memory_space<vmem_shared>>
      tpu.wait_dma2 semaphore(%run_scoped3A : memref<!tpu.dma_semaphore, #tpu.memory_space<semaphore_mem>>) src(%arg8 : memref<40x128xf32, #tpu.memory_space<vmem>>) dst(%dma_wait3A_125 : memref<40x128xf32, #tpu.memory_space<vmem_shared>>)
      tpu.yield
    }) : () -> ()
    %mul3A_40 = arith.constant 640 : i32
    %mul3A_41 = arith.muli %arg1, %mul3A_40 : i32
    %add3A_42 = arith.constant 360 : i32
    %add3A_43 = arith.addi %mul3A_41, %add3A_42 : i32
    "tpu.region"() ({
      %run_scoped3A = tpu.sem_alloc : memref<!tpu.dma_semaphore, #tpu.memory_space<semaphore_mem>>
      %dma_start3A = arith.constant 0 : i32
      %dma_start3A_119 = tpu.memref_slice %arg13[%add3A_43, %dma_start3A] : memref<10240x128xf32, #tpu.memory_space<vmem_shared>> -> memref<40x128xf32, #tpu.memory_space<vmem_shared>>
      %dma_start3A_120 = arith.constant 0 : i32
      %dma_start3A_121 = tpu.memref_slice %arg13[%add3A_43, %dma_start3A_120] : memref<10240x128xf32, #tpu.memory_space<vmem_shared>> -> memref<40x128xf32, #tpu.memory_space<vmem_shared>>
      tpu.enqueue_dma source(%arg8 : memref<40x128xf32, #tpu.memory_space<vmem>>) target(%dma_start3A_121 : memref<40x128xf32, #tpu.memory_space<vmem_shared>>) target_semaphore(%run_scoped3A : memref<!tpu.dma_semaphore, #tpu.memory_space<semaphore_mem>>)
      %dma_wait3A_122 = arith.constant 0 : i32
      %dma_wait3A_123 = tpu.memref_slice %arg13[%add3A_43, %dma_wait3A_122] : memref<10240x128xf32, #tpu.memory_space<vmem_shared>> -> memref<40x128xf32, #tpu.memory_space<vmem_shared>>
      %dma_wait3A_124 = arith.constant 0 : i32
      %dma_wait3A_125 = tpu.memref_slice %arg13[%add3A_43, %dma_wait3A_124] : memref<10240x128xf32, #tpu.memory_space<vmem_shared>> -> memref<40x128xf32, #tpu.memory_space<vmem_shared>>
      tpu.wait_dma2 semaphore(%run_scoped3A : memref<!tpu.dma_semaphore, #tpu.memory_space<semaphore_mem>>) src(%arg8 : memref<40x128xf32, #tpu.memory_space<vmem>>) dst(%dma_wait3A_125 : memref<40x128xf32, #tpu.memory_space<vmem_shared>>)
      tpu.yield
    }) : () -> ()
    %mul3A_44 = arith.constant 640 : i32
    %mul3A_45 = arith.muli %arg1, %mul3A_44 : i32
    %add3A_46 = arith.constant 400 : i32
    %add3A_47 = arith.addi %mul3A_45, %add3A_46 : i32
    "tpu.region"() ({
      %run_scoped3A = tpu.sem_alloc : memref<!tpu.dma_semaphore, #tpu.memory_space<semaphore_mem>>
      %dma_start3A = arith.constant 0 : i32
      %dma_start3A_119 = tpu.memref_slice %arg13[%add3A_47, %dma_start3A] : memref<10240x128xf32, #tpu.memory_space<vmem_shared>> -> memref<40x128xf32, #tpu.memory_space<vmem_shared>>
      %dma_start3A_120 = arith.constant 0 : i32
      %dma_start3A_121 = tpu.memref_slice %arg13[%add3A_47, %dma_start3A_120] : memref<10240x128xf32, #tpu.memory_space<vmem_shared>> -> memref<40x128xf32, #tpu.memory_space<vmem_shared>>
      tpu.enqueue_dma source(%arg8 : memref<40x128xf32, #tpu.memory_space<vmem>>) target(%dma_start3A_121 : memref<40x128xf32, #tpu.memory_space<vmem_shared>>) target_semaphore(%run_scoped3A : memref<!tpu.dma_semaphore, #tpu.memory_space<semaphore_mem>>)
      %dma_wait3A_122 = arith.constant 0 : i32
      %dma_wait3A_123 = tpu.memref_slice %arg13[%add3A_47, %dma_wait3A_122] : memref<10240x128xf32, #tpu.memory_space<vmem_shared>> -> memref<40x128xf32, #tpu.memory_space<vmem_shared>>
      %dma_wait3A_124 = arith.constant 0 : i32
      %dma_wait3A_125 = tpu.memref_slice %arg13[%add3A_47, %dma_wait3A_124] : memref<10240x128xf32, #tpu.memory_space<vmem_shared>> -> memref<40x128xf32, #tpu.memory_space<vmem_shared>>
      tpu.wait_dma2 semaphore(%run_scoped3A : memref<!tpu.dma_semaphore, #tpu.memory_space<semaphore_mem>>) src(%arg8 : memref<40x128xf32, #tpu.memory_space<vmem>>) dst(%dma_wait3A_125 : memref<40x128xf32, #tpu.memory_space<vmem_shared>>)
      tpu.yield
    }) : () -> ()
    %mul3A_48 = arith.constant 640 : i32
    %mul3A_49 = arith.muli %arg1, %mul3A_48 : i32
    %add3A_50 = arith.constant 440 : i32
    %add3A_51 = arith.addi %mul3A_49, %add3A_50 : i32
    "tpu.region"() ({
      %run_scoped3A = tpu.sem_alloc : memref<!tpu.dma_semaphore, #tpu.memory_space<semaphore_mem>>
      %dma_start3A = arith.constant 0 : i32
      %dma_start3A_119 = tpu.memref_slice %arg13[%add3A_51, %dma_start3A] : memref<10240x128xf32, #tpu.memory_space<vmem_shared>> -> memref<40x128xf32, #tpu.memory_space<vmem_shared>>
      %dma_start3A_120 = arith.constant 0 : i32
      %dma_start3A_121 = tpu.memref_slice %arg13[%add3A_51, %dma_start3A_120] : memref<10240x128xf32, #tpu.memory_space<vmem_shared>> -> memref<40x128xf32, #tpu.memory_space<vmem_shared>>
      tpu.enqueue_dma source(%arg8 : memref<40x128xf32, #tpu.memory_space<vmem>>) target(%dma_start3A_121 : memref<40x128xf32, #tpu.memory_space<vmem_shared>>) target_semaphore(%run_scoped3A : memref<!tpu.dma_semaphore, #tpu.memory_space<semaphore_mem>>)
      %dma_wait3A_122 = arith.constant 0 : i32
      %dma_wait3A_123 = tpu.memref_slice %arg13[%add3A_51, %dma_wait3A_122] : memref<10240x128xf32, #tpu.memory_space<vmem_shared>> -> memref<40x128xf32, #tpu.memory_space<vmem_shared>>
      %dma_wait3A_124 = arith.constant 0 : i32
      %dma_wait3A_125 = tpu.memref_slice %arg13[%add3A_51, %dma_wait3A_124] : memref<10240x128xf32, #tpu.memory_space<vmem_shared>> -> memref<40x128xf32, #tpu.memory_space<vmem_shared>>
      tpu.wait_dma2 semaphore(%run_scoped3A : memref<!tpu.dma_semaphore, #tpu.memory_space<semaphore_mem>>) src(%arg8 : memref<40x128xf32, #tpu.memory_space<vmem>>) dst(%dma_wait3A_125 : memref<40x128xf32, #tpu.memory_space<vmem_shared>>)
      tpu.yield
    }) : () -> ()
    %mul3A_52 = arith.constant 640 : i32
    %mul3A_53 = arith.muli %arg1, %mul3A_52 : i32
    %add3A_54 = arith.constant 480 : i32
    %add3A_55 = arith.addi %mul3A_53, %add3A_54 : i32
    "tpu.region"() ({
      %run_scoped3A = tpu.sem_alloc : memref<!tpu.dma_semaphore, #tpu.memory_space<semaphore_mem>>
      %dma_start3A = arith.constant 0 : i32
      %dma_start3A_119 = tpu.memref_slice %arg13[%add3A_55, %dma_start3A] : memref<10240x128xf32, #tpu.memory_space<vmem_shared>> -> memref<40x128xf32, #tpu.memory_space<vmem_shared>>
      %dma_start3A_120 = arith.constant 0 : i32
      %dma_start3A_121 = tpu.memref_slice %arg13[%add3A_55, %dma_start3A_120] : memref<10240x128xf32, #tpu.memory_space<vmem_shared>> -> memref<40x128xf32, #tpu.memory_space<vmem_shared>>
      tpu.enqueue_dma source(%arg8 : memref<40x128xf32, #tpu.memory_space<vmem>>) target(%dma_start3A_121 : memref<40x128xf32, #tpu.memory_space<vmem_shared>>) target_semaphore(%run_scoped3A : memref<!tpu.dma_semaphore, #tpu.memory_space<semaphore_mem>>)
      %dma_wait3A_122 = arith.constant 0 : i32
      %dma_wait3A_123 = tpu.memref_slice %arg13[%add3A_55, %dma_wait3A_122] : memref<10240x128xf32, #tpu.memory_space<vmem_shared>> -> memref<40x128xf32, #tpu.memory_space<vmem_shared>>
      %dma_wait3A_124 = arith.constant 0 : i32
      %dma_wait3A_125 = tpu.memref_slice %arg13[%add3A_55, %dma_wait3A_124] : memref<10240x128xf32, #tpu.memory_space<vmem_shared>> -> memref<40x128xf32, #tpu.memory_space<vmem_shared>>
      tpu.wait_dma2 semaphore(%run_scoped3A : memref<!tpu.dma_semaphore, #tpu.memory_space<semaphore_mem>>) src(%arg8 : memref<40x128xf32, #tpu.memory_space<vmem>>) dst(%dma_wait3A_125 : memref<40x128xf32, #tpu.memory_space<vmem_shared>>)
      tpu.yield
    }) : () -> ()
    %mul3A_56 = arith.constant 640 : i32
    %mul3A_57 = arith.muli %arg1, %mul3A_56 : i32
    %add3A_58 = arith.constant 520 : i32
    %add3A_59 = arith.addi %mul3A_57, %add3A_58 : i32
    "tpu.region"() ({
      %run_scoped3A = tpu.sem_alloc : memref<!tpu.dma_semaphore, #tpu.memory_space<semaphore_mem>>
      %dma_start3A = arith.constant 0 : i32
      %dma_start3A_119 = tpu.memref_slice %arg13[%add3A_59, %dma_start3A] : memref<10240x128xf32, #tpu.memory_space<vmem_shared>> -> memref<40x128xf32, #tpu.memory_space<vmem_shared>>
      %dma_start3A_120 = arith.constant 0 : i32
      %dma_start3A_121 = tpu.memref_slice %arg13[%add3A_59, %dma_start3A_120] : memref<10240x128xf32, #tpu.memory_space<vmem_shared>> -> memref<40x128xf32, #tpu.memory_space<vmem_shared>>
      tpu.enqueue_dma source(%arg8 : memref<40x128xf32, #tpu.memory_space<vmem>>) target(%dma_start3A_121 : memref<40x128xf32, #tpu.memory_space<vmem_shared>>) target_semaphore(%run_scoped3A : memref<!tpu.dma_semaphore, #tpu.memory_space<semaphore_mem>>)
      %dma_wait3A_122 = arith.constant 0 : i32
      %dma_wait3A_123 = tpu.memref_slice %arg13[%add3A_59, %dma_wait3A_122] : memref<10240x128xf32, #tpu.memory_space<vmem_shared>> -> memref<40x128xf32, #tpu.memory_space<vmem_shared>>
      %dma_wait3A_124 = arith.constant 0 : i32
      %dma_wait3A_125 = tpu.memref_slice %arg13[%add3A_59, %dma_wait3A_124] : memref<10240x128xf32, #tpu.memory_space<vmem_shared>> -> memref<40x128xf32, #tpu.memory_space<vmem_shared>>
      tpu.wait_dma2 semaphore(%run_scoped3A : memref<!tpu.dma_semaphore, #tpu.memory_space<semaphore_mem>>) src(%arg8 : memref<40x128xf32, #tpu.memory_space<vmem>>) dst(%dma_wait3A_125 : memref<40x128xf32, #tpu.memory_space<vmem_shared>>)
      tpu.yield
    }) : () -> ()
    %mul3A_60 = arith.constant 640 : i32
    %mul3A_61 = arith.muli %arg1, %mul3A_60 : i32
    %add3A_62 = arith.constant 560 : i32
    %add3A_63 = arith.addi %mul3A_61, %add3A_62 : i32
    "tpu.region"() ({
      %run_scoped3A = tpu.sem_alloc : memref<!tpu.dma_semaphore, #tpu.memory_space<semaphore_mem>>
      %dma_start3A = arith.constant 0 : i32
      %dma_start3A_119 = tpu.memref_slice %arg13[%add3A_63, %dma_start3A] : memref<10240x128xf32, #tpu.memory_space<vmem_shared>> -> memref<40x128xf32, #tpu.memory_space<vmem_shared>>
      %dma_start3A_120 = arith.constant 0 : i32
      %dma_start3A_121 = tpu.memref_slice %arg13[%add3A_63, %dma_start3A_120] : memref<10240x128xf32, #tpu.memory_space<vmem_shared>> -> memref<40x128xf32, #tpu.memory_space<vmem_shared>>
      tpu.enqueue_dma source(%arg8 : memref<40x128xf32, #tpu.memory_space<vmem>>) target(%dma_start3A_121 : memref<40x128xf32, #tpu.memory_space<vmem_shared>>) target_semaphore(%run_scoped3A : memref<!tpu.dma_semaphore, #tpu.memory_space<semaphore_mem>>)
      %dma_wait3A_122 = arith.constant 0 : i32
      %dma_wait3A_123 = tpu.memref_slice %arg13[%add3A_63, %dma_wait3A_122] : memref<10240x128xf32, #tpu.memory_space<vmem_shared>> -> memref<40x128xf32, #tpu.memory_space<vmem_shared>>
      %dma_wait3A_124 = arith.constant 0 : i32
      %dma_wait3A_125 = tpu.memref_slice %arg13[%add3A_63, %dma_wait3A_124] : memref<10240x128xf32, #tpu.memory_space<vmem_shared>> -> memref<40x128xf32, #tpu.memory_space<vmem_shared>>
      tpu.wait_dma2 semaphore(%run_scoped3A : memref<!tpu.dma_semaphore, #tpu.memory_space<semaphore_mem>>) src(%arg8 : memref<40x128xf32, #tpu.memory_space<vmem>>) dst(%dma_wait3A_125 : memref<40x128xf32, #tpu.memory_space<vmem_shared>>)
      tpu.yield
    }) : () -> ()
    %mul3A_64 = arith.constant 640 : i32
    %mul3A_65 = arith.muli %arg1, %mul3A_64 : i32
    %add3A_66 = arith.constant 600 : i32
    %add3A_67 = arith.addi %mul3A_65, %add3A_66 : i32
    "tpu.region"() ({
      %run_scoped3A = tpu.sem_alloc : memref<!tpu.dma_semaphore, #tpu.memory_space<semaphore_mem>>
      %dma_start3A = arith.constant 0 : i32
      %dma_start3A_119 = tpu.memref_slice %arg13[%add3A_67, %dma_start3A] : memref<10240x128xf32, #tpu.memory_space<vmem_shared>> -> memref<40x128xf32, #tpu.memory_space<vmem_shared>>
      %dma_start3A_120 = arith.constant 0 : i32
      %dma_start3A_121 = tpu.memref_slice %arg13[%add3A_67, %dma_start3A_120] : memref<10240x128xf32, #tpu.memory_space<vmem_shared>> -> memref<40x128xf32, #tpu.memory_space<vmem_shared>>
      tpu.enqueue_dma source(%arg8 : memref<40x128xf32, #tpu.memory_space<vmem>>) target(%dma_start3A_121 : memref<40x128xf32, #tpu.memory_space<vmem_shared>>) target_semaphore(%run_scoped3A : memref<!tpu.dma_semaphore, #tpu.memory_space<semaphore_mem>>)
      %dma_wait3A_122 = arith.constant 0 : i32
      %dma_wait3A_123 = tpu.memref_slice %arg13[%add3A_67, %dma_wait3A_122] : memref<10240x128xf32, #tpu.memory_space<vmem_shared>> -> memref<40x128xf32, #tpu.memory_space<vmem_shared>>
      %dma_wait3A_124 = arith.constant 0 : i32
      %dma_wait3A_125 = tpu.memref_slice %arg13[%add3A_67, %dma_wait3A_124] : memref<10240x128xf32, #tpu.memory_space<vmem_shared>> -> memref<40x128xf32, #tpu.memory_space<vmem_shared>>
      tpu.wait_dma2 semaphore(%run_scoped3A : memref<!tpu.dma_semaphore, #tpu.memory_space<semaphore_mem>>) src(%arg8 : memref<40x128xf32, #tpu.memory_space<vmem>>) dst(%dma_wait3A_125 : memref<40x128xf32, #tpu.memory_space<vmem_shared>>)
      tpu.yield
    }) : () -> ()
    %mul3A_68 = arith.constant 10000 : i32
    %mul3A_69 = arith.muli %arg1, %mul3A_68 : i32
    "tpu.region"() ({
      %run_scoped3A = tpu.sem_alloc : memref<!tpu.dma_semaphore, #tpu.memory_space<semaphore_mem>>
      %dma_start3A = tpu.memref_slice %arg3[%mul3A_69] : memref<160000xi32, #tpu.memory_space<hbm>> -> memref<10000xi32, #tpu.memory_space<hbm>>
      %dma_start3A_119 = tpu.memref_slice %arg3[%mul3A_69] : memref<160000xi32, #tpu.memory_space<hbm>> -> memref<10000xi32, #tpu.memory_space<hbm>>
      tpu.enqueue_dma source(%dma_start3A_119 : memref<10000xi32, #tpu.memory_space<hbm>>) target(%arg6 : memref<10000xi32, #tpu.memory_space<vmem>>) target_semaphore(%run_scoped3A : memref<!tpu.dma_semaphore, #tpu.memory_space<semaphore_mem>>)
      %dma_wait3A_120 = tpu.memref_slice %arg3[%mul3A_69] : memref<160000xi32, #tpu.memory_space<hbm>> -> memref<10000xi32, #tpu.memory_space<hbm>>
      %dma_wait3A_121 = tpu.memref_slice %arg3[%mul3A_69] : memref<160000xi32, #tpu.memory_space<hbm>> -> memref<10000xi32, #tpu.memory_space<hbm>>
      tpu.wait_dma2 semaphore(%run_scoped3A : memref<!tpu.dma_semaphore, #tpu.memory_space<semaphore_mem>>) src(%dma_wait3A_121 : memref<10000xi32, #tpu.memory_space<hbm>>) dst(%arg6 : memref<10000xi32, #tpu.memory_space<vmem>>)
      tpu.yield
    }) : () -> ()
    %mul3A_70 = arith.constant 10000 : i32
    %mul3A_71 = arith.muli %arg1, %mul3A_70 : i32
    "tpu.region"() ({
      %run_scoped3A = tpu.sem_alloc : memref<!tpu.dma_semaphore, #tpu.memory_space<semaphore_mem>>
      %dma_start3A = tpu.memref_slice %arg4[%mul3A_71] : memref<160000xi32, #tpu.memory_space<hbm>> -> memref<10000xi32, #tpu.memory_space<hbm>>
      %dma_start3A_119 = tpu.memref_slice %arg4[%mul3A_71] : memref<160000xi32, #tpu.memory_space<hbm>> -> memref<10000xi32, #tpu.memory_space<hbm>>
      tpu.enqueue_dma source(%dma_start3A_119 : memref<10000xi32, #tpu.memory_space<hbm>>) target(%arg7 : memref<10000xi32, #tpu.memory_space<vmem>>) target_semaphore(%run_scoped3A : memref<!tpu.dma_semaphore, #tpu.memory_space<semaphore_mem>>)
      %dma_wait3A_120 = tpu.memref_slice %arg4[%mul3A_71] : memref<160000xi32, #tpu.memory_space<hbm>> -> memref<10000xi32, #tpu.memory_space<hbm>>
      %dma_wait3A_121 = tpu.memref_slice %arg4[%mul3A_71] : memref<160000xi32, #tpu.memory_space<hbm>> -> memref<10000xi32, #tpu.memory_space<hbm>>
      tpu.wait_dma2 semaphore(%run_scoped3A : memref<!tpu.dma_semaphore, #tpu.memory_space<semaphore_mem>>) src(%dma_wait3A_121 : memref<10000xi32, #tpu.memory_space<hbm>>) dst(%arg7 : memref<10000xi32, #tpu.memory_space<vmem>>)
      tpu.yield
    }) : () -> ()
    %broadcast_in_dim3A_72 = arith.constant 0 : i32
    %broadcast_in_dim3A_73 = vector.broadcast %broadcast_in_dim3A_72 : i32 to vector<16xi32>
    %mul3A_74 = arith.constant 10000 : i32
    %mul3A_75 = arith.muli %arg0, %mul3A_74 : i32
    %add3A_76 = vector.broadcast %mul3A_75 : i32 to vector<16xi32>
    %add3A_77 = arith.addi %broadcast_in_dim3A_73, %add3A_76 : vector<16xi32>
    %scan3A_78 = arith.constant 0 : i32
    %scan3A_79 = arith.constant 0 : i32
    %scan3A_80 = arith.constant 625 : i32
    %scan3A_81 = arith.addi %scan3A_79, %scan3A_80 : i32
    %scan3A_82 = arith.constant 1 : i32
    scf.for %scan3A_119 = %scan3A_79 to %scan3A_81 step %scan3A_82  : i32 {
      %mul3A_120 = arith.constant 16 : i32
      %mul3A_121 = arith.muli %scan3A_119, %mul3A_120 : i32
      %get3A = arith.index_cast %mul3A_121 : i32 to index
      %get3A_122 = tpu.vector_load %arg6[%get3A] {strides = array<i32>} : memref<10000xi32, #tpu.memory_space<vmem>>, vector<16xi32>,
      %get3A_123 = vector.shape_cast %get3A_122 : vector<16xi32> to vector<16xi32>
      %add3A_124 = arith.addi %get3A_123, %add3A_77 : vector<16xi32>
      %mul3A_125 = arith.constant 16 : i32
      %mul3A_126 = arith.muli %scan3A_119, %mul3A_125 : i32
      %swap3A = arith.index_cast %mul3A_126 : i32 to index
      %swap3A_127 = tpu.vector_load %arg6[%swap3A] {strides = array<i32>} : memref<10000xi32, #tpu.memory_space<vmem>>, vector<16xi32>,
      %swap3A_128 = vector.shape_cast %swap3A_127 : vector<16xi32> to vector<16xi32>
      %swap3A_129 = vector.shape_cast %add3A_124 : vector<16xi32> to vector<16xi32>
      tpu.vector_store %arg6[%swap3A], %swap3A_129 {strides = array<i32>} : memref<10000xi32, #tpu.memory_space<vmem>>, vector<16xi32>,
    }
    %scan3A_83 = arith.constant 625 : i32
    %barrier3A = arith.constant 0 : index
    tpu.barrier barrier_id(%barrier3A)
    %scan3A_84 = arith.constant 0 : i32
    %scan3A_85 = arith.constant 0 : i32
    %scan3A_86 = arith.constant 50 : i32
    %scan3A_87 = arith.addi %scan3A_85, %scan3A_86 : i32
    %scan3A_88 = arith.constant 1 : i32
    scf.for %scan3A_119 = %scan3A_85 to %scan3A_87 step %scan3A_88  : i32 {
      %mul3A_120 = arith.constant 5 : i32
      %mul3A_121 = arith.muli %scan3A_119, %mul3A_120 : i32
      %add3A_122 = arith.constant 0 : i32
      %add3A_123 = arith.addi %mul3A_121, %add3A_122 : i32
      %gt3A = arith.constant 0 : i32
      %gt3A_124 = arith.cmpi sgt, %scan3A_119, %gt3A : i32
      %convert_element_type3A = arith.extui %gt3A_124 : i1 to i32
      %cond3A = arith.constant 0 : i32
      %cond3A_125 = arith.cmpi ne, %convert_element_type3A, %cond3A : i32
      scf.if %cond3A_125 {
        %sub3A = arith.constant 5 : i32
        %sub3A_253 = arith.subi %add3A_123, %sub3A : i32
        %mul3A_254 = arith.constant 40 : i32
        %mul3A_255 = arith.muli %sub3A_253, %mul3A_254 : i32
        %dma_wait3A_256 = tpu.memref_slice %arg7[%mul3A_255] : memref<10000xi32, #tpu.memory_space<vmem>> -> memref<40xi32, #tpu.memory_space<vmem>>
        %dma_wait3A_257 = arith.constant 0 : i32
        %dma_wait3A_258 = arith.constant 0 : i32
        %dma_wait3A_259 = tpu.memref_slice %arg13[%dma_wait3A_257, %dma_wait3A_258] : memref<10240x128xf32, #tpu.memory_space<vmem_shared>> -> memref<10240x128xf32, #tpu.memory_space<vmem_shared>>
        tpu.wait_indirect_dma semaphore(%arg19 : memref<!tpu.dma_semaphore, #tpu.memory_space<semaphore_mem>>) src(%arg8 : memref<40x128xf32, #tpu.memory_space<vmem>>) dst(%dma_wait3A_259 : memref<10240x128xf32, #tpu.memory_space<vmem_shared>>)
      } else {
      }
      %mul3A_126 = arith.constant 40 : i32
      %mul3A_127 = arith.muli %add3A_123, %mul3A_126 : i32
      %dma_start3A = tpu.memref_slice %arg6[%mul3A_127] : memref<10000xi32, #tpu.memory_space<vmem>> -> memref<40xi32, #tpu.memory_space<vmem>>
      %dma_start3A_128 = arith.constant 0 : i32
      %dma_start3A_129 = arith.constant 0 : i32
      %dma_start3A_130 = tpu.memref_slice %arg2[%dma_start3A_128, %dma_start3A_129] : memref<20000x128xf32, #tpu.memory_space<hbm>> -> memref<20000x128xf32, #tpu.memory_space<hbm>>
      tpu.enqueue_indirect_dma source(%dma_start3A_130 : memref<20000x128xf32, #tpu.memory_space<hbm>>) target(%arg8 : memref<40x128xf32, #tpu.memory_space<vmem>>) offsets(%dma_start3A : memref<40xi32, #tpu.memory_space<vmem>>) semaphore(%arg14 : memref<!tpu.dma_semaphore, #tpu.memory_space<semaphore_mem>>)
      %add3A_131 = arith.constant 1 : i32
      %add3A_132 = arith.addi %mul3A_121, %add3A_131 : i32
      %gt3A_133 = arith.constant 0 : i32
      %gt3A_134 = arith.cmpi sgt, %scan3A_119, %gt3A_133 : i32
      %convert_element_type3A_135 = arith.extui %gt3A_134 : i1 to i32
      %cond3A_136 = arith.constant 0 : i32
      %cond3A_137 = arith.cmpi ne, %convert_element_type3A_135, %cond3A_136 : i32
      scf.if %cond3A_137 {
        %sub3A = arith.constant 5 : i32
        %sub3A_253 = arith.subi %add3A_132, %sub3A : i32
        %mul3A_254 = arith.constant 40 : i32
        %mul3A_255 = arith.muli %sub3A_253, %mul3A_254 : i32
        %dma_wait3A_256 = tpu.memref_slice %arg7[%mul3A_255] : memref<10000xi32, #tpu.memory_space<vmem>> -> memref<40xi32, #tpu.memory_space<vmem>>
        %dma_wait3A_257 = arith.constant 0 : i32
        %dma_wait3A_258 = arith.constant 0 : i32
        %dma_wait3A_259 = tpu.memref_slice %arg13[%dma_wait3A_257, %dma_wait3A_258] : memref<10240x128xf32, #tpu.memory_space<vmem_shared>> -> memref<10240x128xf32, #tpu.memory_space<vmem_shared>>
        tpu.wait_indirect_dma semaphore(%arg20 : memref<!tpu.dma_semaphore, #tpu.memory_space<semaphore_mem>>) src(%arg9 : memref<40x128xf32, #tpu.memory_space<vmem>>) dst(%dma_wait3A_259 : memref<10240x128xf32, #tpu.memory_space<vmem_shared>>)
      } else {
      }
      %mul3A_138 = arith.constant 40 : i32
      %mul3A_139 = arith.muli %add3A_132, %mul3A_138 : i32
      %dma_start3A_140 = tpu.memref_slice %arg6[%mul3A_139] : memref<10000xi32, #tpu.memory_space<vmem>> -> memref<40xi32, #tpu.memory_space<vmem>>
      %dma_start3A_141 = arith.constant 0 : i32
      %dma_start3A_142 = arith.constant 0 : i32
      %dma_start3A_143 = tpu.memref_slice %arg2[%dma_start3A_141, %dma_start3A_142] : memref<20000x128xf32, #tpu.memory_space<hbm>> -> memref<20000x128xf32, #tpu.memory_space<hbm>>
      tpu.enqueue_indirect_dma source(%dma_start3A_143 : memref<20000x128xf32, #tpu.memory_space<hbm>>) target(%arg9 : memref<40x128xf32, #tpu.memory_space<vmem>>) offsets(%dma_start3A_140 : memref<40xi32, #tpu.memory_space<vmem>>) semaphore(%arg15 : memref<!tpu.dma_semaphore, #tpu.memory_space<semaphore_mem>>)
      %add3A_144 = arith.constant 2 : i32
      %add3A_145 = arith.addi %mul3A_121, %add3A_144 : i32
      %gt3A_146 = arith.constant 0 : i32
      %gt3A_147 = arith.cmpi sgt, %scan3A_119, %gt3A_146 : i32
      %convert_element_type3A_148 = arith.extui %gt3A_147 : i1 to i32
      %cond3A_149 = arith.constant 0 : i32
      %cond3A_150 = arith.cmpi ne, %convert_element_type3A_148, %cond3A_149 : i32
      scf.if %cond3A_150 {
        %sub3A = arith.constant 5 : i32
        %sub3A_253 = arith.subi %add3A_145, %sub3A : i32
        %mul3A_254 = arith.constant 40 : i32
        %mul3A_255 = arith.muli %sub3A_253, %mul3A_254 : i32
        %dma_wait3A_256 = tpu.memref_slice %arg7[%mul3A_255] : memref<10000xi32, #tpu.memory_space<vmem>> -> memref<40xi32, #tpu.memory_space<vmem>>
        %dma_wait3A_257 = arith.constant 0 : i32
        %dma_wait3A_258 = arith.constant 0 : i32
        %dma_wait3A_259 = tpu.memref_slice %arg13[%dma_wait3A_257, %dma_wait3A_258] : memref<10240x128xf32, #tpu.memory_space<vmem_shared>> -> memref<10240x128xf32, #tpu.memory_space<vmem_shared>>
        tpu.wait_indirect_dma semaphore(%arg21 : memref<!tpu.dma_semaphore, #tpu.memory_space<semaphore_mem>>) src(%arg10 : memref<40x128xf32, #tpu.memory_space<vmem>>) dst(%dma_wait3A_259 : memref<10240x128xf32, #tpu.memory_space<vmem_shared>>)
      } else {
      }
      %mul3A_151 = arith.constant 40 : i32
      %mul3A_152 = arith.muli %add3A_145, %mul3A_151 : i32
      %dma_start3A_153 = tpu.memref_slice %arg6[%mul3A_152] : memref<10000xi32, #tpu.memory_space<vmem>> -> memref<40xi32, #tpu.memory_space<vmem>>
      %dma_start3A_154 = arith.constant 0 : i32
      %dma_start3A_155 = arith.constant 0 : i32
      %dma_start3A_156 = tpu.memref_slice %arg2[%dma_start3A_154, %dma_start3A_155] : memref<20000x128xf32, #tpu.memory_space<hbm>> -> memref<20000x128xf32, #tpu.memory_space<hbm>>
      tpu.enqueue_indirect_dma source(%dma_start3A_156 : memref<20000x128xf32, #tpu.memory_space<hbm>>) target(%arg10 : memref<40x128xf32, #tpu.memory_space<vmem>>) offsets(%dma_start3A_153 : memref<40xi32, #tpu.memory_space<vmem>>) semaphore(%arg16 : memref<!tpu.dma_semaphore, #tpu.memory_space<semaphore_mem>>)
      %add3A_157 = arith.constant 3 : i32
      %add3A_158 = arith.addi %mul3A_121, %add3A_157 : i32
      %gt3A_159 = arith.constant 0 : i32
      %gt3A_160 = arith.cmpi sgt, %scan3A_119, %gt3A_159 : i32
      %convert_element_type3A_161 = arith.extui %gt3A_160 : i1 to i32
      %cond3A_162 = arith.constant 0 : i32
      %cond3A_163 = arith.cmpi ne, %convert_element_type3A_161, %cond3A_162 : i32
      scf.if %cond3A_163 {
        %sub3A = arith.constant 5 : i32
        %sub3A_253 = arith.subi %add3A_158, %sub3A : i32
        %mul3A_254 = arith.constant 40 : i32
        %mul3A_255 = arith.muli %sub3A_253, %mul3A_254 : i32
        %dma_wait3A_256 = tpu.memref_slice %arg7[%mul3A_255] : memref<10000xi32, #tpu.memory_space<vmem>> -> memref<40xi32, #tpu.memory_space<vmem>>
        %dma_wait3A_257 = arith.constant 0 : i32
        %dma_wait3A_258 = arith.constant 0 : i32
        %dma_wait3A_259 = tpu.memref_slice %arg13[%dma_wait3A_257, %dma_wait3A_258] : memref<10240x128xf32, #tpu.memory_space<vmem_shared>> -> memref<10240x128xf32, #tpu.memory_space<vmem_shared>>
        tpu.wait_indirect_dma semaphore(%arg22 : memref<!tpu.dma_semaphore, #tpu.memory_space<semaphore_mem>>) src(%arg11 : memref<40x128xf32, #tpu.memory_space<vmem>>) dst(%dma_wait3A_259 : memref<10240x128xf32, #tpu.memory_space<vmem_shared>>)
      } else {
      }
      %mul3A_164 = arith.constant 40 : i32
      %mul3A_165 = arith.muli %add3A_158, %mul3A_164 : i32
      %dma_start3A_166 = tpu.memref_slice %arg6[%mul3A_165] : memref<10000xi32, #tpu.memory_space<vmem>> -> memref<40xi32, #tpu.memory_space<vmem>>
      %dma_start3A_167 = arith.constant 0 : i32
      %dma_start3A_168 = arith.constant 0 : i32
      %dma_start3A_169 = tpu.memref_slice %arg2[%dma_start3A_167, %dma_start3A_168] : memref<20000x128xf32, #tpu.memory_space<hbm>> -> memref<20000x128xf32, #tpu.memory_space<hbm>>
      tpu.enqueue_indirect_dma source(%dma_start3A_169 : memref<20000x128xf32, #tpu.memory_space<hbm>>) target(%arg11 : memref<40x128xf32, #tpu.memory_space<vmem>>) offsets(%dma_start3A_166 : memref<40xi32, #tpu.memory_space<vmem>>) semaphore(%arg17 : memref<!tpu.dma_semaphore, #tpu.memory_space<semaphore_mem>>)
      %add3A_170 = arith.constant 4 : i32
      %add3A_171 = arith.addi %mul3A_121, %add3A_170 : i32
      %gt3A_172 = arith.constant 0 : i32
      %gt3A_173 = arith.cmpi sgt, %scan3A_119, %gt3A_172 : i32
      %convert_element_type3A_174 = arith.extui %gt3A_173 : i1 to i32
      %cond3A_175 = arith.constant 0 : i32
      %cond3A_176 = arith.cmpi ne, %convert_element_type3A_174, %cond3A_175 : i32
      scf.if %cond3A_176 {
        %sub3A = arith.constant 5 : i32
        %sub3A_253 = arith.subi %add3A_171, %sub3A : i32
        %mul3A_254 = arith.constant 40 : i32
        %mul3A_255 = arith.muli %sub3A_253, %mul3A_254 : i32
        %dma_wait3A_256 = tpu.memref_slice %arg7[%mul3A_255] : memref<10000xi32, #tpu.memory_space<vmem>> -> memref<40xi32, #tpu.memory_space<vmem>>
        %dma_wait3A_257 = arith.constant 0 : i32
        %dma_wait3A_258 = arith.constant 0 : i32
        %dma_wait3A_259 = tpu.memref_slice %arg13[%dma_wait3A_257, %dma_wait3A_258] : memref<10240x128xf32, #tpu.memory_space<vmem_shared>> -> memref<10240x128xf32, #tpu.memory_space<vmem_shared>>
        tpu.wait_indirect_dma semaphore(%arg23 : memref<!tpu.dma_semaphore, #tpu.memory_space<semaphore_mem>>) src(%arg12 : memref<40x128xf32, #tpu.memory_space<vmem>>) dst(%dma_wait3A_259 : memref<10240x128xf32, #tpu.memory_space<vmem_shared>>)
      } else {
      }
      %mul3A_177 = arith.constant 40 : i32
      %mul3A_178 = arith.muli %add3A_171, %mul3A_177 : i32
      %dma_start3A_179 = tpu.memref_slice %arg6[%mul3A_178] : memref<10000xi32, #tpu.memory_space<vmem>> -> memref<40xi32, #tpu.memory_space<vmem>>
      %dma_start3A_180 = arith.constant 0 : i32
      %dma_start3A_181 = arith.constant 0 : i32
      %dma_start3A_182 = tpu.memref_slice %arg2[%dma_start3A_180, %dma_start3A_181] : memref<20000x128xf32, #tpu.memory_space<hbm>> -> memref<20000x128xf32, #tpu.memory_space<hbm>>
      tpu.enqueue_indirect_dma source(%dma_start3A_182 : memref<20000x128xf32, #tpu.memory_space<hbm>>) target(%arg12 : memref<40x128xf32, #tpu.memory_space<vmem>>) offsets(%dma_start3A_179 : memref<40xi32, #tpu.memory_space<vmem>>) semaphore(%arg18 : memref<!tpu.dma_semaphore, #tpu.memory_space<semaphore_mem>>)
      %add3A_183 = arith.constant 0 : i32
      %add3A_184 = arith.addi %mul3A_121, %add3A_183 : i32
      %mul3A_185 = arith.constant 40 : i32
      %mul3A_186 = arith.muli %add3A_184, %mul3A_185 : i32
      %dma_wait3A_187 = tpu.memref_slice %arg6[%mul3A_186] : memref<10000xi32, #tpu.memory_space<vmem>> -> memref<40xi32, #tpu.memory_space<vmem>>
      %dma_wait3A_188 = arith.constant 0 : i32
      %dma_wait3A_189 = arith.constant 0 : i32
      %dma_wait3A_190 = tpu.memref_slice %arg2[%dma_wait3A_188, %dma_wait3A_189] : memref<20000x128xf32, #tpu.memory_space<hbm>> -> memref<20000x128xf32, #tpu.memory_space<hbm>>
      tpu.wait_indirect_dma semaphore(%arg14 : memref<!tpu.dma_semaphore, #tpu.memory_space<semaphore_mem>>) src(%dma_wait3A_190 : memref<20000x128xf32, #tpu.memory_space<hbm>>) dst(%arg8 : memref<40x128xf32, #tpu.memory_space<vmem>>)
      %mul3A_191 = arith.constant 40 : i32
      %mul3A_192 = arith.muli %add3A_184, %mul3A_191 : i32
      %dma_start3A_193 = tpu.memref_slice %arg7[%mul3A_192] : memref<10000xi32, #tpu.memory_space<vmem>> -> memref<40xi32, #tpu.memory_space<vmem>>
      %dma_start3A_194 = arith.constant 0 : i32
      %dma_start3A_195 = arith.constant 0 : i32
      %dma_start3A_196 = tpu.memref_slice %arg13[%dma_start3A_194, %dma_start3A_195] : memref<10240x128xf32, #tpu.memory_space<vmem_shared>> -> memref<10240x128xf32, #tpu.memory_space<vmem_shared>>
      tpu.enqueue_indirect_dma source(%arg8 : memref<40x128xf32, #tpu.memory_space<vmem>>) target(%dma_start3A_196 : memref<10240x128xf32, #tpu.memory_space<vmem_shared>>) offsets(%dma_start3A_193 : memref<40xi32, #tpu.memory_space<vmem>>) semaphore(%arg19 : memref<!tpu.dma_semaphore, #tpu.memory_space<semaphore_mem>>) {add = true}
      %add3A_197 = arith.constant 1 : i32
      %add3A_198 = arith.addi %mul3A_121, %add3A_197 : i32
      %mul3A_199 = arith.constant 40 : i32
      %mul3A_200 = arith.muli %add3A_198, %mul3A_199 : i32
      %dma_wait3A_201 = tpu.memref_slice %arg6[%mul3A_200] : memref<10000xi32, #tpu.memory_space<vmem>> -> memref<40xi32, #tpu.memory_space<vmem>>
      %dma_wait3A_202 = arith.constant 0 : i32
      %dma_wait3A_203 = arith.constant 0 : i32
      %dma_wait3A_204 = tpu.memref_slice %arg2[%dma_wait3A_202, %dma_wait3A_203] : memref<20000x128xf32, #tpu.memory_space<hbm>> -> memref<20000x128xf32, #tpu.memory_space<hbm>>
      tpu.wait_indirect_dma semaphore(%arg15 : memref<!tpu.dma_semaphore, #tpu.memory_space<semaphore_mem>>) src(%dma_wait3A_204 : memref<20000x128xf32, #tpu.memory_space<hbm>>) dst(%arg9 : memref<40x128xf32, #tpu.memory_space<vmem>>)
      %mul3A_205 = arith.constant 40 : i32
      %mul3A_206 = arith.muli %add3A_198, %mul3A_205 : i32
      %dma_start3A_207 = tpu.memref_slice %arg7[%mul3A_206] : memref<10000xi32, #tpu.memory_space<vmem>> -> memref<40xi32, #tpu.memory_space<vmem>>
      %dma_start3A_208 = arith.constant 0 : i32
      %dma_start3A_209 = arith.constant 0 : i32
      %dma_start3A_210 = tpu.memref_slice %arg13[%dma_start3A_208, %dma_start3A_209] : memref<10240x128xf32, #tpu.memory_space<vmem_shared>> -> memref<10240x128xf32, #tpu.memory_space<vmem_shared>>
      tpu.enqueue_indirect_dma source(%arg9 : memref<40x128xf32, #tpu.memory_space<vmem>>) target(%dma_start3A_210 : memref<10240x128xf32, #tpu.memory_space<vmem_shared>>) offsets(%dma_start3A_207 : memref<40xi32, #tpu.memory_space<vmem>>) semaphore(%arg20 : memref<!tpu.dma_semaphore, #tpu.memory_space<semaphore_mem>>) {add = true}
      %add3A_211 = arith.constant 2 : i32
      %add3A_212 = arith.addi %mul3A_121, %add3A_211 : i32
      %mul3A_213 = arith.constant 40 : i32
      %mul3A_214 = arith.muli %add3A_212, %mul3A_213 : i32
      %dma_wait3A_215 = tpu.memref_slice %arg6[%mul3A_214] : memref<10000xi32, #tpu.memory_space<vmem>> -> memref<40xi32, #tpu.memory_space<vmem>>
      %dma_wait3A_216 = arith.constant 0 : i32
      %dma_wait3A_217 = arith.constant 0 : i32
      %dma_wait3A_218 = tpu.memref_slice %arg2[%dma_wait3A_216, %dma_wait3A_217] : memref<20000x128xf32, #tpu.memory_space<hbm>> -> memref<20000x128xf32, #tpu.memory_space<hbm>>
      tpu.wait_indirect_dma semaphore(%arg16 : memref<!tpu.dma_semaphore, #tpu.memory_space<semaphore_mem>>) src(%dma_wait3A_218 : memref<20000x128xf32, #tpu.memory_space<hbm>>) dst(%arg10 : memref<40x128xf32, #tpu.memory_space<vmem>>)
      %mul3A_219 = arith.constant 40 : i32
      %mul3A_220 = arith.muli %add3A_212, %mul3A_219 : i32
      %dma_start3A_221 = tpu.memref_slice %arg7[%mul3A_220] : memref<10000xi32, #tpu.memory_space<vmem>> -> memref<40xi32, #tpu.memory_space<vmem>>
      %dma_start3A_222 = arith.constant 0 : i32
      %dma_start3A_223 = arith.constant 0 : i32
      %dma_start3A_224 = tpu.memref_slice %arg13[%dma_start3A_222, %dma_start3A_223] : memref<10240x128xf32, #tpu.memory_space<vmem_shared>> -> memref<10240x128xf32, #tpu.memory_space<vmem_shared>>
      tpu.enqueue_indirect_dma source(%arg10 : memref<40x128xf32, #tpu.memory_space<vmem>>) target(%dma_start3A_224 : memref<10240x128xf32, #tpu.memory_space<vmem_shared>>) offsets(%dma_start3A_221 : memref<40xi32, #tpu.memory_space<vmem>>) semaphore(%arg21 : memref<!tpu.dma_semaphore, #tpu.memory_space<semaphore_mem>>) {add = true}
      %add3A_225 = arith.constant 3 : i32
      %add3A_226 = arith.addi %mul3A_121, %add3A_225 : i32
      %mul3A_227 = arith.constant 40 : i32
      %mul3A_228 = arith.muli %add3A_226, %mul3A_227 : i32
      %dma_wait3A_229 = tpu.memref_slice %arg6[%mul3A_228] : memref<10000xi32, #tpu.memory_space<vmem>> -> memref<40xi32, #tpu.memory_space<vmem>>
      %dma_wait3A_230 = arith.constant 0 : i32
      %dma_wait3A_231 = arith.constant 0 : i32
      %dma_wait3A_232 = tpu.memref_slice %arg2[%dma_wait3A_230, %dma_wait3A_231] : memref<20000x128xf32, #tpu.memory_space<hbm>> -> memref<20000x128xf32, #tpu.memory_space<hbm>>
      tpu.wait_indirect_dma semaphore(%arg17 : memref<!tpu.dma_semaphore, #tpu.memory_space<semaphore_mem>>) src(%dma_wait3A_232 : memref<20000x128xf32, #tpu.memory_space<hbm>>) dst(%arg11 : memref<40x128xf32, #tpu.memory_space<vmem>>)
      %mul3A_233 = arith.constant 40 : i32
      %mul3A_234 = arith.muli %add3A_226, %mul3A_233 : i32
      %dma_start3A_235 = tpu.memref_slice %arg7[%mul3A_234] : memref<10000xi32, #tpu.memory_space<vmem>> -> memref<40xi32, #tpu.memory_space<vmem>>
      %dma_start3A_236 = arith.constant 0 : i32
      %dma_start3A_237 = arith.constant 0 : i32
      %dma_start3A_238 = tpu.memref_slice %arg13[%dma_start3A_236, %dma_start3A_237] : memref<10240x128xf32, #tpu.memory_space<vmem_shared>> -> memref<10240x128xf32, #tpu.memory_space<vmem_shared>>
      tpu.enqueue_indirect_dma source(%arg11 : memref<40x128xf32, #tpu.memory_space<vmem>>) target(%dma_start3A_238 : memref<10240x128xf32, #tpu.memory_space<vmem_shared>>) offsets(%dma_start3A_235 : memref<40xi32, #tpu.memory_space<vmem>>) semaphore(%arg22 : memref<!tpu.dma_semaphore, #tpu.memory_space<semaphore_mem>>) {add = true}
      %add3A_239 = arith.constant 4 : i32
      %add3A_240 = arith.addi %mul3A_121, %add3A_239 : i32
      %mul3A_241 = arith.constant 40 : i32
      %mul3A_242 = arith.muli %add3A_240, %mul3A_241 : i32
      %dma_wait3A_243 = tpu.memref_slice %arg6[%mul3A_242] : memref<10000xi32, #tpu.memory_space<vmem>> -> memref<40xi32, #tpu.memory_space<vmem>>
      %dma_wait3A_244 = arith.constant 0 : i32
      %dma_wait3A_245 = arith.constant 0 : i32
      %dma_wait3A_246 = tpu.memref_slice %arg2[%dma_wait3A_244, %dma_wait3A_245] : memref<20000x128xf32, #tpu.memory_space<hbm>> -> memref<20000x128xf32, #tpu.memory_space<hbm>>
      tpu.wait_indirect_dma semaphore(%arg18 : memref<!tpu.dma_semaphore, #tpu.memory_space<semaphore_mem>>) src(%dma_wait3A_246 : memref<20000x128xf32, #tpu.memory_space<hbm>>) dst(%arg12 : memref<40x128xf32, #tpu.memory_space<vmem>>)
      %mul3A_247 = arith.constant 40 : i32
      %mul3A_248 = arith.muli %add3A_240, %mul3A_247 : i32
      %dma_start3A_249 = tpu.memref_slice %arg7[%mul3A_248] : memref<10000xi32, #tpu.memory_space<vmem>> -> memref<40xi32, #tpu.memory_space<vmem>>
      %dma_start3A_250 = arith.constant 0 : i32
      %dma_start3A_251 = arith.constant 0 : i32
      %dma_start3A_252 = tpu.memref_slice %arg13[%dma_start3A_250, %dma_start3A_251] : memref<10240x128xf32, #tpu.memory_space<vmem_shared>> -> memref<10240x128xf32, #tpu.memory_space<vmem_shared>>
      tpu.enqueue_indirect_dma source(%arg12 : memref<40x128xf32, #tpu.memory_space<vmem>>) target(%dma_start3A_252 : memref<10240x128xf32, #tpu.memory_space<vmem_shared>>) offsets(%dma_start3A_249 : memref<40xi32, #tpu.memory_space<vmem>>) semaphore(%arg23 : memref<!tpu.dma_semaphore, #tpu.memory_space<semaphore_mem>>) {add = true}
    }
    %scan3A_89 = arith.constant 50 : i32
    %dma_wait3A = arith.constant 9800 : i32
    %dma_wait3A_90 = tpu.memref_slice %arg7[%dma_wait3A] : memref<10000xi32, #tpu.memory_space<vmem>> -> memref<40xi32, #tpu.memory_space<vmem>>
    %dma_wait3A_91 = arith.constant 0 : i32
    %dma_wait3A_92 = arith.constant 0 : i32
    %dma_wait3A_93 = tpu.memref_slice %arg13[%dma_wait3A_91, %dma_wait3A_92] : memref<10240x128xf32, #tpu.memory_space<vmem_shared>> -> memref<10240x128xf32, #tpu.memory_space<vmem_shared>>
    tpu.wait_indirect_dma semaphore(%arg19 : memref<!tpu.dma_semaphore, #tpu.memory_space<semaphore_mem>>) src(%arg8 : memref<40x128xf32, #tpu.memory_space<vmem>>) dst(%dma_wait3A_93 : memref<10240x128xf32, #tpu.memory_space<vmem_shared>>)
    %dma_wait3A_94 = arith.constant 9840 : i32
    %dma_wait3A_95 = tpu.memref_slice %arg7[%dma_wait3A_94] : memref<10000xi32, #tpu.memory_space<vmem>> -> memref<40xi32, #tpu.memory_space<vmem>>
    %dma_wait3A_96 = arith.constant 0 : i32
    %dma_wait3A_97 = arith.constant 0 : i32
    %dma_wait3A_98 = tpu.memref_slice %arg13[%dma_wait3A_96, %dma_wait3A_97] : memref<10240x128xf32, #tpu.memory_space<vmem_shared>> -> memref<10240x128xf32, #tpu.memory_space<vmem_shared>>
    tpu.wait_indirect_dma semaphore(%arg20 : memref<!tpu.dma_semaphore, #tpu.memory_space<semaphore_mem>>) src(%arg9 : memref<40x128xf32, #tpu.memory_space<vmem>>) dst(%dma_wait3A_98 : memref<10240x128xf32, #tpu.memory_space<vmem_shared>>)
    %dma_wait3A_99 = arith.constant 9880 : i32
    %dma_wait3A_100 = tpu.memref_slice %arg7[%dma_wait3A_99] : memref<10000xi32, #tpu.memory_space<vmem>> -> memref<40xi32, #tpu.memory_space<vmem>>
    %dma_wait3A_101 = arith.constant 0 : i32
    %dma_wait3A_102 = arith.constant 0 : i32
    %dma_wait3A_103 = tpu.memref_slice %arg13[%dma_wait3A_101, %dma_wait3A_102] : memref<10240x128xf32, #tpu.memory_space<vmem_shared>> -> memref<10240x128xf32, #tpu.memory_space<vmem_shared>>
    tpu.wait_indirect_dma semaphore(%arg21 : memref<!tpu.dma_semaphore, #tpu.memory_space<semaphore_mem>>) src(%arg10 : memref<40x128xf32, #tpu.memory_space<vmem>>) dst(%dma_wait3A_103 : memref<10240x128xf32, #tpu.memory_space<vmem_shared>>)
    %dma_wait3A_104 = arith.constant 9920 : i32
    %dma_wait3A_105 = tpu.memref_slice %arg7[%dma_wait3A_104] : memref<10000xi32, #tpu.memory_space<vmem>> -> memref<40xi32, #tpu.memory_space<vmem>>
    %dma_wait3A_106 = arith.constant 0 : i32
    %dma_wait3A_107 = arith.constant 0 : i32
    %dma_wait3A_108 = tpu.memref_slice %arg13[%dma_wait3A_106, %dma_wait3A_107] : memref<10240x128xf32, #tpu.memory_space<vmem_shared>> -> memref<10240x128xf32, #tpu.memory_space<vmem_shared>>
    tpu.wait_indirect_dma semaphore(%arg22 : memref<!tpu.dma_semaphore, #tpu.memory_space<semaphore_mem>>) src(%arg11 : memref<40x128xf32, #tpu.memory_space<vmem>>) dst(%dma_wait3A_108 : memref<10240x128xf32, #tpu.memory_space<vmem_shared>>)
    %dma_wait3A_109 = arith.constant 9960 : i32
    %dma_wait3A_110 = tpu.memref_slice %arg7[%dma_wait3A_109] : memref<10000xi32, #tpu.memory_space<vmem>> -> memref<40xi32, #tpu.memory_space<vmem>>
    %dma_wait3A_111 = arith.constant 0 : i32
    %dma_wait3A_112 = arith.constant 0 : i32
    %dma_wait3A_113 = tpu.memref_slice %arg13[%dma_wait3A_111, %dma_wait3A_112] : memref<10240x128xf32, #tpu.memory_space<vmem_shared>> -> memref<10240x128xf32, #tpu.memory_space<vmem_shared>>
    tpu.wait_indirect_dma semaphore(%arg23 : memref<!tpu.dma_semaphore, #tpu.memory_space<semaphore_mem>>) src(%arg12 : memref<40x128xf32, #tpu.memory_space<vmem>>) dst(%dma_wait3A_113 : memref<10240x128xf32, #tpu.memory_space<vmem_shared>>)
    %barrier3A_114 = arith.constant 0 : index
    tpu.barrier barrier_id(%barrier3A_114)
    %mul3A_115 = arith.constant 640 : i32
    %mul3A_116 = arith.muli %arg1, %mul3A_115 : i32
    %mul3A_117 = arith.constant 640 : i32
    %mul3A_118 = arith.muli %arg1, %mul3A_117 : i32
    "tpu.region"() ({
      %run_scoped3A = tpu.sem_alloc : memref<!tpu.dma_semaphore, #tpu.memory_space<semaphore_mem>>
      %dma_start3A = arith.constant 0 : i32
      %dma_start3A_119 = tpu.memref_slice %arg5[%arg0, %mul3A_118, %dma_start3A] : memref<2x10240x128xf32, #tpu.memory_space<hbm>> -> memref<1x640x128xf32, #tpu.memory_space<hbm>>
      %dma_start3A_120 = tpu.memref_squeeze %dma_start3A_119 : memref<1x640x128xf32, #tpu.memory_space<hbm>> -> memref<640x128xf32, #tpu.memory_space<hbm>>
      %dma_start3A_121 = arith.constant 0 : i32
      %dma_start3A_122 = tpu.memref_slice %arg13[%mul3A_116, %dma_start3A_121] : memref<10240x128xf32, #tpu.memory_space<vmem_shared>> -> memref<640x128xf32, #tpu.memory_space<vmem_shared>>
      tpu.enqueue_dma source(%dma_start3A_122 : memref<640x128xf32, #tpu.memory_space<vmem_shared>>) target(%dma_start3A_120 : memref<640x128xf32, #tpu.memory_space<hbm>>) target_semaphore(%run_scoped3A : memref<!tpu.dma_semaphore, #tpu.memory_space<semaphore_mem>>)
      %dma_wait3A_123 = arith.constant 0 : i32
      %dma_wait3A_124 = tpu.memref_slice %arg5[%arg0, %mul3A_118, %dma_wait3A_123] : memref<2x10240x128xf32, #tpu.memory_space<hbm>> -> memref<1x640x128xf32, #tpu.memory_space<hbm>>
      %dma_wait3A_125 = tpu.memref_squeeze %dma_wait3A_124 : memref<1x640x128xf32, #tpu.memory_space<hbm>> -> memref<640x128xf32, #tpu.memory_space<hbm>>
      %dma_wait3A_126 = arith.constant 0 : i32
      %dma_wait3A_127 = tpu.memref_slice %arg13[%mul3A_116, %dma_wait3A_126] : memref<10240x128xf32, #tpu.memory_space<vmem_shared>> -> memref<640x128xf32, #tpu.memory_space<vmem_shared>>
      tpu.wait_dma2 semaphore(%run_scoped3A : memref<!tpu.dma_semaphore, #tpu.memory_space<semaphore_mem>>) src(%dma_wait3A_127 : memref<640x128xf32, #tpu.memory_space<vmem_shared>>) dst(%dma_wait3A_125 : memref<640x128xf32, #tpu.memory_space<hbm>>)
      tpu.yield
    }) : () -> ()
    return
  }
}

module attributes {stable_mosaic.version = 14 : i64} {
  func.func @body(%arg0: i32, %arg1: memref<2000x256xf32, #tpu.memory_space<vmem>>, %arg2: memref<1x2000x128xf32, #tpu.memory_space<vmem>>, %arg3: memref<2x2000x128xf32, #tpu.memory_space<vmem>>) attributes {dimension_semantics = [#tpu.dimension_semantics<arbitrary>], iteration_bounds = array<i64: 5>, scalar_prefetch = 0 : i64, scratch_operands = 0 : i64, tpu.core_type = #tpu.core_type<tc>, window_params = [{transform_indices = @transform_0, window_bounds = array<i64: 2000, 256>}, {transform_indices = @transform_1, window_bounds = array<i64: 1, 2000, 128>}, {transform_indices = @transform_2, window_bounds = array<i64: 2, 2000, 128>}]} {
    %get3A = arith.constant 0 : index
    %get3A_0 = arith.constant 0 : index
    %get3A_1 = arith.constant 0 : index
    %get3A_2 = vector.load %arg2[%get3A, %get3A_0, %get3A_1] : memref<1x2000x128xf32, #tpu.memory_space<vmem>>, vector<1x2000x1xf32>
    %get3A_3 = vector.shape_cast %get3A_2 : vector<1x2000x1xf32> to vector<2000x1xf32>
    %max3A = arith.constant 1.000000e+00 : f32
    %max3A_4 = vector.broadcast %max3A : f32 to vector<2000x1xf32>
    %max3A_5 = arith.maximumf %get3A_3, %max3A_4 : vector<2000x1xf32>
    %rsqrt3A = math.rsqrt %max3A_5 : vector<2000x1xf32>
    %get3A_6 = arith.constant 0 : index
    %get3A_7 = arith.constant 0 : index
    %get3A_8 = vector.load %arg1[%get3A_6, %get3A_7] : memref<2000x256xf32, #tpu.memory_space<vmem>>, vector<2000x256xf32>
    %mul3A = vector.broadcast %rsqrt3A : vector<2000x1xf32> to vector<2000x256xf32>
    %mul3A_9 = arith.mulf %get3A_8, %mul3A : vector<2000x256xf32>
    %slice3A = vector.extract_strided_slice %mul3A_9 {offsets = [0, 0], sizes = [2000, 128], strides = [1, 1]} : vector<2000x256xf32> to vector<2000x128xf32>
    %swap3A = arith.constant 0 : index
    %swap3A_10 = arith.constant 0 : index
    %swap3A_11 = arith.constant 0 : index
    %swap3A_12 = vector.load %arg3[%swap3A, %swap3A_10, %swap3A_11] : memref<2x2000x128xf32, #tpu.memory_space<vmem>>, vector<1x2000x128xf32>
    %swap3A_13 = vector.shape_cast %swap3A_12 : vector<1x2000x128xf32> to vector<2000x128xf32>
    %swap3A_14 = vector.shape_cast %slice3A : vector<2000x128xf32> to vector<1x2000x128xf32>
    tpu.vector_store %arg3[%swap3A, %swap3A_10, %swap3A_11], %swap3A_14 {strides = array<i32>} : memref<2x2000x128xf32, #tpu.memory_space<vmem>>, vector<1x2000x128xf32>,
    %slice3A_15 = vector.extract_strided_slice %mul3A_9 {offsets = [0, 128], sizes = [2000, 128], strides = [1, 1]} : vector<2000x256xf32> to vector<2000x128xf32>
    %swap3A_16 = arith.constant 1 : index
    %swap3A_17 = arith.constant 0 : index
    %swap3A_18 = arith.constant 0 : index
    %swap3A_19 = vector.load %arg3[%swap3A_16, %swap3A_17, %swap3A_18] : memref<2x2000x128xf32, #tpu.memory_space<vmem>>, vector<1x2000x128xf32>
    %swap3A_20 = vector.shape_cast %swap3A_19 : vector<1x2000x128xf32> to vector<2000x128xf32>
    %swap3A_21 = vector.shape_cast %slice3A_15 : vector<2000x128xf32> to vector<1x2000x128xf32>
    tpu.vector_store %arg3[%swap3A_16, %swap3A_17, %swap3A_18], %swap3A_21 {strides = array<i32>} : memref<2x2000x128xf32, #tpu.memory_space<vmem>>, vector<1x2000x128xf32>,
    return
  }
  func.func @transform_0(%arg0: i32) -> (i32, i32) {
    %c0_i32 = arith.constant 0 : i32
    %c0_i32_0 = arith.constant 0 : i32
    return %arg0, %c0_i32 : i32, i32
  }
  func.func @transform_1(%arg0: i32) -> (i32, i32, i32) {
    %c0_i32 = arith.constant 0 : i32
    %c0_i32_0 = arith.constant 0 : i32
    %c0_i32_1 = arith.constant 0 : i32
    return %c0_i32, %arg0, %c0_i32_0 : i32, i32, i32
  }
  func.func @transform_2(%arg0: i32) -> (i32, i32, i32) {
    %c0_i32 = arith.constant 0 : i32
    %c0_i32_0 = arith.constant 0 : i32
    %c0_i32_1 = arith.constant 0 : i32
    return %c0_i32, %arg0, %c0_i32_0 : i32, i32, i32
  }
}

module attributes {stable_mosaic.version = 14 : i64} {
  func.func @body(%arg0: i32, %arg1: memref<2x2000x128xf32, #tpu.memory_space<vmem>>, %arg2: memref<1x2000x128xf32, #tpu.memory_space<vmem>>, %arg3: memref<256x256xf32, #tpu.memory_space<vmem>>, %arg4: memref<2000x256xf32, #tpu.memory_space<vmem>>) attributes {dimension_semantics = [#tpu.dimension_semantics<arbitrary>], iteration_bounds = array<i64: 5>, scalar_prefetch = 0 : i64, scratch_operands = 0 : i64, tpu.core_type = #tpu.core_type<tc>, window_params = [{transform_indices = @transform_0, window_bounds = array<i64: 2, 2000, 128>}, {transform_indices = @transform_1, window_bounds = array<i64: 1, 2000, 128>}, {pipeline_mode = #tpu.pipeline_mode<synchronous>, transform_indices = @transform_2, window_bounds = array<i64: 256, 256>}, {transform_indices = @transform_3, window_bounds = array<i64: 2000, 256>}]} {
    %get3A = arith.constant 0 : index
    %get3A_0 = arith.constant 0 : index
    %get3A_1 = arith.constant 0 : index
    %get3A_2 = vector.load %arg2[%get3A, %get3A_0, %get3A_1] : memref<1x2000x128xf32, #tpu.memory_space<vmem>>, vector<1x2000x1xf32>
    %get3A_3 = vector.shape_cast %get3A_2 : vector<1x2000x1xf32> to vector<2000x1xf32>
    %max3A = arith.constant 1.000000e+00 : f32
    %max3A_4 = vector.broadcast %max3A : f32 to vector<2000x1xf32>
    %max3A_5 = arith.maximumf %get3A_3, %max3A_4 : vector<2000x1xf32>
    %rsqrt3A = math.rsqrt %max3A_5 : vector<2000x1xf32>
    %get3A_6 = arith.constant 0 : index
    %get3A_7 = arith.constant 0 : index
    %get3A_8 = arith.constant 0 : index
    %get3A_9 = vector.load %arg1[%get3A_6, %get3A_7, %get3A_8] : memref<2x2000x128xf32, #tpu.memory_space<vmem>>, vector<1x2000x128xf32>
    %get3A_10 = vector.shape_cast %get3A_9 : vector<1x2000x128xf32> to vector<2000x128xf32>
    %get3A_11 = arith.constant 1 : index
    %get3A_12 = arith.constant 0 : index
    %get3A_13 = arith.constant 0 : index
    %get3A_14 = vector.load %arg1[%get3A_11, %get3A_12, %get3A_13] : memref<2x2000x128xf32, #tpu.memory_space<vmem>>, vector<1x2000x128xf32>
    %get3A_15 = vector.shape_cast %get3A_14 : vector<1x2000x128xf32> to vector<2000x128xf32>
    %concatenate3A = tpu.concatenate %get3A_10, %get3A_15 in 1 : vector<2000x128xf32>, vector<2000x128xf32> -> vector<2000x256xf32>
    %mul3A = vector.broadcast %rsqrt3A : vector<2000x1xf32> to vector<2000x256xf32>
    %mul3A_16 = arith.mulf %concatenate3A, %mul3A : vector<2000x256xf32>
    %get3A_17 = arith.constant 0 : index
    %get3A_18 = arith.constant 0 : index
    %get3A_19 = vector.load %arg3[%get3A_17, %get3A_18] : memref<256x256xf32, #tpu.memory_space<vmem>>, vector<256x256xf32>
    %dot_general3A = arith.constant dense<0.000000e+00> : vector<2000x256xf32>
    %dot_general3A_20 = tpu.matmul %mul3A_16, %get3A_19, %dot_general3A {dimension_numbers = #tpu.dot_dimension_numbers<[1], [0], [0], [1], [0, 0, 1, 1], [], []>, transpose_lhs_hint = false} : vector<2000x256xf32>, vector<256x256xf32>, vector<2000x256xf32> -> vector<2000x256xf32>
    %swap3A = arith.constant 0 : index
    %swap3A_21 = arith.constant 0 : index
    %swap3A_22 = vector.load %arg4[%swap3A, %swap3A_21] : memref<2000x256xf32, #tpu.memory_space<vmem>>, vector<2000x256xf32>
    tpu.vector_store %arg4[%swap3A, %swap3A_21], %dot_general3A_20 {strides = array<i32>} : memref<2000x256xf32, #tpu.memory_space<vmem>>, vector<2000x256xf32>,
    return
  }
  func.func @transform_0(%arg0: i32) -> (i32, i32, i32) {
    %c0_i32 = arith.constant 0 : i32
    %c0_i32_0 = arith.constant 0 : i32
    %c0_i32_1 = arith.constant 0 : i32
    return %c0_i32, %arg0, %c0_i32_0 : i32, i32, i32
  }
  func.func @transform_1(%arg0: i32) -> (i32, i32, i32) {
    %c1_i32 = arith.constant 1 : i32
    %c0_i32 = arith.constant 0 : i32
    %c0_i32_0 = arith.constant 0 : i32
    return %c1_i32, %arg0, %c0_i32 : i32, i32, i32
  }
  func.func @transform_2(%arg0: i32) -> (i32, i32) {
    %c0_i32 = arith.constant 0 : i32
    %c0_i32_0 = arith.constant 0 : i32
    %c0_i32_1 = arith.constant 0 : i32
    return %c0_i32, %c0_i32_0 : i32, i32
  }
  func.func @transform_3(%arg0: i32) -> (i32, i32) {
    %c0_i32 = arith.constant 0 : i32
    %c0_i32_0 = arith.constant 0 : i32
    return %arg0, %c0_i32 : i32, i32
  }
}

</mosaic_0001>

<sc_bundles>
// kernel: kernel.6.cloned.1.call-start
scs
__scs_entry_jumppad:
0x0: {  	(pc) =	sbr.rel $0x88, $3  }
0x1: {  	(tag) =	ssettag $0x0;
	lr =	simm.s32 $0x1  }
0x2: {  	[smem:$0x3F9E] =	sst lr;
	_ =	strace $0xD0000000  }
0x3: {  	_ = 	snop  }
0x4: {  	_ = 	snop  }
0x5: {  	_ = 	snop  }
0x6: {  	_ = 	snop  }
0x7: {  	_ = 	snop  }
__scs_overlays_trampoline_lowered:
0x8: {  	[smem:$0x3FAD] =	sst s0  }
0x9: {  	[smem:$0x3FAE] =	sst s1  }
0xa: {  	[smem:$0x3FAF] =	sst s2  }
0xb: {  	[smem:$0x3FB0] =	sst s3  }
0xc: {  	[smem:$0x3FB1] =	sst s4  }
0xd: {  	[smem:$0x3FB2] =	sst s5  }
0xe: {  	[smem:$0x3FB3] =	sst s6  }
0xf: {  	[smem:$0x3FB4] =	sst s7  }
0x10: {  	[smem:$0x3FB5] =	sst s8  }
0x11: {  	[smem:$0x3FB6] =	sst s9;
	s0 =	simm.s32 @!p0 $0x0  }
0x12: {  	s1 =	sld [smem:$0x3F9C];
	s0 =	simm.s32 @p0 $0x1  }
0x13: {  	[smem:$0x3FB7] =	sst s0;
	s0 =	simm.s32 @!p1 $0x0  }
0x14: {  	s2 =	sld [smem:$0x3F9B];
	s0 =	simm.s32 @p1 $0x1  }
0x15: {  	[smem:$0x3FB8] =	sst s0;
	s0 =	simm.s32 @!p2 $0x0  }
0x16: {  	s3 =	sld [smem:$0x3FDB];
	s0 =	simm.s32 @p2 $0x1  }
0x17: {  	s4 =	simm.s32 $0x1BF5;
	[smem:$0x3FBA] =	sst s0  }
0x18: {  	s0 =	sld [smem:$0x3F9D];
	_ =	swait.ge [sflag:s4], $0x0  }
0x19: {  	s7 =	sld [smem:$0x3F9E]  }
0x1a: {  	s8 =	sadd.s32 $0xFFFFE003, lr  }
0x1b: {  	s9 =	sadd.s32 $0xFFFFFEF7, lr;
	s5 =	simm.s32 $0xFFFFFFFF;
	p2 =	slt.u32 s8, $0xFFFFF086  }
0x1c: {  	p1 =	slt.u32 s9, $0xF7A;
	s5 =	simm.s32 @!p2 $0x0  }
0x1d: {  	s5 =	simm.s32 @p1 $0x1;
	p0 =	seq.s32 s7, s2  }
0x1e: {  	s7 =	smul.u32 @!p0 $0xF7A, s2;
	p2 =	seq.s32 @!p0 s5, $0x0  }
0x1f: {  	s9 =	smul.u32 $0xF7A, s1;
	s8 =	simm.s32 @!p0 $0x1BF5;
	p2 =	por !p2, p0  }
0x20: {  	[sflag:s8] =	ssyncset.s32 @!p0 $0xFFFFF086;
	s6 =	sadd.s32 @!p0 s3, s7;
	s7 =	simm.s32 @!p0 $0x108  }
0x21: {  	s3 =	sadd.s32 s3, s9;
	s6 =	sadd.s32 @!p0 $0x88, s6;
	s7 =	simm.s32 @p2 $0x1082  }
0x22: {  	[simem:s7], [sflag:s8] =	dma.local @!p0 [hbm:s6], $0xF7A  }
0x23: {  	s9 =	sor.u32 $0xD0000000, s2;
	s6 =	simm.s32 $0x108;
	_ =	swait.ge @!p0 [sflag:s8], $0x0  }
0x24: {  	s3 =	sadd.s32 $0x88, s3;
	s6 =	simm.s32 @!p1 $0x1082;
	[sflag:s4] =	ssyncset.s32 $0xFFFFF086  }
0x25: {  	[simem:s6], [sflag:s4] =	dma.local [hbm:s3], $0xF7A  }
0x26: {  	[smem:$0x3F9E] =	sst s1;
	(tag) =	ssettag s2;
	_ =	strace s9  }
0x27: {  	s1 =	sld [smem:$0x3FAE]  }
0x28: {  	s2 =	sld [smem:$0x3FAF]  }
0x29: {  	s4 =	sld [smem:$0x3FB1]  }
0x2a: {  	p0 =	seq.s32 s5, $0x0;
	s5 =	sld [smem:$0x3FB2]  }
0x2b: {  	s6 =	sld [smem:$0x3FB3]  }
0x2c: {  	s7 =	sld [smem:$0x3FB4]  }
0x2d: {  	s3 =	simm.s32 $0x108;
	s8 =	sld [smem:$0x3FB5]  }
0x2e: {  	s3 =	simm.s32 @!p0 $0x1082;
	s9 =	sld [smem:$0x3FB6]  }
0x2f: {  	lr =	sadd.s32 s0, s3;
	s0 =	sld [smem:$0x3FAD]  }
0x30: {  	s3 =	sld [smem:$0x3FB0]  }
0x31: {  	[smem:$0x3FB9] =	sst s10  }
0x32: {  	s10 =	sld [smem:$0x3FB7];
	_ =	sdelay $0x3  }
0x33: {  	p0 =	seq.s32 s10, $0x1;
	s10 =	sld [smem:$0x3FB9];
	_ =	sdelay $0x3  }
0x34: {  	[smem:$0x3FB9] =	sst s10  }
0x35: {  	s10 =	sld [smem:$0x3FB8];
	_ =	sdelay $0x3  }
0x36: {  	p1 =	seq.s32 s10, $0x1;
	s10 =	sld [smem:$0x3FB9];
	_ =	sdelay $0x3  }
0x37: {  	[smem:$0x3FB9] =	sst s10  }
0x38: {  	s10 =	sld [smem:$0x3FBA]  }
0x39: {  	_ = 	snop;
	(pc) =	sbr.ind lr, $3  }
0x3a: {  	_ = 	snop  }
0x3b: {  	_ = 	snop  }
0x3c: {  	p2 =	seq.s32 s10, $0x1;
	s10 =	sld [smem:$0x3FB9]  }
0x3d: {  	_ =	shalt  }
0x3e: {  	_ =	shalt  }
0x3f: {  	_ =	shalt  }
0x40: {  	_ =	shalt  }
0x41: {  	_ =	shalt  }
0x42: {  	_ =	shalt  }
0x43: {  	_ =	shalt  }
0x44: {  	_ =	shalt  }
0x45: {  	_ =	shalt  }
0x46: {  	_ =	shalt  }
0x47: {  	_ =	shalt  }
0x48: {  	_ =	shalt  }
0x49: {  	_ =	shalt  }
0x4a: {  	_ =	shalt  }
0x4b: {  	_ =	shalt  }
0x4c: {  	_ =	shalt  }
0x4d: {  	_ =	shalt  }
0x4e: {  	_ =	shalt  }
0x4f: {  	_ =	shalt  }
0x50: {  	_ =	shalt  }
0x51: {  	_ =	shalt  }
0x52: {  	_ =	shalt  }
0x53: {  	_ =	shalt  }
0x54: {  	_ =	shalt  }
0x55: {  	_ =	shalt  }
0x56: {  	_ =	shalt  }
0x57: {  	_ =	shalt  }
0x58: {  	_ =	shalt  }
0x59: {  	_ =	shalt  }
0x5a: {  	_ =	shalt  }
0x5b: {  	_ =	shalt  }
0x5c: {  	_ =	shalt  }
0x5d: {  	_ =	shalt  }
0x5e: {  	_ =	shalt  }
0x5f: {  	_ =	shalt  }
0x60: {  	_ =	shalt  }
0x61: {  	_ =	shalt  }
0x62: {  	_ =	shalt  }
0x63: {  	_ =	shalt  }
0x64: {  	_ =	shalt  }
0x65: {  	_ =	shalt  }
0x66: {  	_ =	shalt  }
0x67: {  	_ =	shalt  }
0x68: {  	_ =	shalt  }
0x69: {  	_ =	shalt  }
0x6a: {  	_ =	shalt  }
0x6b: {  	_ =	shalt  }
0x6c: {  	_ =	shalt  }
0x6d: {  	_ =	shalt  }
0x6e: {  	_ =	shalt  }
0x6f: {  	_ =	shalt  }
0x70: {  	_ =	shalt  }
0x71: {  	_ =	shalt  }
0x72: {  	_ =	shalt  }
0x73: {  	_ =	shalt  }
0x74: {  	_ =	shalt  }
0x75: {  	_ =	shalt  }
0x76: {  	_ =	shalt  }
0x77: {  	_ =	shalt  }
0x78: {  	_ =	shalt  }
0x79: {  	_ =	shalt  }
0x7a: {  	_ =	shalt  }
0x7b: {  	_ =	shalt  }
0x7c: {  	_ =	shalt  }
0x7d: {  	_ =	shalt  }
0x7e: {  	_ =	shalt  }
0x7f: {  	_ =	shalt  }
0x80: {  	_ =	shalt  }
0x81: {  	_ =	shalt  }
0x82: {  	_ =	shalt  }
0x83: {  	_ =	shalt  }
0x84: {  	_ =	shalt  }
0x85: {  	_ =	shalt  }
0x86: {  	_ =	shalt  }
0x87: {  	_ =	shalt  }
.Lfunc_end0:
.L_simem_size_0:
called_computation_lowered:
.L_overlay_start_0:
0x88: {  	s2 =	sld [smem:$0x3FD9]  }
0x89: {  	s3 =	sld [smem:$0x3FFE];
	_ =	sdelay $0x1  }
0x8a: {  	s1 =	srdreg.scid  }
0x8b: {  	s0 =	sand.u32 $0x1, s1  }
0x8c: {  	s17 =	sshll.u32 s0, $0xA;
	s2 =	sadd.s32 s3, s2  }
0x8d: {  	s2 =	sadd.s32 s2, s17  }
0x8e: {  	[smem:$0x3FC5] =	sst s2  }
0x8f: {  	_ = 	snop  }
0x90: {  	s2 =	sld [smem:$0x3FD0];
	(tm) =	ssettm $0x1  }
0x91: {  	s18 =	sld [smem:$0x3FFB];
	_ =	sdelay $0x3  }
0x92: {  	_ =	strace s18  }
0x93: {  	s3 =	sld [smem:$0x3FFC];
	_ =	sdelay $0x3  }
0x94: {  	_ =	strace s3  }
0x95: {  	s3 =	sld [smem:$0x3FFD];
	_ =	sdelay $0x3  }
0x96: {  	_ =	strace s3  }
0x97: {  	_ =	strace $0x8FFFFFFF  }
0x98: {  	s19 =	sld [smem:$0x3FDB];
	_ =	sdelay $0x1  }
0x99: {  	s4 =	simm.s32 $_scs_section_size  }
0x9a: {  	s5 =	simm.s32 $_size__tile_overlayer_lowered;
	s6 =	simm.s32 $_tile_overlayer_lowered  }
0x9b: {  	s22 =	simm.s32 $0x1BFF;
	s21 =	sshll.u32 s6, $0x1;
	s3 =	sadd.s32 s4, s19  }
0x9c: {  	s7 =	simm.s32 $0x0;
	s20 =	sshll.u32 s5, $0x1;
	s5 =	sadd.s32 s21, s3  }
0x9d: {  	[timem:s7], [sflag:s22] =	dma.local [hbm:s5], s20  }
0x9e: {  	_ =	swait.ge [sflag:s22], s20  }
0x9f: {  	s4 =	ssub.s32 $0x0, s20;
	[sflag:s22] =	ssyncset.done $0x0  }
0xa0: {  	[sflag:s22] =	ssyncadd.s32 s4;
	_ =	sdelay $0x1  }
0xa1: {  	s23 =	simm.s32 $0x1B8B  }
0xa2: {  	_ =	swait.ge [sflag:s23], $0x1  }
0xa3: {  	[sflag:s23] =	ssyncset.done $0x0  }
0xa4: {  	s25 =	simm.s32 $0x1B8E;
	s24 =	sld [smem:$0x3FFE];
	[sflag:s23] =	ssyncadd.s32 $0xFFFFFFFF  }
0xa5: {  	s26 =	simm.s32 $execute0_lowered;
	[smem:$0x3FD2] =	sst s25  }
0xa6: {  	s5 =	sshll.u32 s26, $0x1;
	_ =	strace $0x80000046;
	[dreg:$0x1] =	wrdreg $0xFFFFFFFF  }
0xa7: {  	s28 =	simm.s32 $_size_execute0_lowered;
	s3 =	sadd.s32 s3, s5;
	[dreg:$0x0] =	wrdreg $0x0  }
0xa8: {  	s5 =	sshll.u32 s28, $0x1;
	[dreg:$0x2] =	wrdreg s3  }
0xa9: {  	[dreg:$0x3] =	wrdreg s5  }
0xaa: {  	[dreg:$0x4] =	wrdreg $0xC0  }
0xab: {  	_ =	task [dreg:s7], $0x5FFFF  }
0xac: {  	[dreg:$0x1] =	wrdreg $0xFFFFFFFF  }
0xad: {  	[dreg:$0x0] =	wrdreg $0x60  }
0xae: {  	[dreg:$0x2] =	wrdreg s2  }
0xaf: {  	[dreg:$0x3] =	wrdreg s24  }
0xb0: {  	[dreg:$0x4] =	wrdreg $0x4F800  }
0xb1: {  	[dreg:$0x5] =	wrdreg $0x9  }
0xb2: {  	_ =	task.clear_ibuf [dreg:s7], $0x6FFFF;
	_ =	strace $0x90000046  }
0xb3: {  	s29 =	simm.s32 $0x9;
	_ =	strace $0x80000048  }
0xb4: {  	_ =	swait.ge [sflag:s29], $0x1  }
0xb5: {  	[sflag:s29] =	ssyncadd.s32 $0xFFFFFFFF  }
0xb6: {  	_ =	strace $0x90000048  }
0xb7: {  	_ =	sfence  }
0xb8: {  	s30 =	sld [smem:$0x0];
	_ =	sdelay $0x2  }
0xb9: {  	s31 =	sshll.u32 s1, $0xD;
	s1 =	sshrl.u32 s1, $0x2  }
0xba: {  	s3 =	sand.u32 $0x4000, s31;
	s1 =	sadd.s32 s1, s30  }
0xbb: {  	s0 =	sor.u32 s3, s0;
	s1 =	sshll.u32 s1, $0x11  }
0xbc: {  	s0 =	sor.u32 s1, s0  }
0xbd: {  	s0 =	sadd.s32 $0x8F2B, s0  }
0xbe: {  	[sflag:s0] =	ssyncadd.remote.s32 $0x1  }
0xbf: {  	_ =	sfence.sel $0xFFFF  }
0xc0: {  	[dreg:$0x0] =	wrdreg $0xFFFFFFFF;
	(pc) =	sbr.abs _section_cstart, $3  }
0xc1: {  	[dreg:$0x1] =	wrdreg $0xFFFFFFFF  }
0xc2: {  	_ =	task.clear_ibuf [dreg:s7], $0x2FFFF;
	_ =	strace $0x9FFFFFFF  }
0xc3: {  	(tm) =	ssettm $0x7FFFFFFF  }
tec
execute0_lowered:
.L_overlay_start_1:
0x0: {  	(tag) =	ssettag $0x1  }
0x1: {  	s12 =	rddreg [dreg:$0x0]  }
0x2: {  	s5 =	rddreg [dreg:$0x1]  }
0x3: {  	s0 =	srdreg.scid;
	s2 =	rddreg [dreg:$0x2]  }
0x4: {  	s1 =	rddreg [dreg:$0x3];
	s4 =	sand.u32 $0x1, s0  }
0x5: {  	s3 =	simm.s32 $0x0;
	s0 =	stileid.u32;
	s6 =	smul.u32 $0x140000, s4  }
0x6: {  	s16 =	simm.s32 $0x2;
	s17 =	simm.s32 $0x50;
	s7 =	smul.u32 $0x14000, s0  }
0x7: {  	s18 =	simm.s32 $0x1;
	[smem:$0x7FF] =	sst s3;
	s30 =	smul.u32 $0x50000, s0  }
0x8: {  	_ =	strace $0x80000047;
	s8 =	ssub.s32 $0x2, s4;
	s9 =	smul.u32 $0x27100, s4  }
0x9: {  	s11 =	smul.u32 $0x2710, s0;
	s19 =	sshll.u32 s0, $0x6;
	s10 =	sshrl.u32 s8, $0x1  }
0xa: {  	s19 =	sor.u32 $0x1C02, s19;
	s6 =	sadd.s32 s7, s6;
	s7 =	sshrl.u32 s30, $0x2  }
0xb: {  	s14 =	ssub.s32 s8, s10;
	s31 =	sadd.s32 s11, s9;
	s6 =	sshrl.u32 s6, $0x3  }
0xc: {  	s4 =	sadd.s32 s7, s2;
	s15 =	sshrl.u32 s31, $0x3;
	s14 =	smax.u32 s14, $0x1  }
0xd: {  	s13 =	sadd.s32 s6, s5;
	s5 =	sadd.s32 $0x2800, s4;
	s6 =	sadd.s32 $0x5000, s4  }
0xe: {  	s7 =	sadd.s32 $0x7800, s4;
	s8 =	sadd.s32 $0xA000, s4;
	s9 =	sadd.s32 $0xC800, s4  }
0xf: {  	s10 =	sadd.s32 $0xF000, s4;
	s11 =	sadd.s32 $0x11800, s4;
	s12 =	sadd.s32 s12, s15  }
0x10: {  	v0 =	vimm.f32 $0.0e+00;
	v1 =	vimm.f32 $1.000000000e+00;
	s15 =	simm.s32 $0x2780;
	s20 =	sshrl.u32 s4, $0x3;
	s13 =	sadd.s32 $0x2000, s13  }
.LBB2_1:
0x11: {  	s21 =	simm.s32 $0x0;
	s22 =	simm.s32 $0x200  }
.LBB2_2:
0x12: {  	p0 =	sne.s32 s22, $0x9E00;
	[tilespmem:s21+$0x27F0] =	vst v0  }
0x13: {  	[tilespmem:s21+$0x2780] =	vst v0  }
0x14: {  	[tilespmem:s21+$0x2790] =	vst v0  }
.Ltmp0:
0x15: {  	[tilespmem:s21+$0x27A0] =	vst v0;
	(pc) =	sbr.rel @p0 .LBB2_2-.Ltmp0, $4  }
0x16: {  	[tilespmem:s21+$0x27B0] =	vst v0  }
0x17: {  	[tilespmem:s21+$0x27C0] =	vst v0  }
0x18: {  	[tilespmem:s21+$0x27D0] =	vst v0  }
0x19: {  	[tilespmem:s21+$0x27E0] =	vst v0;
	s21 =	sshra.s32 s22, $0x2;
	s22 =	sadd.s32 $0x200, s22  }
0x1a: {  	[tilespmem:s21+$0x27F0] =	vst v0  }
0x1b: {  	[tilespmem:s21+$0x2780] =	vst v0  }
0x1c: {  	[tilespmem:s21+$0x2790] =	vst v0  }
0x1d: {  	[tilespmem:s21+$0x27A0] =	vst v0  }
0x1e: {  	[tilespmem:s21+$0x27B0] =	vst v0  }
0x1f: {  	[tilespmem:s21+$0x27C0] =	vst v0  }
0x20: {  	[tilespmem:s21+$0x27D0] =	vst v0  }
0x21: {  	[tilespmem:s21+$0x27E0] =	vst v0  }
0x22: {  	[spmem:s4] =	stream.linear.scatter [tilespmem:s15], [sflag:$0x2], $0x2800, $0x38;
	[tilespmem:$0x18F80] =	vst v63  }
0x23: {  	_ =	swait.ge [sflag:s16], $0x2800  }
0x24: {  	[sflag:s16] =	ssyncset.done $0x0  }
0x25: {  	[sflag:s16] =	ssyncadd.s32 $0xFFFFD800  }
0x26: {  	[spmem:s5] =	stream.linear.scatter [tilespmem:s15], [sflag:$0x2], $0x2800, $0x38;
	[tilespmem:$0x18F80] =	vst v63  }
0x27: {  	_ =	swait.ge [sflag:s16], $0x2800  }
0x28: {  	[sflag:s16] =	ssyncset.done $0x0  }
0x29: {  	[sflag:s16] =	ssyncadd.s32 $0xFFFFD800  }
0x2a: {  	[spmem:s6] =	stream.linear.scatter [tilespmem:s15], [sflag:$0x2], $0x2800, $0x38;
	[tilespmem:$0x18F80] =	vst v63  }
0x2b: {  	_ =	swait.ge [sflag:s16], $0x2800  }
0x2c: {  	[sflag:s16] =	ssyncset.done $0x0  }
0x2d: {  	[sflag:s16] =	ssyncadd.s32 $0xFFFFD800  }
0x2e: {  	[spmem:s7] =	stream.linear.scatter [tilespmem:s15], [sflag:$0x2], $0x2800, $0x38;
	[tilespmem:$0x18F80] =	vst v63  }
0x2f: {  	_ =	swait.ge [sflag:s16], $0x2800  }
0x30: {  	[sflag:s16] =	ssyncset.done $0x0  }
0x31: {  	[sflag:s16] =	ssyncadd.s32 $0xFFFFD800  }
0x32: {  	[spmem:s8] =	stream.linear.scatter [tilespmem:s15], [sflag:$0x2], $0x2800, $0x38;
	[tilespmem:$0x18F80] =	vst v63  }
0x33: {  	_ =	swait.ge [sflag:s16], $0x2800  }
0x34: {  	[sflag:s16] =	ssyncset.done $0x0  }
0x35: {  	[sflag:s16] =	ssyncadd.s32 $0xFFFFD800  }
0x36: {  	[spmem:s9] =	stream.linear.scatter [tilespmem:s15], [sflag:$0x2], $0x2800, $0x38;
	[tilespmem:$0x18F80] =	vst v63  }
0x37: {  	_ =	swait.ge [sflag:s16], $0x2800  }
0x38: {  	[sflag:s16] =	ssyncset.done $0x0  }
0x39: {  	[sflag:s16] =	ssyncadd.s32 $0xFFFFD800  }
0x3a: {  	[spmem:s10] =	stream.linear.scatter [tilespmem:s15], [sflag:$0x2], $0x2800, $0x38;
	[tilespmem:$0x18F80] =	vst v63  }
0x3b: {  	_ =	swait.ge [sflag:s16], $0x2800  }
0x3c: {  	[sflag:s16] =	ssyncset.done $0x0  }
0x3d: {  	[sflag:s16] =	ssyncadd.s32 $0xFFFFD800  }
0x3e: {  	[spmem:s11] =	stream.linear.scatter [tilespmem:s15], [sflag:$0x2], $0x2800, $0x38;
	[tilespmem:$0x18F80] =	vst v63  }
0x3f: {  	_ =	swait.ge [sflag:s16], $0x2800  }
0x40: {  	[sflag:s16] =	ssyncset.done $0x0  }
0x41: {  	s21 =	simm.s32 $0x0;
	s22 =	simm.s32 $0x200;
	[sflag:s16] =	ssyncadd.s32 $0xFFFFD800  }
.LBB2_4:
0x42: {  	p0 =	sne.s32 s22, $0x9E00;
	[tilespmem:s21+$0x27F0] =	vst v1  }
0x43: {  	[tilespmem:s21+$0x2780] =	vst v1  }
0x44: {  	[tilespmem:s21+$0x2790] =	vst v1  }
.Ltmp1:
0x45: {  	[tilespmem:s21+$0x27A0] =	vst v1;
	(pc) =	sbr.rel @p0 .LBB2_4-.Ltmp1, $4  }
0x46: {  	[tilespmem:s21+$0x27B0] =	vst v1  }
0x47: {  	[tilespmem:s21+$0x27C0] =	vst v1  }
0x48: {  	[tilespmem:s21+$0x27D0] =	vst v1  }
0x49: {  	[tilespmem:s21+$0x27E0] =	vst v1;
	s21 =	sshra.s32 s22, $0x2;
	s22 =	sadd.s32 $0x200, s22  }
0x4a: {  	[tilespmem:s21+$0x27F0] =	vst v1  }
0x4b: {  	[tilespmem:s21+$0x2780] =	vst v1  }
0x4c: {  	[tilespmem:s21+$0x2790] =	vst v1  }
0x4d: {  	[tilespmem:s21+$0x27A0] =	vst v1  }
0x4e: {  	[tilespmem:s21+$0x27B0] =	vst v1  }
0x4f: {  	[tilespmem:s21+$0x27C0] =	vst v1  }
0x50: {  	[tilespmem:s21+$0x27D0] =	vst v1  }
0x51: {  	[tilespmem:s21+$0x27E0] =	vst v1;
	s23 =	simm.s32 $0x0  }
0x52: {  	[tilespmem:s23], [sflag:$0x2] =	stream.linear.gather [hbm4b:s12+s23], $0x2710, $0x38;
	[tilespmem:$0x18F80] =	vst v63  }
0x53: {  	_ =	swait.ge [sflag:s16], $0x2710  }
0x54: {  	[sflag:s16] =	ssyncset.done $0x0  }
0x55: {  	[sflag:s16] =	ssyncadd.s32 $0xFFFFD8F0  }
0x56: {  	s24 =	simm.s32 $0x0;
	[bflag:$0x0] =	sbarrier.arrive $0xFFFF  }
0x57: {  	[spmem:s2] =	stream.indirect.scatter.add.f32 [tilespmem:s15], [sflag:$0x1], $0x80, s24, s17, $0xb8;
	[tilespmem:$0x18F80] =	vst v63  }
0x58: {  	s25 =	simm.s32 $0x50  }
0x59: {  	[spmem:s2] =	stream.indirect.scatter.add.f32 [tilespmem:s15], [sflag:$0x1], $0x80, s25, s17, $0xb8;
	[tilespmem:$0x18F80] =	vst v63  }
0x5a: {  	s26 =	simm.s32 $0xA0  }
0x5b: {  	[spmem:s2] =	stream.indirect.scatter.add.f32 [tilespmem:s15], [sflag:$0x1], $0x80, s26, s17, $0xb8;
	[tilespmem:$0x18F80] =	vst v63  }
0x5c: {  	s28 =	simm.s32 $0xF0  }
0x5d: {  	[spmem:s2] =	stream.indirect.scatter.add.f32 [tilespmem:s15], [sflag:$0x1], $0x80, s28, s17, $0xb8;
	[tilespmem:$0x18F80] =	vst v63  }
0x5e: {  	s29 =	simm.s32 $0x140  }
0x5f: {  	[spmem:s2] =	stream.indirect.scatter.add.f32 [tilespmem:s15], [sflag:$0x1], $0x80, s29, s17, $0xb8;
	[tilespmem:$0x18F80] =	vst v63  }
0x60: {  	s30 =	simm.s32 $0x190  }
0x61: {  	[spmem:s2] =	stream.indirect.scatter.add.f32 [tilespmem:s15], [sflag:$0x1], $0x80, s30, s17, $0xb8;
	[tilespmem:$0x18F80] =	vst v63  }
0x62: {  	s31 =	simm.s32 $0x1E0  }
0x63: {  	[spmem:s2] =	stream.indirect.scatter.add.f32 [tilespmem:s15], [sflag:$0x1], $0x80, s31, s17, $0xb8;
	[tilespmem:$0x18F80] =	vst v63  }
0x64: {  	s22 =	simm.s32 $0x230  }
0x65: {  	[spmem:s2] =	stream.indirect.scatter.add.f32 [tilespmem:s15], [sflag:$0x1], $0x80, s22, s17, $0xb8;
	[tilespmem:$0x18F80] =	vst v63  }
0x66: {  	s23 =	simm.s32 $0x280  }
0x67: {  	[spmem:s2] =	stream.indirect.scatter.add.f32 [tilespmem:s15], [sflag:$0x1], $0x80, s23, s17, $0xb8;
	[tilespmem:$0x18F80] =	vst v63  }
0x68: {  	s24 =	simm.s32 $0x2D0  }
0x69: {  	[spmem:s2] =	stream.indirect.scatter.add.f32 [tilespmem:s15], [sflag:$0x1], $0x80, s24, s17, $0xb8;
	[tilespmem:$0x18F80] =	vst v63  }
0x6a: {  	s25 =	simm.s32 $0x320  }
0x6b: {  	[spmem:s2] =	stream.indirect.scatter.add.f32 [tilespmem:s15], [sflag:$0x1], $0x80, s25, s17, $0xb8;
	[tilespmem:$0x18F80] =	vst v63  }
0x6c: {  	s26 =	simm.s32 $0x370  }
0x6d: {  	[spmem:s2] =	stream.indirect.scatter.add.f32 [tilespmem:s15], [sflag:$0x1], $0x80, s26, s17, $0xb8;
	[tilespmem:$0x18F80] =	vst v63  }
0x6e: {  	s28 =	simm.s32 $0x3C0  }
0x6f: {  	[spmem:s2] =	stream.indirect.scatter.add.f32 [tilespmem:s15], [sflag:$0x1], $0x80, s28, s17, $0xb8;
	[tilespmem:$0x18F80] =	vst v63  }
0x70: {  	s29 =	simm.s32 $0x410  }
0x71: {  	[spmem:s2] =	stream.indirect.scatter.add.f32 [tilespmem:s15], [sflag:$0x1], $0x80, s29, s17, $0xb8;
	[tilespmem:$0x18F80] =	vst v63  }
0x72: {  	s30 =	simm.s32 $0x460  }
0x73: {  	[spmem:s2] =	stream.indirect.scatter.add.f32 [tilespmem:s15], [sflag:$0x1], $0x80, s30, s17, $0xb8;
	[tilespmem:$0x18F80] =	vst v63  }
0x74: {  	s31 =	simm.s32 $0x4B0  }
0x75: {  	[spmem:s2] =	stream.indirect.scatter.add.f32 [tilespmem:s15], [sflag:$0x1], $0x80, s31, s17, $0xb8;
	[tilespmem:$0x18F80] =	vst v63  }
0x76: {  	s22 =	simm.s32 $0x500  }
0x77: {  	[spmem:s2] =	stream.indirect.scatter.add.f32 [tilespmem:s15], [sflag:$0x1], $0x80, s22, s17, $0xb8;
	[tilespmem:$0x18F80] =	vst v63  }
0x78: {  	s23 =	simm.s32 $0x550  }
0x79: {  	[spmem:s2] =	stream.indirect.scatter.add.f32 [tilespmem:s15], [sflag:$0x1], $0x80, s23, s17, $0xb8;
	[tilespmem:$0x18F80] =	vst v63  }
0x7a: {  	s24 =	simm.s32 $0x5A0  }
0x7b: {  	[spmem:s2] =	stream.indirect.scatter.add.f32 [tilespmem:s15], [sflag:$0x1], $0x80, s24, s17, $0xb8;
	[tilespmem:$0x18F80] =	vst v63  }
0x7c: {  	s25 =	simm.s32 $0x5F0  }
0x7d: {  	[spmem:s2] =	stream.indirect.scatter.add.f32 [tilespmem:s15], [sflag:$0x1], $0x80, s25, s17, $0xb8;
	[tilespmem:$0x18F80] =	vst v63  }
0x7e: {  	s26 =	simm.s32 $0x640  }
0x7f: {  	[spmem:s2] =	stream.indirect.scatter.add.f32 [tilespmem:s15], [sflag:$0x1], $0x80, s26, s17, $0xb8;
	[tilespmem:$0x18F80] =	vst v63  }
0x80: {  	s28 =	simm.s32 $0x690  }
0x81: {  	[spmem:s2] =	stream.indirect.scatter.add.f32 [tilespmem:s15], [sflag:$0x1], $0x80, s28, s17, $0xb8;
	[tilespmem:$0x18F80] =	vst v63  }
0x82: {  	s29 =	simm.s32 $0x6E0  }
0x83: {  	[spmem:s2] =	stream.indirect.scatter.add.f32 [tilespmem:s15], [sflag:$0x1], $0x80, s29, s17, $0xb8;
	[tilespmem:$0x18F80] =	vst v63  }
0x84: {  	s30 =	simm.s32 $0x730  }
0x85: {  	[spmem:s2] =	stream.indirect.scatter.add.f32 [tilespmem:s15], [sflag:$0x1], $0x80, s30, s17, $0xb8;
	[tilespmem:$0x18F80] =	vst v63  }
0x86: {  	s31 =	simm.s32 $0x780  }
0x87: {  	[spmem:s2] =	stream.indirect.scatter.add.f32 [tilespmem:s15], [sflag:$0x1], $0x80, s31, s17, $0xb8;
	[tilespmem:$0x18F80] =	vst v63  }
0x88: {  	_ =	swait.ge [sflag:s18], $0x2800  }
0x89: {  	[sflag:s18] =	ssyncset.done $0x0  }
0x8a: {  	[sflag:s18] =	ssyncadd.s32 $0xFFFFD800  }
0x8b: {  	_ =	swait.ge [sflag:s18], $0x2800  }
0x8c: {  	[sflag:s18] =	ssyncset.done $0x0  }
0x8d: {  	[sflag:s18] =	ssyncadd.s32 $0xFFFFD800  }
0x8e: {  	_ =	swait.ge [sflag:s18], $0x2800  }
0x8f: {  	[sflag:s18] =	ssyncset.done $0x0  }
0x90: {  	[sflag:s18] =	ssyncadd.s32 $0xFFFFD800  }
0x91: {  	_ =	swait.ge [sflag:s18], $0x2800  }
0x92: {  	[sflag:s18] =	ssyncset.done $0x0  }
0x93: {  	[sflag:s18] =	ssyncadd.s32 $0xFFFFD800  }
0x94: {  	_ =	swait.ge [sflag:s18], $0x2800  }
0x95: {  	[sflag:s18] =	ssyncset.done $0x0  }
0x96: {  	[sflag:s18] =	ssyncadd.s32 $0xFFFFD800  }
0x97: {  	_ =	swait.ge [sflag:s18], $0x2800  }
0x98: {  	[sflag:s18] =	ssyncset.done $0x0  }
0x99: {  	[sflag:s18] =	ssyncadd.s32 $0xFFFFD800  }
0x9a: {  	_ =	swait.ge [sflag:s18], $0x2800  }
0x9b: {  	[sflag:s18] =	ssyncset.done $0x0  }
0x9c: {  	[sflag:s18] =	ssyncadd.s32 $0xFFFFD800  }
0x9d: {  	_ =	swait.ge [sflag:s18], $0x2800  }
0x9e: {  	[sflag:s18] =	ssyncset.done $0x0  }
0x9f: {  	[sflag:s18] =	ssyncadd.s32 $0xFFFFD800  }
0xa0: {  	_ =	swait.ge [sflag:s18], $0x2800  }
0xa1: {  	[sflag:s18] =	ssyncset.done $0x0  }
0xa2: {  	[sflag:s18] =	ssyncadd.s32 $0xFFFFD800  }
0xa3: {  	_ =	swait.ge [sflag:s18], $0x2800  }
0xa4: {  	[sflag:s18] =	ssyncset.done $0x0  }
0xa5: {  	[sflag:s18] =	ssyncadd.s32 $0xFFFFD800  }
0xa6: {  	_ =	swait.ge [sflag:s18], $0x2800  }
0xa7: {  	[sflag:s18] =	ssyncset.done $0x0  }
0xa8: {  	[sflag:s18] =	ssyncadd.s32 $0xFFFFD800  }
0xa9: {  	_ =	swait.ge [sflag:s18], $0x2800  }
0xaa: {  	[sflag:s18] =	ssyncset.done $0x0  }
0xab: {  	[sflag:s18] =	ssyncadd.s32 $0xFFFFD800  }
0xac: {  	_ =	swait.ge [sflag:s18], $0x2800  }
0xad: {  	[sflag:s18] =	ssyncset.done $0x0  }
0xae: {  	[sflag:s18] =	ssyncadd.s32 $0xFFFFD800  }
0xaf: {  	_ =	swait.ge [sflag:s18], $0x2800  }
0xb0: {  	[sflag:s18] =	ssyncset.done $0x0  }
0xb1: {  	[sflag:s18] =	ssyncadd.s32 $0xFFFFD800  }
0xb2: {  	_ =	swait.ge [sflag:s18], $0x2800  }
0xb3: {  	[sflag:s18] =	ssyncset.done $0x0  }
0xb4: {  	[sflag:s18] =	ssyncadd.s32 $0xFFFFD800  }
0xb5: {  	_ =	swait.ge [sflag:s18], $0x2800  }
0xb6: {  	[sflag:s18] =	ssyncset.done $0x0  }
0xb7: {  	[sflag:s18] =	ssyncadd.s32 $0xFFFFD800  }
0xb8: {  	_ =	swait.ge [sflag:s18], $0x2800  }
0xb9: {  	[sflag:s18] =	ssyncset.done $0x0  }
0xba: {  	[sflag:s18] =	ssyncadd.s32 $0xFFFFD800  }
0xbb: {  	_ =	swait.ge [sflag:s18], $0x2800  }
0xbc: {  	[sflag:s18] =	ssyncset.done $0x0  }
0xbd: {  	[sflag:s18] =	ssyncadd.s32 $0xFFFFD800  }
0xbe: {  	_ =	swait.ge [sflag:s18], $0x2800  }
0xbf: {  	[sflag:s18] =	ssyncset.done $0x0  }
0xc0: {  	[sflag:s18] =	ssyncadd.s32 $0xFFFFD800  }
0xc1: {  	_ =	swait.ge [sflag:s18], $0x2800  }
0xc2: {  	[sflag:s18] =	ssyncset.done $0x0  }
0xc3: {  	[sflag:s18] =	ssyncadd.s32 $0xFFFFD800  }
0xc4: {  	_ =	swait.ge [sflag:s18], $0x2800  }
0xc5: {  	[sflag:s18] =	ssyncset.done $0x0  }
0xc6: {  	[sflag:s18] =	ssyncadd.s32 $0xFFFFD800  }
0xc7: {  	_ =	swait.ge [sflag:s18], $0x2800  }
0xc8: {  	[sflag:s18] =	ssyncset.done $0x0  }
0xc9: {  	[sflag:s18] =	ssyncadd.s32 $0xFFFFD800  }
0xca: {  	_ =	swait.ge [sflag:s18], $0x2800  }
0xcb: {  	[sflag:s18] =	ssyncset.done $0x0  }
0xcc: {  	[sflag:s18] =	ssyncadd.s32 $0xFFFFD800  }
0xcd: {  	_ =	swait.ge [sflag:s18], $0x2800  }
0xce: {  	[sflag:s18] =	ssyncset.done $0x0  }
0xcf: {  	[sflag:s18] =	ssyncadd.s32 $0xFFFFD800  }
0xd0: {  	_ =	swait.ge [sflag:s18], $0x2800  }
0xd1: {  	s21 =	simm.s32 $0x1F40;
	s24 =	simm.s32 $0x3E80;
	[sflag:s18] =	ssyncset.done $0x0  }
.LBB2_6:
0xd2: {  	s23 =	sshra.s32 s21, $0x2  }
0xd3: {  	[sflag:s18] =	ssyncadd.s32 $0xFFFFD800;
	s21 =	smov.u32 s24;
	s22 =	sadd.s32 $0x1F40, s24  }
0xd4: {  	[spmem:s2] =	stream.indirect.scatter.add.f32 [tilespmem:s15], [sflag:$0x1], $0x80, s23, s17, $0xb8;
	[tilespmem:$0x18F80] =	vst v63  }
0xd5: {  	p0 =	sne.s32 s24, $0x7D00;
	s24 =	sadd.s32 $0x50, s23  }
0xd6: {  	[spmem:s2] =	stream.indirect.scatter.add.f32 [tilespmem:s15], [sflag:$0x1], $0x80, s24, s17, $0xb8;
	[tilespmem:$0x18F80] =	vst v63  }
0xd7: {  	s24 =	sadd.s32 $0xA0, s23  }
0xd8: {  	[spmem:s2] =	stream.indirect.scatter.add.f32 [tilespmem:s15], [sflag:$0x1], $0x80, s24, s17, $0xb8;
	[tilespmem:$0x18F80] =	vst v63  }
0xd9: {  	s24 =	sadd.s32 $0xF0, s23  }
0xda: {  	[spmem:s2] =	stream.indirect.scatter.add.f32 [tilespmem:s15], [sflag:$0x1], $0x80, s24, s17, $0xb8;
	[tilespmem:$0x18F80] =	vst v63  }
0xdb: {  	s24 =	sadd.s32 $0x140, s23  }
0xdc: {  	[spmem:s2] =	stream.indirect.scatter.add.f32 [tilespmem:s15], [sflag:$0x1], $0x80, s24, s17, $0xb8;
	[tilespmem:$0x18F80] =	vst v63  }
0xdd: {  	s24 =	sadd.s32 $0x190, s23  }
0xde: {  	[spmem:s2] =	stream.indirect.scatter.add.f32 [tilespmem:s15], [sflag:$0x1], $0x80, s24, s17, $0xb8;
	[tilespmem:$0x18F80] =	vst v63  }
0xdf: {  	s24 =	sadd.s32 $0x1E0, s23  }
0xe0: {  	[spmem:s2] =	stream.indirect.scatter.add.f32 [tilespmem:s15], [sflag:$0x1], $0x80, s24, s17, $0xb8;
	[tilespmem:$0x18F80] =	vst v63  }
0xe1: {  	s24 =	sadd.s32 $0x230, s23  }
0xe2: {  	[spmem:s2] =	stream.indirect.scatter.add.f32 [tilespmem:s15], [sflag:$0x1], $0x80, s24, s17, $0xb8;
	[tilespmem:$0x18F80] =	vst v63  }
0xe3: {  	s24 =	sadd.s32 $0x280, s23  }
0xe4: {  	[spmem:s2] =	stream.indirect.scatter.add.f32 [tilespmem:s15], [sflag:$0x1], $0x80, s24, s17, $0xb8;
	[tilespmem:$0x18F80] =	vst v63  }
0xe5: {  	s24 =	sadd.s32 $0x2D0, s23  }
0xe6: {  	[spmem:s2] =	stream.indirect.scatter.add.f32 [tilespmem:s15], [sflag:$0x1], $0x80, s24, s17, $0xb8;
	[tilespmem:$0x18F80] =	vst v63  }
0xe7: {  	s24 =	sadd.s32 $0x320, s23  }
0xe8: {  	[spmem:s2] =	stream.indirect.scatter.add.f32 [tilespmem:s15], [sflag:$0x1], $0x80, s24, s17, $0xb8;
	[tilespmem:$0x18F80] =	vst v63  }
0xe9: {  	s24 =	sadd.s32 $0x370, s23  }
0xea: {  	[spmem:s2] =	stream.indirect.scatter.add.f32 [tilespmem:s15], [sflag:$0x1], $0x80, s24, s17, $0xb8;
	[tilespmem:$0x18F80] =	vst v63  }
0xeb: {  	s24 =	sadd.s32 $0x3C0, s23  }
0xec: {  	[spmem:s2] =	stream.indirect.scatter.add.f32 [tilespmem:s15], [sflag:$0x1], $0x80, s24, s17, $0xb8;
	[tilespmem:$0x18F80] =	vst v63  }
0xed: {  	s24 =	sadd.s32 $0x410, s23  }
0xee: {  	[spmem:s2] =	stream.indirect.scatter.add.f32 [tilespmem:s15], [sflag:$0x1], $0x80, s24, s17, $0xb8;
	[tilespmem:$0x18F80] =	vst v63  }
0xef: {  	s24 =	sadd.s32 $0x460, s23  }
0xf0: {  	[spmem:s2] =	stream.indirect.scatter.add.f32 [tilespmem:s15], [sflag:$0x1], $0x80, s24, s17, $0xb8;
	[tilespmem:$0x18F80] =	vst v63  }
0xf1: {  	s24 =	sadd.s32 $0x4B0, s23  }
0xf2: {  	[spmem:s2] =	stream.indirect.scatter.add.f32 [tilespmem:s15], [sflag:$0x1], $0x80, s24, s17, $0xb8;
	[tilespmem:$0x18F80] =	vst v63  }
0xf3: {  	s24 =	sadd.s32 $0x500, s23  }
0xf4: {  	[spmem:s2] =	stream.indirect.scatter.add.f32 [tilespmem:s15], [sflag:$0x1], $0x80, s24, s17, $0xb8;
	[tilespmem:$0x18F80] =	vst v63  }
0xf5: {  	s24 =	sadd.s32 $0x550, s23  }
0xf6: {  	[spmem:s2] =	stream.indirect.scatter.add.f32 [tilespmem:s15], [sflag:$0x1], $0x80, s24, s17, $0xb8;
	[tilespmem:$0x18F80] =	vst v63  }
0xf7: {  	s24 =	sadd.s32 $0x5A0, s23  }
0xf8: {  	[spmem:s2] =	stream.indirect.scatter.add.f32 [tilespmem:s15], [sflag:$0x1], $0x80, s24, s17, $0xb8;
	[tilespmem:$0x18F80] =	vst v63  }
0xf9: {  	s24 =	sadd.s32 $0x5F0, s23  }
0xfa: {  	[spmem:s2] =	stream.indirect.scatter.add.f32 [tilespmem:s15], [sflag:$0x1], $0x80, s24, s17, $0xb8;
	[tilespmem:$0x18F80] =	vst v63  }
0xfb: {  	s24 =	sadd.s32 $0x640, s23  }
0xfc: {  	[spmem:s2] =	stream.indirect.scatter.add.f32 [tilespmem:s15], [sflag:$0x1], $0x80, s24, s17, $0xb8;
	[tilespmem:$0x18F80] =	vst v63  }
0xfd: {  	s24 =	sadd.s32 $0x690, s23  }
0xfe: {  	[spmem:s2] =	stream.indirect.scatter.add.f32 [tilespmem:s15], [sflag:$0x1], $0x80, s24, s17, $0xb8;
	[tilespmem:$0x18F80] =	vst v63  }
0xff: {  	s24 =	sadd.s32 $0x6E0, s23  }
0x100: {  	[spmem:s2] =	stream.indirect.scatter.add.f32 [tilespmem:s15], [sflag:$0x1], $0x80, s24, s17, $0xb8;
	[tilespmem:$0x18F80] =	vst v63  }
0x101: {  	s24 =	sadd.s32 $0x730, s23  }
0x102: {  	[spmem:s2] =	stream.indirect.scatter.add.f32 [tilespmem:s15], [sflag:$0x1], $0x80, s24, s17, $0xb8;
	[tilespmem:$0x18F80] =	vst v63  }
0x103: {  	s23 =	sadd.s32 $0x780, s23  }
0x104: {  	[spmem:s2] =	stream.indirect.scatter.add.f32 [tilespmem:s15], [sflag:$0x1], $0x80, s23, s17, $0xb8;
	[tilespmem:$0x18F80] =	vst v63  }
0x105: {  	_ =	swait.ge [sflag:s18], $0x2800  }
0x106: {  	[sflag:s18] =	ssyncset.done $0x0  }
0x107: {  	[sflag:s18] =	ssyncadd.s32 $0xFFFFD800  }
0x108: {  	_ =	swait.ge [sflag:s18], $0x2800  }
0x109: {  	[sflag:s18] =	ssyncset.done $0x0  }
0x10a: {  	[sflag:s18] =	ssyncadd.s32 $0xFFFFD800  }
0x10b: {  	_ =	swait.ge [sflag:s18], $0x2800  }
0x10c: {  	[sflag:s18] =	ssyncset.done $0x0  }
0x10d: {  	[sflag:s18] =	ssyncadd.s32 $0xFFFFD800  }
0x10e: {  	_ =	swait.ge [sflag:s18], $0x2800  }
0x10f: {  	[sflag:s18] =	ssyncset.done $0x0  }
0x110: {  	[sflag:s18] =	ssyncadd.s32 $0xFFFFD800  }
0x111: {  	_ =	swait.ge [sflag:s18], $0x2800  }
0x112: {  	[sflag:s18] =	ssyncset.done $0x0  }
0x113: {  	[sflag:s18] =	ssyncadd.s32 $0xFFFFD800  }
0x114: {  	_ =	swait.ge [sflag:s18], $0x2800  }
0x115: {  	[sflag:s18] =	ssyncset.done $0x0  }
0x116: {  	[sflag:s18] =	ssyncadd.s32 $0xFFFFD800  }
0x117: {  	_ =	swait.ge [sflag:s18], $0x2800  }
0x118: {  	[sflag:s18] =	ssyncset.done $0x0  }
0x119: {  	[sflag:s18] =	ssyncadd.s32 $0xFFFFD800  }
0x11a: {  	_ =	swait.ge [sflag:s18], $0x2800  }
0x11b: {  	[sflag:s18] =	ssyncset.done $0x0  }
0x11c: {  	[sflag:s18] =	ssyncadd.s32 $0xFFFFD800  }
0x11d: {  	_ =	swait.ge [sflag:s18], $0x2800  }
0x11e: {  	[sflag:s18] =	ssyncset.done $0x0  }
0x11f: {  	[sflag:s18] =	ssyncadd.s32 $0xFFFFD800  }
0x120: {  	_ =	swait.ge [sflag:s18], $0x2800  }
0x121: {  	[sflag:s18] =	ssyncset.done $0x0  }
0x122: {  	[sflag:s18] =	ssyncadd.s32 $0xFFFFD800  }
0x123: {  	_ =	swait.ge [sflag:s18], $0x2800  }
0x124: {  	[sflag:s18] =	ssyncset.done $0x0  }
0x125: {  	[sflag:s18] =	ssyncadd.s32 $0xFFFFD800  }
0x126: {  	_ =	swait.ge [sflag:s18], $0x2800  }
0x127: {  	[sflag:s18] =	ssyncset.done $0x0  }
0x128: {  	[sflag:s18] =	ssyncadd.s32 $0xFFFFD800  }
0x129: {  	_ =	swait.ge [sflag:s18], $0x2800  }
0x12a: {  	[sflag:s18] =	ssyncset.done $0x0  }
0x12b: {  	[sflag:s18] =	ssyncadd.s32 $0xFFFFD800  }
0x12c: {  	_ =	swait.ge [sflag:s18], $0x2800  }
0x12d: {  	[sflag:s18] =	ssyncset.done $0x0  }
0x12e: {  	[sflag:s18] =	ssyncadd.s32 $0xFFFFD800  }
0x12f: {  	_ =	swait.ge [sflag:s18], $0x2800  }
0x130: {  	[sflag:s18] =	ssyncset.done $0x0  }
0x131: {  	[sflag:s18] =	ssyncadd.s32 $0xFFFFD800  }
0x132: {  	_ =	swait.ge [sflag:s18], $0x2800  }
0x133: {  	[sflag:s18] =	ssyncset.done $0x0  }
0x134: {  	[sflag:s18] =	ssyncadd.s32 $0xFFFFD800  }
0x135: {  	_ =	swait.ge [sflag:s18], $0x2800  }
0x136: {  	[sflag:s18] =	ssyncset.done $0x0  }
0x137: {  	[sflag:s18] =	ssyncadd.s32 $0xFFFFD800  }
0x138: {  	_ =	swait.ge [sflag:s18], $0x2800  }
0x139: {  	[sflag:s18] =	ssyncset.done $0x0  }
0x13a: {  	[sflag:s18] =	ssyncadd.s32 $0xFFFFD800  }
0x13b: {  	_ =	swait.ge [sflag:s18], $0x2800  }
0x13c: {  	[sflag:s18] =	ssyncset.done $0x0  }
0x13d: {  	[sflag:s18] =	ssyncadd.s32 $0xFFFFD800  }
0x13e: {  	_ =	swait.ge [sflag:s18], $0x2800  }
0x13f: {  	[sflag:s18] =	ssyncset.done $0x0  }
0x140: {  	[sflag:s18] =	ssyncadd.s32 $0xFFFFD800  }
0x141: {  	_ =	swait.ge [sflag:s18], $0x2800  }
0x142: {  	[sflag:s18] =	ssyncset.done $0x0  }
0x143: {  	[sflag:s18] =	ssyncadd.s32 $0xFFFFD800  }
0x144: {  	_ =	swait.ge [sflag:s18], $0x2800  }
0x145: {  	[sflag:s18] =	ssyncset.done $0x0  }
0x146: {  	[sflag:s18] =	ssyncadd.s32 $0xFFFFD800  }
0x147: {  	_ =	swait.ge [sflag:s18], $0x2800  }
0x148: {  	[sflag:s18] =	ssyncset.done $0x0  }
0x149: {  	[sflag:s18] =	ssyncadd.s32 $0xFFFFD800  }
.Ltmp2:
0x14a: {  	_ =	swait.ge [sflag:s18], $0x2800;
	(pc) =	sbr.rel @p0 .LBB2_6-.Ltmp2, $4  }
0x14b: {  	[sflag:s18] =	ssyncset.done $0x0  }
0x14c: {  	[sflag:s18] =	ssyncadd.s32 $0xFFFFD800  }
0x14d: {  	_ =	swait.ge [sflag:s18], $0x2800  }
0x14e: {  	s24 =	smov.u32 s22;
	[sflag:s18] =	ssyncset.done $0x0  }
0x14f: {  	s21 =	sshra.s32 s21, $0x2;
	[sflag:s18] =	ssyncadd.s32 $0xFFFFD800  }
0x150: {  	[spmem:s2] =	stream.indirect.scatter.add.f32 [tilespmem:s15], [sflag:$0x1], $0x80, s21, s17, $0xb8;
	[tilespmem:$0x18F80] =	vst v63  }
0x151: {  	s22 =	sadd.s32 $0x50, s21  }
0x152: {  	[spmem:s2] =	stream.indirect.scatter.add.f32 [tilespmem:s15], [sflag:$0x1], $0x80, s22, s17, $0xb8;
	[tilespmem:$0x18F80] =	vst v63  }
0x153: {  	s25 =	sadd.s32 $0xA0, s21  }
0x154: {  	[spmem:s2] =	stream.indirect.scatter.add.f32 [tilespmem:s15], [sflag:$0x1], $0x80, s25, s17, $0xb8;
	[tilespmem:$0x18F80] =	vst v63  }
0x155: {  	s26 =	sadd.s32 $0xF0, s21  }
0x156: {  	[spmem:s2] =	stream.indirect.scatter.add.f32 [tilespmem:s15], [sflag:$0x1], $0x80, s26, s17, $0xb8;
	[tilespmem:$0x18F80] =	vst v63  }
0x157: {  	s28 =	sadd.s32 $0x140, s21  }
0x158: {  	[spmem:s2] =	stream.indirect.scatter.add.f32 [tilespmem:s15], [sflag:$0x1], $0x80, s28, s17, $0xb8;
	[tilespmem:$0x18F80] =	vst v63  }
0x159: {  	s29 =	sadd.s32 $0x190, s21  }
0x15a: {  	[spmem:s2] =	stream.indirect.scatter.add.f32 [tilespmem:s15], [sflag:$0x1], $0x80, s29, s17, $0xb8;
	[tilespmem:$0x18F80] =	vst v63  }
0x15b: {  	s30 =	sadd.s32 $0x1E0, s21  }
0x15c: {  	[spmem:s2] =	stream.indirect.scatter.add.f32 [tilespmem:s15], [sflag:$0x1], $0x80, s30, s17, $0xb8;
	[tilespmem:$0x18F80] =	vst v63  }
0x15d: {  	s31 =	sadd.s32 $0x230, s21  }
0x15e: {  	[spmem:s2] =	stream.indirect.scatter.add.f32 [tilespmem:s15], [sflag:$0x1], $0x80, s31, s17, $0xb8;
	[tilespmem:$0x18F80] =	vst v63  }
0x15f: {  	s23 =	sadd.s32 $0x280, s21  }
0x160: {  	[spmem:s2] =	stream.indirect.scatter.add.f32 [tilespmem:s15], [sflag:$0x1], $0x80, s23, s17, $0xb8;
	[tilespmem:$0x18F80] =	vst v63  }
0x161: {  	s24 =	sadd.s32 $0x2D0, s21  }
0x162: {  	[spmem:s2] =	stream.indirect.scatter.add.f32 [tilespmem:s15], [sflag:$0x1], $0x80, s24, s17, $0xb8;
	[tilespmem:$0x18F80] =	vst v63  }
0x163: {  	s25 =	sadd.s32 $0x320, s21  }
0x164: {  	[spmem:s2] =	stream.indirect.scatter.add.f32 [tilespmem:s15], [sflag:$0x1], $0x80, s25, s17, $0xb8;
	[tilespmem:$0x18F80] =	vst v63  }
0x165: {  	s26 =	sadd.s32 $0x370, s21  }
0x166: {  	[spmem:s2] =	stream.indirect.scatter.add.f32 [tilespmem:s15], [sflag:$0x1], $0x80, s26, s17, $0xb8;
	[tilespmem:$0x18F80] =	vst v63  }
0x167: {  	s28 =	sadd.s32 $0x3C0, s21  }
0x168: {  	[spmem:s2] =	stream.indirect.scatter.add.f32 [tilespmem:s15], [sflag:$0x1], $0x80, s28, s17, $0xb8;
	[tilespmem:$0x18F80] =	vst v63  }
0x169: {  	s29 =	sadd.s32 $0x410, s21  }
0x16a: {  	[spmem:s2] =	stream.indirect.scatter.add.f32 [tilespmem:s15], [sflag:$0x1], $0x80, s29, s17, $0xb8;
	[tilespmem:$0x18F80] =	vst v63  }
0x16b: {  	s30 =	sadd.s32 $0x460, s21  }
0x16c: {  	[spmem:s2] =	stream.indirect.scatter.add.f32 [tilespmem:s15], [sflag:$0x1], $0x80, s30, s17, $0xb8;
	[tilespmem:$0x18F80] =	vst v63  }
0x16d: {  	s31 =	sadd.s32 $0x4B0, s21  }
0x16e: {  	[spmem:s2] =	stream.indirect.scatter.add.f32 [tilespmem:s15], [sflag:$0x1], $0x80, s31, s17, $0xb8;
	[tilespmem:$0x18F80] =	vst v63  }
0x16f: {  	s23 =	sadd.s32 $0x500, s21  }
0x170: {  	[spmem:s2] =	stream.indirect.scatter.add.f32 [tilespmem:s15], [sflag:$0x1], $0x80, s23, s17, $0xb8;
	[tilespmem:$0x18F80] =	vst v63  }
0x171: {  	s24 =	sadd.s32 $0x550, s21  }
0x172: {  	[spmem:s2] =	stream.indirect.scatter.add.f32 [tilespmem:s15], [sflag:$0x1], $0x80, s24, s17, $0xb8;
	[tilespmem:$0x18F80] =	vst v63  }
0x173: {  	s25 =	sadd.s32 $0x5A0, s21  }
0x174: {  	[spmem:s2] =	stream.indirect.scatter.add.f32 [tilespmem:s15], [sflag:$0x1], $0x80, s25, s17, $0xb8;
	[tilespmem:$0x18F80] =	vst v63  }
0x175: {  	s26 =	sadd.s32 $0x5F0, s21  }
0x176: {  	[spmem:s2] =	stream.indirect.scatter.add.f32 [tilespmem:s15], [sflag:$0x1], $0x80, s26, s17, $0xb8;
	[tilespmem:$0x18F80] =	vst v63  }
0x177: {  	s28 =	sadd.s32 $0x640, s21  }
0x178: {  	[spmem:s2] =	stream.indirect.scatter.add.f32 [tilespmem:s15], [sflag:$0x1], $0x80, s28, s17, $0xb8;
	[tilespmem:$0x18F80] =	vst v63  }
0x179: {  	s29 =	sadd.s32 $0x690, s21  }
0x17a: {  	[spmem:s2] =	stream.indirect.scatter.add.f32 [tilespmem:s15], [sflag:$0x1], $0x80, s29, s17, $0xb8;
	[tilespmem:$0x18F80] =	vst v63  }
0x17b: {  	s30 =	sadd.s32 $0x6E0, s21  }
0x17c: {  	[spmem:s2] =	stream.indirect.scatter.add.f32 [tilespmem:s15], [sflag:$0x1], $0x80, s30, s17, $0xb8;
	[tilespmem:$0x18F80] =	vst v63  }
0x17d: {  	s31 =	sadd.s32 $0x730, s21  }
0x17e: {  	[spmem:s2] =	stream.indirect.scatter.add.f32 [tilespmem:s15], [sflag:$0x1], $0x80, s31, s17, $0xb8;
	[tilespmem:$0x18F80] =	vst v63  }
0x17f: {  	s21 =	sadd.s32 $0x780, s21  }
0x180: {  	[spmem:s2] =	stream.indirect.scatter.add.f32 [tilespmem:s15], [sflag:$0x1], $0x80, s21, s17, $0xb8;
	[tilespmem:$0x18F80] =	vst v63  }
0x181: {  	_ =	swait.ge [sflag:s18], $0x2800  }
0x182: {  	[sflag:s18] =	ssyncset.done $0x0  }
0x183: {  	[sflag:s18] =	ssyncadd.s32 $0xFFFFD800  }
0x184: {  	_ =	swait.ge [sflag:s18], $0x2800  }
0x185: {  	[sflag:s18] =	ssyncset.done $0x0  }
0x186: {  	[sflag:s18] =	ssyncadd.s32 $0xFFFFD800  }
0x187: {  	_ =	swait.ge [sflag:s18], $0x2800  }
0x188: {  	[sflag:s18] =	ssyncset.done $0x0  }
0x189: {  	[sflag:s18] =	ssyncadd.s32 $0xFFFFD800  }
0x18a: {  	_ =	swait.ge [sflag:s18], $0x2800  }
0x18b: {  	[sflag:s18] =	ssyncset.done $0x0  }
0x18c: {  	[sflag:s18] =	ssyncadd.s32 $0xFFFFD800  }
0x18d: {  	_ =	swait.ge [sflag:s18], $0x2800  }
0x18e: {  	[sflag:s18] =	ssyncset.done $0x0  }
0x18f: {  	[sflag:s18] =	ssyncadd.s32 $0xFFFFD800  }
0x190: {  	_ =	swait.ge [sflag:s18], $0x2800  }
0x191: {  	[sflag:s18] =	ssyncset.done $0x0  }
0x192: {  	[sflag:s18] =	ssyncadd.s32 $0xFFFFD800  }
0x193: {  	_ =	swait.ge [sflag:s18], $0x2800  }
0x194: {  	[sflag:s18] =	ssyncset.done $0x0  }
0x195: {  	[sflag:s18] =	ssyncadd.s32 $0xFFFFD800  }
0x196: {  	_ =	swait.ge [sflag:s18], $0x2800  }
0x197: {  	[sflag:s18] =	ssyncset.done $0x0  }
0x198: {  	[sflag:s18] =	ssyncadd.s32 $0xFFFFD800  }
0x199: {  	_ =	swait.ge [sflag:s18], $0x2800  }
0x19a: {  	[sflag:s18] =	ssyncset.done $0x0  }
0x19b: {  	[sflag:s18] =	ssyncadd.s32 $0xFFFFD800  }
0x19c: {  	_ =	swait.ge [sflag:s18], $0x2800  }
0x19d: {  	[sflag:s18] =	ssyncset.done $0x0  }
0x19e: {  	[sflag:s18] =	ssyncadd.s32 $0xFFFFD800  }
0x19f: {  	_ =	swait.ge [sflag:s18], $0x2800  }
0x1a0: {  	[sflag:s18] =	ssyncset.done $0x0  }
0x1a1: {  	[sflag:s18] =	ssyncadd.s32 $0xFFFFD800  }
0x1a2: {  	_ =	swait.ge [sflag:s18], $0x2800  }
0x1a3: {  	[sflag:s18] =	ssyncset.done $0x0  }
0x1a4: {  	[sflag:s18] =	ssyncadd.s32 $0xFFFFD800  }
0x1a5: {  	_ =	swait.ge [sflag:s18], $0x2800  }
0x1a6: {  	[sflag:s18] =	ssyncset.done $0x0  }
0x1a7: {  	[sflag:s18] =	ssyncadd.s32 $0xFFFFD800  }
0x1a8: {  	_ =	swait.ge [sflag:s18], $0x2800  }
0x1a9: {  	[sflag:s18] =	ssyncset.done $0x0  }
0x1aa: {  	[sflag:s18] =	ssyncadd.s32 $0xFFFFD800  }
0x1ab: {  	_ =	swait.ge [sflag:s18], $0x2800  }
0x1ac: {  	[sflag:s18] =	ssyncset.done $0x0  }
0x1ad: {  	[sflag:s18] =	ssyncadd.s32 $0xFFFFD800  }
0x1ae: {  	_ =	swait.ge [sflag:s18], $0x2800  }
0x1af: {  	[sflag:s18] =	ssyncset.done $0x0  }
0x1b0: {  	[sflag:s18] =	ssyncadd.s32 $0xFFFFD800  }
0x1b1: {  	_ =	swait.ge [sflag:s18], $0x2800  }
0x1b2: {  	[sflag:s18] =	ssyncset.done $0x0  }
0x1b3: {  	[sflag:s18] =	ssyncadd.s32 $0xFFFFD800  }
0x1b4: {  	_ =	swait.ge [sflag:s18], $0x2800  }
0x1b5: {  	[sflag:s18] =	ssyncset.done $0x0  }
0x1b6: {  	[sflag:s18] =	ssyncadd.s32 $0xFFFFD800  }
0x1b7: {  	_ =	swait.ge [sflag:s18], $0x2800  }
0x1b8: {  	[sflag:s18] =	ssyncset.done $0x0  }
0x1b9: {  	[sflag:s18] =	ssyncadd.s32 $0xFFFFD800  }
0x1ba: {  	_ =	swait.ge [sflag:s18], $0x2800  }
0x1bb: {  	[sflag:s18] =	ssyncset.done $0x0  }
0x1bc: {  	[sflag:s18] =	ssyncadd.s32 $0xFFFFD800  }
0x1bd: {  	_ =	swait.ge [sflag:s18], $0x2800  }
0x1be: {  	[sflag:s18] =	ssyncset.done $0x0  }
0x1bf: {  	[sflag:s18] =	ssyncadd.s32 $0xFFFFD800  }
0x1c0: {  	_ =	swait.ge [sflag:s18], $0x2800  }
0x1c1: {  	[sflag:s18] =	ssyncset.done $0x0  }
0x1c2: {  	[sflag:s18] =	ssyncadd.s32 $0xFFFFD800  }
0x1c3: {  	_ =	swait.ge [sflag:s18], $0x2800  }
0x1c4: {  	[sflag:s18] =	ssyncset.done $0x0  }
0x1c5: {  	[sflag:s18] =	ssyncadd.s32 $0xFFFFD800  }
0x1c6: {  	_ =	swait.ge [sflag:s18], $0x2800  }
0x1c7: {  	[sflag:s18] =	ssyncset.done $0x0  }
0x1c8: {  	[sflag:s18] =	ssyncadd.s32 $0xFFFFD800  }
0x1c9: {  	_ =	swait.ge [sflag:s18], $0x2800  }
0x1ca: {  	s3 =	sadd.s32 $0x1, s3;
	[sflag:s18] =	ssyncset.done $0x0  }
0x1cb: {  	p0 =	sne.s32 s3, s14;
	[sflag:s18] =	ssyncadd.s32 $0xFFFFD800  }
.Ltmp3:
0x1cc: {  	[bflag:$0x0] =	sbarrier.arrive $0xFFFF;
	(pc) =	sbr.rel @p0 .LBB2_1-.Ltmp3, $4  }
0x1cd: {  	[hbm:s13], [sflag:s19] =	dma.local [spmem:s20], $0x2800  }
0x1ce: {  	_ =	swait.ge [sflag:s16], $0x2800  }
0x1cf: {  	[sflag:s16] =	ssyncset.done $0x0  }
0x1d0: {  	[sflag:s16] =	ssyncadd.s32 $0xFFFFD800  }
0x1d1: {  	_ =	sfence.sel $0x180000  }
0x1d2: {  	[bflag:$0x0] =	sbarrier.arrive $0xFFFF  }
0x1d3: {  	p0 =	sne.s32 s0, $0x0;
	_ =	strace $0x90000047  }
0x1d4: {  	s0 =	sadd.s32 @!p0 $0x100000, s1;
	[bflag:$0x2] =	sbarrier.arrive $0xFFFF  }
0x1d5: {  	[sflag:s0] =	ssyncadd.tile.s32 @!p0 $0x1;
	_ =	shalt  }
.Lfunc_end2:
_tile_overlayer_lowered:
.L_overlay_start_2:
0x1d6: {  	(tag) =	ssettag $0x2  }
0x1d7: {  	s0 =	rddreg [dreg:$0x0];
	s2 =	stileid.u32  }
0x1d8: {  	s1 =	rddreg [dreg:$0x1];
	p0 =	sne.s32 s2, $0x0  }
0x1d9: {  	s3 =	rddreg [dreg:$0x2];
	[bflag:$0x3] =	sbarrier.arrive $0xFFFF;
	s2 =	simm.s32 @!p0 $0x1C02  }
0x1da: {  	[timem:s3], [sflag:s2] =	dma.local @!p0 [hbm:s0], s1  }
0x1db: {  	s0 =	simm.s32 @!p0 $0x2  }
0x1dc: {  	_ =	swait.ge @!p0 [sflag:s0], s1  }
0x1dd: {  	s1 =	ssub.s32 @!p0 $0x0, s1;
	[sflag:s0] =	ssyncset.done @!p0 $0x0  }
0x1de: {  	[sflag:s0] =	ssyncadd.s32 @!p0 s1  }
0x1df: {  	[bflag:$0x3] =	sbarrier.arrive $0xFFFF  }
0x1e0: {  	_ =	shalt  }

// kernel: kernel.9.cloned.1.call-start
scs
__scs_entry_jumppad:
0x0: {  	(pc) =	sbr.rel $0x88, $3  }
0x1: {  	(tag) =	ssettag $0x0;
	lr =	simm.s32 $0x1  }
0x2: {  	[smem:$0x3F9E] =	sst lr;
	_ =	strace $0xD0000000  }
0x3: {  	_ = 	snop  }
0x4: {  	_ = 	snop  }
0x5: {  	_ = 	snop  }
0x6: {  	_ = 	snop  }
0x7: {  	_ = 	snop  }
__scs_overlays_trampoline_lowered:
0x8: {  	[smem:$0x3FAD] =	sst s0  }
0x9: {  	[smem:$0x3FAE] =	sst s1  }
0xa: {  	[smem:$0x3FAF] =	sst s2  }
0xb: {  	[smem:$0x3FB0] =	sst s3  }
0xc: {  	[smem:$0x3FB1] =	sst s4  }
0xd: {  	[smem:$0x3FB2] =	sst s5  }
0xe: {  	[smem:$0x3FB3] =	sst s6  }
0xf: {  	[smem:$0x3FB4] =	sst s7  }
0x10: {  	[smem:$0x3FB5] =	sst s8  }
0x11: {  	[smem:$0x3FB6] =	sst s9;
	s0 =	simm.s32 @!p0 $0x0  }
0x12: {  	s1 =	sld [smem:$0x3F9C];
	s0 =	simm.s32 @p0 $0x1  }
0x13: {  	[smem:$0x3FB7] =	sst s0;
	s0 =	simm.s32 @!p1 $0x0  }
0x14: {  	s2 =	sld [smem:$0x3F9B];
	s0 =	simm.s32 @p1 $0x1  }
0x15: {  	[smem:$0x3FB8] =	sst s0;
	s0 =	simm.s32 @!p2 $0x0  }
0x16: {  	s3 =	sld [smem:$0x3FDB];
	s0 =	simm.s32 @p2 $0x1  }
0x17: {  	s4 =	simm.s32 $0x1BF5;
	[smem:$0x3FBA] =	sst s0  }
0x18: {  	s0 =	sld [smem:$0x3F9D];
	_ =	swait.ge [sflag:s4], $0x0  }
0x19: {  	s7 =	sld [smem:$0x3F9E]  }
0x1a: {  	s8 =	sadd.s32 $0xFFFFE003, lr  }
0x1b: {  	s9 =	sadd.s32 $0xFFFFFEF7, lr;
	s5 =	simm.s32 $0xFFFFFFFF;
	p2 =	slt.u32 s8, $0xFFFFF086  }
0x1c: {  	p1 =	slt.u32 s9, $0xF7A;
	s5 =	simm.s32 @!p2 $0x0  }
0x1d: {  	s5 =	simm.s32 @p1 $0x1;
	p0 =	seq.s32 s7, s2  }
0x1e: {  	s7 =	smul.u32 @!p0 $0xF7A, s2;
	p2 =	seq.s32 @!p0 s5, $0x0  }
0x1f: {  	s9 =	smul.u32 $0xF7A, s1;
	s8 =	simm.s32 @!p0 $0x1BF5;
	p2 =	por !p2, p0  }
0x20: {  	[sflag:s8] =	ssyncset.s32 @!p0 $0xFFFFF086;
	s6 =	sadd.s32 @!p0 s3, s7;
	s7 =	simm.s32 @!p0 $0x108  }
0x21: {  	s3 =	sadd.s32 s3, s9;
	s6 =	sadd.s32 @!p0 $0x88, s6;
	s7 =	simm.s32 @p2 $0x1082  }
0x22: {  	[simem:s7], [sflag:s8] =	dma.local @!p0 [hbm:s6], $0xF7A  }
0x23: {  	s9 =	sor.u32 $0xD0000000, s2;
	s6 =	simm.s32 $0x108;
	_ =	swait.ge @!p0 [sflag:s8], $0x0  }
0x24: {  	s3 =	sadd.s32 $0x88, s3;
	s6 =	simm.s32 @!p1 $0x1082;
	[sflag:s4] =	ssyncset.s32 $0xFFFFF086  }
0x25: {  	[simem:s6], [sflag:s4] =	dma.local [hbm:s3], $0xF7A  }
0x26: {  	[smem:$0x3F9E] =	sst s1;
	(tag) =	ssettag s2;
	_ =	strace s9  }
0x27: {  	s1 =	sld [smem:$0x3FAE]  }
0x28: {  	s2 =	sld [smem:$0x3FAF]  }
0x29: {  	s4 =	sld [smem:$0x3FB1]  }
0x2a: {  	p0 =	seq.s32 s5, $0x0;
	s5 =	sld [smem:$0x3FB2]  }
0x2b: {  	s6 =	sld [smem:$0x3FB3]  }
0x2c: {  	s7 =	sld [smem:$0x3FB4]  }
0x2d: {  	s3 =	simm.s32 $0x108;
	s8 =	sld [smem:$0x3FB5]  }
0x2e: {  	s3 =	simm.s32 @!p0 $0x1082;
	s9 =	sld [smem:$0x3FB6]  }
0x2f: {  	lr =	sadd.s32 s0, s3;
	s0 =	sld [smem:$0x3FAD]  }
0x30: {  	s3 =	sld [smem:$0x3FB0]  }
0x31: {  	[smem:$0x3FB9] =	sst s10  }
0x32: {  	s10 =	sld [smem:$0x3FB7];
	_ =	sdelay $0x3  }
0x33: {  	p0 =	seq.s32 s10, $0x1;
	s10 =	sld [smem:$0x3FB9];
	_ =	sdelay $0x3  }
0x34: {  	[smem:$0x3FB9] =	sst s10  }
0x35: {  	s10 =	sld [smem:$0x3FB8];
	_ =	sdelay $0x3  }
0x36: {  	p1 =	seq.s32 s10, $0x1;
	s10 =	sld [smem:$0x3FB9];
	_ =	sdelay $0x3  }
0x37: {  	[smem:$0x3FB9] =	sst s10  }
0x38: {  	s10 =	sld [smem:$0x3FBA]  }
0x39: {  	_ = 	snop;
	(pc) =	sbr.ind lr, $3  }
0x3a: {  	_ = 	snop  }
0x3b: {  	_ = 	snop  }
0x3c: {  	p2 =	seq.s32 s10, $0x1;
	s10 =	sld [smem:$0x3FB9]  }
0x3d: {  	_ =	shalt  }
0x3e: {  	_ =	shalt  }
0x3f: {  	_ =	shalt  }
0x40: {  	_ =	shalt  }
0x41: {  	_ =	shalt  }
0x42: {  	_ =	shalt  }
0x43: {  	_ =	shalt  }
0x44: {  	_ =	shalt  }
0x45: {  	_ =	shalt  }
0x46: {  	_ =	shalt  }
0x47: {  	_ =	shalt  }
0x48: {  	_ =	shalt  }
0x49: {  	_ =	shalt  }
0x4a: {  	_ =	shalt  }
0x4b: {  	_ =	shalt  }
0x4c: {  	_ =	shalt  }
0x4d: {  	_ =	shalt  }
0x4e: {  	_ =	shalt  }
0x4f: {  	_ =	shalt  }
0x50: {  	_ =	shalt  }
0x51: {  	_ =	shalt  }
0x52: {  	_ =	shalt  }
0x53: {  	_ =	shalt  }
0x54: {  	_ =	shalt  }
0x55: {  	_ =	shalt  }
0x56: {  	_ =	shalt  }
0x57: {  	_ =	shalt  }
0x58: {  	_ =	shalt  }
0x59: {  	_ =	shalt  }
0x5a: {  	_ =	shalt  }
0x5b: {  	_ =	shalt  }
0x5c: {  	_ =	shalt  }
0x5d: {  	_ =	shalt  }
0x5e: {  	_ =	shalt  }
0x5f: {  	_ =	shalt  }
0x60: {  	_ =	shalt  }
0x61: {  	_ =	shalt  }
0x62: {  	_ =	shalt  }
0x63: {  	_ =	shalt  }
0x64: {  	_ =	shalt  }
0x65: {  	_ =	shalt  }
0x66: {  	_ =	shalt  }
0x67: {  	_ =	shalt  }
0x68: {  	_ =	shalt  }
0x69: {  	_ =	shalt  }
0x6a: {  	_ =	shalt  }
0x6b: {  	_ =	shalt  }
0x6c: {  	_ =	shalt  }
0x6d: {  	_ =	shalt  }
0x6e: {  	_ =	shalt  }
0x6f: {  	_ =	shalt  }
0x70: {  	_ =	shalt  }
0x71: {  	_ =	shalt  }
0x72: {  	_ =	shalt  }
0x73: {  	_ =	shalt  }
0x74: {  	_ =	shalt  }
0x75: {  	_ =	shalt  }
0x76: {  	_ =	shalt  }
0x77: {  	_ =	shalt  }
0x78: {  	_ =	shalt  }
0x79: {  	_ =	shalt  }
0x7a: {  	_ =	shalt  }
0x7b: {  	_ =	shalt  }
0x7c: {  	_ =	shalt  }
0x7d: {  	_ =	shalt  }
0x7e: {  	_ =	shalt  }
0x7f: {  	_ =	shalt  }
0x80: {  	_ =	shalt  }
0x81: {  	_ =	shalt  }
0x82: {  	_ =	shalt  }
0x83: {  	_ =	shalt  }
0x84: {  	_ =	shalt  }
0x85: {  	_ =	shalt  }
0x86: {  	_ =	shalt  }
0x87: {  	_ =	shalt  }
.Lfunc_end0:
.L_simem_size_0:
called_computation.1_lowered:
.L_overlay_start_0:
0x88: {  	s2 =	sld [smem:$0x3FD9]  }
0x89: {  	s3 =	sld [smem:$0x3FFE];
	_ =	sdelay $0x1  }
0x8a: {  	s1 =	srdreg.scid  }
0x8b: {  	s0 =	sand.u32 $0x1, s1  }
0x8c: {  	s17 =	sshll.u32 s0, $0xA;
	s2 =	sadd.s32 s3, s2  }
0x8d: {  	s2 =	sadd.s32 s2, s17  }
0x8e: {  	[smem:$0x3FC5] =	sst s2  }
0x8f: {  	_ = 	snop  }
0x90: {  	s2 =	sld [smem:$0x3FD0];
	(tm) =	ssettm $0x1  }
0x91: {  	s18 =	sld [smem:$0x3FFB];
	_ =	sdelay $0x3  }
0x92: {  	_ =	strace s18  }
0x93: {  	s3 =	sld [smem:$0x3FFC];
	_ =	sdelay $0x3  }
0x94: {  	_ =	strace s3  }
0x95: {  	s3 =	sld [smem:$0x3FFD];
	_ =	sdelay $0x3  }
0x96: {  	_ =	strace s3  }
0x97: {  	_ =	strace $0x8FFFFFFF  }
0x98: {  	s19 =	sld [smem:$0x3FDB];
	_ =	sdelay $0x1  }
0x99: {  	s4 =	simm.s32 $_scs_section_size  }
0x9a: {  	s5 =	simm.s32 $_size__tile_overlayer_lowered;
	s6 =	simm.s32 $_tile_overlayer_lowered  }
0x9b: {  	s22 =	simm.s32 $0x1BFF;
	s21 =	sshll.u32 s6, $0x1;
	s3 =	sadd.s32 s4, s19  }
0x9c: {  	s7 =	simm.s32 $0x0;
	s20 =	sshll.u32 s5, $0x1;
	s5 =	sadd.s32 s21, s3  }
0x9d: {  	[timem:s7], [sflag:s22] =	dma.local [hbm:s5], s20  }
0x9e: {  	_ =	swait.ge [sflag:s22], s20  }
0x9f: {  	s4 =	ssub.s32 $0x0, s20;
	[sflag:s22] =	ssyncset.done $0x0  }
0xa0: {  	[sflag:s22] =	ssyncadd.s32 s4;
	_ =	sdelay $0x1  }
0xa1: {  	s23 =	simm.s32 $0x1B8B  }
0xa2: {  	_ =	swait.ge [sflag:s23], $0x1  }
0xa3: {  	[sflag:s23] =	ssyncset.done $0x0  }
0xa4: {  	s25 =	simm.s32 $0x1B8E;
	s24 =	sld [smem:$0x3FFE];
	[sflag:s23] =	ssyncadd.s32 $0xFFFFFFFF  }
0xa5: {  	s26 =	simm.s32 $execute0_lowered;
	[smem:$0x3FD2] =	sst s25  }
0xa6: {  	s5 =	sshll.u32 s26, $0x1;
	_ =	strace $0x80000049;
	[dreg:$0x1] =	wrdreg $0xFFFFFFFF  }
0xa7: {  	s28 =	simm.s32 $_size_execute0_lowered;
	s3 =	sadd.s32 s3, s5;
	[dreg:$0x0] =	wrdreg $0x0  }
0xa8: {  	s5 =	sshll.u32 s28, $0x1;
	[dreg:$0x2] =	wrdreg s3  }
0xa9: {  	[dreg:$0x3] =	wrdreg s5  }
0xaa: {  	[dreg:$0x4] =	wrdreg $0xC0  }
0xab: {  	_ =	task [dreg:s7], $0x5FFFF  }
0xac: {  	[dreg:$0x1] =	wrdreg $0xFFFFFFFF  }
0xad: {  	[dreg:$0x0] =	wrdreg $0x60  }
0xae: {  	[dreg:$0x2] =	wrdreg s2  }
0xaf: {  	[dreg:$0x3] =	wrdreg s24  }
0xb0: {  	[dreg:$0x4] =	wrdreg $0xB3000  }
0xb1: {  	[dreg:$0x5] =	wrdreg $0x9  }
0xb2: {  	_ =	task.clear_ibuf [dreg:s7], $0x6FFFF;
	_ =	strace $0x90000049  }
0xb3: {  	s29 =	simm.s32 $0x9;
	_ =	strace $0x8000004B  }
0xb4: {  	_ =	swait.ge [sflag:s29], $0x1  }
0xb5: {  	[sflag:s29] =	ssyncadd.s32 $0xFFFFFFFF  }
0xb6: {  	_ =	strace $0x9000004B  }
0xb7: {  	_ =	sfence  }
0xb8: {  	s30 =	sld [smem:$0x0];
	_ =	sdelay $0x2  }
0xb9: {  	s31 =	sshll.u32 s1, $0xD;
	s1 =	sshrl.u32 s1, $0x2  }
0xba: {  	s3 =	sand.u32 $0x4000, s31;
	s1 =	sadd.s32 s1, s30  }
0xbb: {  	s0 =	sor.u32 s3, s0;
	s1 =	sshll.u32 s1, $0x11  }
0xbc: {  	s0 =	sor.u32 s1, s0  }
0xbd: {  	s0 =	sadd.s32 $0x8F2B, s0  }
0xbe: {  	[sflag:s0] =	ssyncadd.remote.s32 $0x1  }
0xbf: {  	_ =	sfence.sel $0xFFFF  }
0xc0: {  	[dreg:$0x0] =	wrdreg $0xFFFFFFFF;
	(pc) =	sbr.abs _section_cstart, $3  }
0xc1: {  	[dreg:$0x1] =	wrdreg $0xFFFFFFFF  }
0xc2: {  	_ =	task.clear_ibuf [dreg:s7], $0x2FFFF;
	_ =	strace $0x9FFFFFFF  }
0xc3: {  	(tm) =	ssettm $0x7FFFFFFF  }
tec
execute0_lowered:
.L_overlay_start_1:
0x0: {  	(tag) =	ssettag $0x1  }
0x1: {  	s8 =	stileid.u32  }
0x2: {  	s2 =	srdreg.scid;
	s5 =	smul.u32 $0x4E2, s8  }
0x3: {  	s1 =	rddreg [dreg:$0x0];
	s2 =	sand.u32 $0x1, s2;
	s7 =	smul.u32 $0x14000, s8  }
0x4: {  	s0 =	rddreg [dreg:$0x1];
	s6 =	smul.u32 $0x140000, s2  }
0x5: {  	s3 =	rddreg [dreg:$0x2];
	s8 =	smul.u32 $0x50000, s8  }
0x6: {  	s4 =	simm.s32 $0x0;
	s28 =	simm.s32 $0x2780;
	s11 =	sadd.s32 s7, s6  }
0x7: {  	s9 =	sadd.s32 s5, s0;
	s8 =	sshrl.u32 s8, $0x2;
	s5 =	sshrl.u32 s11, $0x3  }
0x8: {  	s29 =	simm.s32 $0x28;
	s0 =	sadd.s32 s5, s0;
	s5 =	sadd.s32 s8, s3  }
0x9: {  	s30 =	simm.s32 $0x6300;
	[smem:$0x7FF] =	sst s4;
	s14 =	sadd.s32 $0x1400, s5  }
0xa: {  	_ =	strace $0x8000004A;
	s15 =	sadd.s32 $0x2800, s5;
	[dreg:$0x4] =	wrdreg s14  }
0xb: {  	s31 =	simm.s32 $0x8B00;
	s16 =	sadd.s32 $0x3C00, s5;
	[dreg:$0x5] =	wrdreg s15  }
0xc: {  	s10 =	simm.s32 $0x5;
	s17 =	sadd.s32 $0x5000, s5;
	[dreg:$0x6] =	wrdreg s16  }
0xd: {  	s12 =	ssub.s32 $0x2, s2;
	s18 =	sadd.s32 $0x6400, s5;
	[dreg:$0x7] =	wrdreg s17  }
0xe: {  	s13 =	sshrl.u32 s12, $0x1;
	s19 =	sadd.s32 $0x7800, s5;
	[dreg:$0x8] =	wrdreg s18  }
0xf: {  	s6 =	ssub.s32 s12, s13;
	s20 =	sadd.s32 $0x8C00, s5;
	[dreg:$0x9] =	wrdreg s19  }
0x10: {  	s13 =	smul.u32 $0x2710, s2;
	s21 =	sadd.s32 $0xA000, s5;
	[dreg:$0xa] =	wrdreg s20  }
0x11: {  	s2 =	simm.s32 $0x7700;
	s22 =	sadd.s32 $0xB400, s5;
	[dreg:$0xb] =	wrdreg s21  }
0x12: {  	s7 =	simm.s32 $0x2;
	s23 =	sadd.s32 $0xC800, s5;
	[dreg:$0xc] =	wrdreg s22  }
0x13: {  	s12 =	simm.s32 $0x7;
	s24 =	sadd.s32 $0xDC00, s5;
	[dreg:$0xd] =	wrdreg s23  }
0x14: {  	s11 =	simm.s32 $0x6;
	s25 =	sadd.s32 $0xF000, s5;
	[dreg:$0xe] =	wrdreg s24  }
0x15: {  	s8 =	simm.s32 $0x3;
	s26 =	sadd.s32 $0x10400, s5;
	[dreg:$0xf] =	wrdreg s25  }
0x16: {  	v0 =	vmov s13;
	s13 =	simm.s32 $0x8;
	[dreg:$0x10] =	wrdreg s26;
	s19 =	sadd.s32 $0x11800, s5  }
0x17: {  	s20 =	sadd.s32 $0x12C00, s5;
	s21 =	sadd.s32 $0x57000, s9;
	s22 =	sadd.s32 $0x52000, s9  }
0x18: {  	s23 =	sadd.s32 $0x5C000, s0;
	s24 =	smax.u32 s6, $0x1;
	s25 =	simm.s32 $0x4F00  }
0x19: {  	s26 =	simm.s32 $0xB;
	s0 =	simm.s32 $0x9F00;
	s6 =	simm.s32 $0x1  }
0x1a: {  	v1 =	vimm.f32 $0.0e+00;
	s9 =	simm.s32 $0x4;
	s14 =	simm.s32 $0x9;
	s15 =	simm.s32 $0xA  }
.LBB2_1:
0x1b: {  	s16 =	simm.s32 $0x0;
	s17 =	simm.s32 $0x200  }
.LBB2_2:
0x1c: {  	p0 =	sne.s32 s17, $0x4E00;
	[tilespmem:s16+$0x4F70] =	vst v1  }
0x1d: {  	[tilespmem:s16+$0x4F00] =	vst v1  }
0x1e: {  	[tilespmem:s16+$0x4F10] =	vst v1  }
.Ltmp0:
0x1f: {  	[tilespmem:s16+$0x4F20] =	vst v1;
	(pc) =	sbr.rel @p0 .LBB2_2-.Ltmp0, $4  }
0x20: {  	[tilespmem:s16+$0x4F30] =	vst v1  }
0x21: {  	[tilespmem:s16+$0x4F40] =	vst v1  }
0x22: {  	[tilespmem:s16+$0x4F50] =	vst v1  }
0x23: {  	[tilespmem:s16+$0x4F60] =	vst v1;
	s16 =	sshra.s32 s17, $0x2;
	s17 =	sadd.s32 $0x200, s17  }
0x24: {  	[tilespmem:s16+$0x4F70] =	vst v1  }
0x25: {  	[tilespmem:s16+$0x4F00] =	vst v1  }
0x26: {  	[tilespmem:s16+$0x4F10] =	vst v1  }
0x27: {  	[tilespmem:s16+$0x4F20] =	vst v1  }
0x28: {  	[tilespmem:s16+$0x4F30] =	vst v1  }
0x29: {  	[tilespmem:s16+$0x4F40] =	vst v1  }
0x2a: {  	[tilespmem:s16+$0x4F50] =	vst v1  }
0x2b: {  	[tilespmem:s16+$0x4F60] =	vst v1  }
0x2c: {  	[spmem:s5] =	stream.linear.scatter [tilespmem:s25], [sflag:$0xB], $0x1400, $0x38;
	[tilespmem:$0x1F300] =	vst v63  }
0x2d: {  	_ =	swait.ge [sflag:s26], $0x1400  }
0x2e: {  	[sflag:s26] =	ssyncset.done $0x0  }
0x2f: {  	s17 =	rddreg [dreg:$0x4];
	[sflag:s26] =	ssyncadd.s32 $0xFFFFEC00  }
0x30: {  	[spmem:s17] =	stream.linear.scatter [tilespmem:s25], [sflag:$0xB], $0x1400, $0x38;
	[tilespmem:$0x1F300] =	vst v63  }
0x31: {  	_ =	swait.ge [sflag:s26], $0x1400  }
0x32: {  	[sflag:s26] =	ssyncset.done $0x0  }
0x33: {  	s18 =	rddreg [dreg:$0x5];
	[sflag:s26] =	ssyncadd.s32 $0xFFFFEC00  }
0x34: {  	[spmem:s18] =	stream.linear.scatter [tilespmem:s25], [sflag:$0xB], $0x1400, $0x38;
	[tilespmem:$0x1F300] =	vst v63  }
0x35: {  	_ =	swait.ge [sflag:s26], $0x1400  }
0x36: {  	[sflag:s26] =	ssyncset.done $0x0  }
0x37: {  	s17 =	rddreg [dreg:$0x6];
	[sflag:s26] =	ssyncadd.s32 $0xFFFFEC00  }
0x38: {  	[spmem:s17] =	stream.linear.scatter [tilespmem:s25], [sflag:$0xB], $0x1400, $0x38;
	[tilespmem:$0x1F300] =	vst v63  }
0x39: {  	_ =	swait.ge [sflag:s26], $0x1400  }
0x3a: {  	[sflag:s26] =	ssyncset.done $0x0  }
0x3b: {  	s18 =	rddreg [dreg:$0x7];
	[sflag:s26] =	ssyncadd.s32 $0xFFFFEC00  }
0x3c: {  	[spmem:s18] =	stream.linear.scatter [tilespmem:s25], [sflag:$0xB], $0x1400, $0x38;
	[tilespmem:$0x1F300] =	vst v63  }
0x3d: {  	_ =	swait.ge [sflag:s26], $0x1400  }
0x3e: {  	[sflag:s26] =	ssyncset.done $0x0  }
0x3f: {  	s17 =	rddreg [dreg:$0x8];
	[sflag:s26] =	ssyncadd.s32 $0xFFFFEC00  }
0x40: {  	[spmem:s17] =	stream.linear.scatter [tilespmem:s25], [sflag:$0xB], $0x1400, $0x38;
	[tilespmem:$0x1F300] =	vst v63  }
0x41: {  	_ =	swait.ge [sflag:s26], $0x1400  }
0x42: {  	[sflag:s26] =	ssyncset.done $0x0  }
0x43: {  	s18 =	rddreg [dreg:$0x9];
	[sflag:s26] =	ssyncadd.s32 $0xFFFFEC00  }
0x44: {  	[spmem:s18] =	stream.linear.scatter [tilespmem:s25], [sflag:$0xB], $0x1400, $0x38;
	[tilespmem:$0x1F300] =	vst v63  }
0x45: {  	_ =	swait.ge [sflag:s26], $0x1400  }
0x46: {  	[sflag:s26] =	ssyncset.done $0x0  }
0x47: {  	s17 =	rddreg [dreg:$0xa];
	[sflag:s26] =	ssyncadd.s32 $0xFFFFEC00  }
0x48: {  	[spmem:s17] =	stream.linear.scatter [tilespmem:s25], [sflag:$0xB], $0x1400, $0x38;
	[tilespmem:$0x1F300] =	vst v63  }
0x49: {  	_ =	swait.ge [sflag:s26], $0x1400  }
0x4a: {  	[sflag:s26] =	ssyncset.done $0x0  }
0x4b: {  	s18 =	rddreg [dreg:$0xb];
	[sflag:s26] =	ssyncadd.s32 $0xFFFFEC00  }
0x4c: {  	[spmem:s18] =	stream.linear.scatter [tilespmem:s25], [sflag:$0xB], $0x1400, $0x38;
	[tilespmem:$0x1F300] =	vst v63  }
0x4d: {  	_ =	swait.ge [sflag:s26], $0x1400  }
0x4e: {  	[sflag:s26] =	ssyncset.done $0x0  }
0x4f: {  	s17 =	rddreg [dreg:$0xc];
	[sflag:s26] =	ssyncadd.s32 $0xFFFFEC00  }
0x50: {  	[spmem:s17] =	stream.linear.scatter [tilespmem:s25], [sflag:$0xB], $0x1400, $0x38;
	[tilespmem:$0x1F300] =	vst v63  }
0x51: {  	_ =	swait.ge [sflag:s26], $0x1400  }
0x52: {  	[sflag:s26] =	ssyncset.done $0x0  }
0x53: {  	s18 =	rddreg [dreg:$0xd];
	[sflag:s26] =	ssyncadd.s32 $0xFFFFEC00  }
0x54: {  	[spmem:s18] =	stream.linear.scatter [tilespmem:s25], [sflag:$0xB], $0x1400, $0x38;
	[tilespmem:$0x1F300] =	vst v63  }
0x55: {  	_ =	swait.ge [sflag:s26], $0x1400  }
0x56: {  	[sflag:s26] =	ssyncset.done $0x0  }
0x57: {  	s17 =	rddreg [dreg:$0xe];
	[sflag:s26] =	ssyncadd.s32 $0xFFFFEC00  }
0x58: {  	[spmem:s17] =	stream.linear.scatter [tilespmem:s25], [sflag:$0xB], $0x1400, $0x38;
	[tilespmem:$0x1F300] =	vst v63  }
0x59: {  	_ =	swait.ge [sflag:s26], $0x1400  }
0x5a: {  	[sflag:s26] =	ssyncset.done $0x0  }
0x5b: {  	s18 =	rddreg [dreg:$0xf];
	[sflag:s26] =	ssyncadd.s32 $0xFFFFEC00  }
0x5c: {  	[spmem:s18] =	stream.linear.scatter [tilespmem:s25], [sflag:$0xB], $0x1400, $0x38;
	[tilespmem:$0x1F300] =	vst v63  }
0x5d: {  	_ =	swait.ge [sflag:s26], $0x1400  }
0x5e: {  	[sflag:s26] =	ssyncset.done $0x0  }
0x5f: {  	s17 =	rddreg [dreg:$0x10];
	[sflag:s26] =	ssyncadd.s32 $0xFFFFEC00  }
0x60: {  	[spmem:s17] =	stream.linear.scatter [tilespmem:s25], [sflag:$0xB], $0x1400, $0x38;
	[tilespmem:$0x1F300] =	vst v63  }
0x61: {  	_ =	swait.ge [sflag:s26], $0x1400  }
0x62: {  	[sflag:s26] =	ssyncset.done $0x0  }
0x63: {  	[sflag:s26] =	ssyncadd.s32 $0xFFFFEC00  }
0x64: {  	[spmem:s19] =	stream.linear.scatter [tilespmem:s25], [sflag:$0xB], $0x1400, $0x38;
	[tilespmem:$0x1F300] =	vst v63  }
0x65: {  	_ =	swait.ge [sflag:s26], $0x1400  }
0x66: {  	[sflag:s26] =	ssyncset.done $0x0  }
0x67: {  	[sflag:s26] =	ssyncadd.s32 $0xFFFFEC00  }
0x68: {  	[spmem:s20] =	stream.linear.scatter [tilespmem:s25], [sflag:$0xB], $0x1400, $0x38;
	[tilespmem:$0x1F300] =	vst v63  }
0x69: {  	_ =	swait.ge [sflag:s26], $0x1400  }
0x6a: {  	[sflag:s26] =	ssyncset.done $0x0  }
0x6b: {  	s18 =	simm.s32 $0x0;
	[sflag:s26] =	ssyncadd.s32 $0xFFFFEC00  }
0x6c: {  	[tilespmem:s18], [sflag:$0xB] =	stream.linear.gather [hbm4b:s21+s18], $0x2710, $0x38;
	[tilespmem:$0x1F300] =	vst v63  }
0x6d: {  	_ =	swait.ge [sflag:s26], $0x2710  }
0x6e: {  	[sflag:s26] =	ssyncset.done $0x0  }
0x6f: {  	[sflag:s26] =	ssyncadd.s32 $0xFFFFD8F0  }
0x70: {  	[tilespmem:s28], [sflag:$0xB] =	stream.linear.gather [hbm4b:s22+s18], $0x2710, $0x38;
	[tilespmem:$0x1F300] =	vst v63  }
0x71: {  	_ =	swait.ge [sflag:s26], $0x2710  }
0x72: {  	[sflag:s26] =	ssyncset.done $0x0  }
0x73: {  	s16 =	simm.s32 $0x0;
	s17 =	simm.s32 $0x40;
	[sflag:s26] =	ssyncadd.s32 $0xFFFFD8F0  }
.LBB2_4:
0x74: {  	p0 =	sne.s32 s17, $0x9C00;
	v2 =	vld [tilespmem:s16+$0x0];
	_ =	sdelay $0x1  }
.Ltmp1:
0x75: {  	(pc) =	sbr.rel @p0 .LBB2_4-.Ltmp1, $3  }
0x76: {  	_ =	sdelay $0x1  }
0x77: {  	v2 =	vadd.s32 v0, v2  }
0x78: {  	[tilespmem:s16+$0x0] =	vst v2;
	s16 =	sshra.s32 s17, $0x2;
	s17 =	sadd.s32 $0x40, s17  }
0x79: {  	v2 =	vld [tilespmem:s16+$0x0];
	_ =	sdelay $0x4  }
0x7a: {  	v2 =	vadd.s32 v0, v2  }
0x7b: {  	[tilespmem:s16+$0x0] =	vst v2  }
0x7c: {  	s18 =	simm.s32 $0x0;
	[bflag:$0x0] =	sbarrier.arrive $0xFFFF  }
0x7d: {  	[tilespmem:s25], [sflag:$0x1] =	stream.indirect.gather [hbm4b:s1+s29], $0x80, s18, s29, $0xb8;
	[tilespmem:$0x1F300] =	vst v63  }
0x7e: {  	_ = 	snop  }
0x7f: {  	[tilespmem:s30], [sflag:$0x2] =	stream.indirect.gather [hbm4b:s1+s29], $0x80, s29, s29, $0xb8;
	[tilespmem:$0x1F300] =	vst v63  }
0x80: {  	s17 =	simm.s32 $0x50  }
0x81: {  	[tilespmem:s2], [sflag:$0x3] =	stream.indirect.gather [hbm4b:s1+s29], $0x80, s17, s29, $0xb8;
	[tilespmem:$0x1F300] =	vst v63  }
0x82: {  	s18 =	simm.s32 $0x78  }
0x83: {  	[tilespmem:s31], [sflag:$0x4] =	stream.indirect.gather [hbm4b:s1+s29], $0x80, s18, s29, $0xb8;
	[tilespmem:$0x1F300] =	vst v63  }
0x84: {  	s17 =	simm.s32 $0xA0  }
0x85: {  	[tilespmem:s0], [sflag:$0x5] =	stream.indirect.gather [hbm4b:s1+s29], $0x80, s17, s29, $0xb8;
	[tilespmem:$0x1F300] =	vst v63  }
0x86: {  	_ =	swait.ge [sflag:s6], $0x1400  }
0x87: {  	[sflag:s6] =	ssyncset.done $0x0  }
0x88: {  	[sflag:s6] =	ssyncadd.s32 $0xFFFFEC00  }
0x89: {  	[spmem:s3] =	stream.indirect.scatter.add.f32 [tilespmem:s25], [sflag:$0x6], $0x80, s28, s29, $0xb8;
	[tilespmem:$0x1F300] =	vst v63  }
0x8a: {  	_ =	swait.ge [sflag:s7], $0x1400  }
0x8b: {  	[sflag:s7] =	ssyncset.done $0x0  }
0x8c: {  	s18 =	simm.s32 $0x27A8;
	[sflag:s7] =	ssyncadd.s32 $0xFFFFEC00  }
0x8d: {  	[spmem:s3] =	stream.indirect.scatter.add.f32 [tilespmem:s30], [sflag:$0x7], $0x80, s18, s29, $0xb8;
	[tilespmem:$0x1F300] =	vst v63  }
0x8e: {  	_ =	swait.ge [sflag:s8], $0x1400  }
0x8f: {  	[sflag:s8] =	ssyncset.done $0x0  }
0x90: {  	s17 =	simm.s32 $0x27D0;
	[sflag:s8] =	ssyncadd.s32 $0xFFFFEC00  }
0x91: {  	[spmem:s3] =	stream.indirect.scatter.add.f32 [tilespmem:s2], [sflag:$0x8], $0x80, s17, s29, $0xb8;
	[tilespmem:$0x1F300] =	vst v63  }
0x92: {  	_ =	swait.ge [sflag:s9], $0x1400  }
0x93: {  	[sflag:s9] =	ssyncset.done $0x0  }
0x94: {  	s18 =	simm.s32 $0x27F8;
	[sflag:s9] =	ssyncadd.s32 $0xFFFFEC00  }
0x95: {  	[spmem:s3] =	stream.indirect.scatter.add.f32 [tilespmem:s31], [sflag:$0x9], $0x80, s18, s29, $0xb8;
	[tilespmem:$0x1F300] =	vst v63  }
0x96: {  	_ =	swait.ge [sflag:s10], $0x1400  }
0x97: {  	[sflag:s10] =	ssyncset.done $0x0  }
0x98: {  	s17 =	simm.s32 $0x2820;
	[sflag:s10] =	ssyncadd.s32 $0xFFFFEC00  }
0x99: {  	[spmem:s3] =	stream.indirect.scatter.add.f32 [tilespmem:s0], [sflag:$0xA], $0x80, s17, s29, $0xb8;
	[tilespmem:$0x1F300] =	vst v63  }
0x9a: {  	_ =	swait.ge [sflag:s11], $0x1400  }
0x9b: {  	[sflag:s11] =	ssyncset.done $0x0  }
0x9c: {  	s18 =	simm.s32 $0xC8;
	[sflag:s11] =	ssyncadd.s32 $0xFFFFEC00  }
0x9d: {  	[tilespmem:s25], [sflag:$0x1] =	stream.indirect.gather [hbm4b:s1+s29], $0x80, s18, s29, $0xb8;
	[tilespmem:$0x1F300] =	vst v63  }
0x9e: {  	_ =	swait.ge [sflag:s12], $0x1400  }
0x9f: {  	[sflag:s12] =	ssyncset.done $0x0  }
0xa0: {  	s17 =	simm.s32 $0xF0;
	[sflag:s12] =	ssyncadd.s32 $0xFFFFEC00  }
0xa1: {  	[tilespmem:s30], [sflag:$0x2] =	stream.indirect.gather [hbm4b:s1+s29], $0x80, s17, s29, $0xb8;
	[tilespmem:$0x1F300] =	vst v63  }
0xa2: {  	_ =	swait.ge [sflag:s13], $0x1400  }
0xa3: {  	[sflag:s13] =	ssyncset.done $0x0  }
0xa4: {  	s18 =	simm.s32 $0x118;
	[sflag:s13] =	ssyncadd.s32 $0xFFFFEC00  }
0xa5: {  	[tilespmem:s2], [sflag:$0x3] =	stream.indirect.gather [hbm4b:s1+s29], $0x80, s18, s29, $0xb8;
	[tilespmem:$0x1F300] =	vst v63  }
0xa6: {  	_ =	swait.ge [sflag:s14], $0x1400  }
0xa7: {  	[sflag:s14] =	ssyncset.done $0x0  }
0xa8: {  	s17 =	simm.s32 $0x140;
	[sflag:s14] =	ssyncadd.s32 $0xFFFFEC00  }
0xa9: {  	[tilespmem:s31], [sflag:$0x4] =	stream.indirect.gather [hbm4b:s1+s29], $0x80, s17, s29, $0xb8;
	[tilespmem:$0x1F300] =	vst v63  }
0xaa: {  	_ =	swait.ge [sflag:s15], $0x1400  }
0xab: {  	[sflag:s15] =	ssyncset.done $0x0  }
0xac: {  	s18 =	simm.s32 $0x168;
	[sflag:s15] =	ssyncadd.s32 $0xFFFFEC00  }
0xad: {  	[tilespmem:s0], [sflag:$0x5] =	stream.indirect.gather [hbm4b:s1+s29], $0x80, s18, s29, $0xb8;
	[tilespmem:$0x1F300] =	vst v63  }
0xae: {  	_ =	swait.ge [sflag:s6], $0x1400  }
0xaf: {  	[sflag:s6] =	ssyncset.done $0x0  }
0xb0: {  	s17 =	simm.s32 $0x2848;
	[sflag:s6] =	ssyncadd.s32 $0xFFFFEC00  }
0xb1: {  	[spmem:s3] =	stream.indirect.scatter.add.f32 [tilespmem:s25], [sflag:$0x6], $0x80, s17, s29, $0xb8;
	[tilespmem:$0x1F300] =	vst v63  }
0xb2: {  	_ =	swait.ge [sflag:s7], $0x1400  }
0xb3: {  	[sflag:s7] =	ssyncset.done $0x0  }
0xb4: {  	s18 =	simm.s32 $0x2870;
	[sflag:s7] =	ssyncadd.s32 $0xFFFFEC00  }
0xb5: {  	[spmem:s3] =	stream.indirect.scatter.add.f32 [tilespmem:s30], [sflag:$0x7], $0x80, s18, s29, $0xb8;
	[tilespmem:$0x1F300] =	vst v63  }
0xb6: {  	_ =	swait.ge [sflag:s8], $0x1400  }
0xb7: {  	[sflag:s8] =	ssyncset.done $0x0  }
0xb8: {  	s17 =	simm.s32 $0x2898;
	[sflag:s8] =	ssyncadd.s32 $0xFFFFEC00  }
0xb9: {  	[spmem:s3] =	stream.indirect.scatter.add.f32 [tilespmem:s2], [sflag:$0x8], $0x80, s17, s29, $0xb8;
	[tilespmem:$0x1F300] =	vst v63  }
0xba: {  	_ =	swait.ge [sflag:s9], $0x1400  }
0xbb: {  	[sflag:s9] =	ssyncset.done $0x0  }
0xbc: {  	s18 =	simm.s32 $0x28C0;
	[sflag:s9] =	ssyncadd.s32 $0xFFFFEC00  }
0xbd: {  	[spmem:s3] =	stream.indirect.scatter.add.f32 [tilespmem:s31], [sflag:$0x9], $0x80, s18, s29, $0xb8;
	[tilespmem:$0x1F300] =	vst v63  }
0xbe: {  	_ =	swait.ge [sflag:s10], $0x1400  }
0xbf: {  	[sflag:s10] =	ssyncset.done $0x0  }
0xc0: {  	s16 =	simm.s32 $0x320;
	s17 =	simm.s32 $0x28E8;
	[sflag:s10] =	ssyncadd.s32 $0xFFFFEC00  }
.LBB2_6:
0xc1: {  	[spmem:s3] =	stream.indirect.scatter.add.f32 [tilespmem:s0], [sflag:$0xA], $0x80, s17, s29, $0xb8;
	[tilespmem:$0x1F300] =	vst v63  }
0xc2: {  	s17 =	smov.u32 s16  }
0xc3: {  	p0 =	sne.s32 s16, $0x9600;
	s16 =	sadd.s32 $0x320, s16;
	_ =	swait.ge [sflag:s11], $0x1400  }
0xc4: {  	s17 =	sshra.s32 s17, $0x2;
	[sflag:s11] =	ssyncset.done $0x0  }
0xc5: {  	s18 =	sadd.s32 $0xC8, s17;
	[sflag:s11] =	ssyncadd.s32 $0xFFFFEC00  }
0xc6: {  	[tilespmem:s25], [sflag:$0x1] =	stream.indirect.gather [hbm4b:s1+s29], $0x80, s18, s29, $0xb8;
	[tilespmem:$0x1F300] =	vst v63  }
0xc7: {  	_ =	swait.ge [sflag:s12], $0x1400  }
0xc8: {  	[sflag:s12] =	ssyncset.done $0x0  }
0xc9: {  	s18 =	sadd.s32 $0xF0, s17;
	[sflag:s12] =	ssyncadd.s32 $0xFFFFEC00  }
0xca: {  	[tilespmem:s30], [sflag:$0x2] =	stream.indirect.gather [hbm4b:s1+s29], $0x80, s18, s29, $0xb8;
	[tilespmem:$0x1F300] =	vst v63  }
0xcb: {  	_ =	swait.ge [sflag:s13], $0x1400  }
0xcc: {  	[sflag:s13] =	ssyncset.done $0x0  }
0xcd: {  	s18 =	sadd.s32 $0x118, s17;
	[sflag:s13] =	ssyncadd.s32 $0xFFFFEC00  }
0xce: {  	[tilespmem:s2], [sflag:$0x3] =	stream.indirect.gather [hbm4b:s1+s29], $0x80, s18, s29, $0xb8;
	[tilespmem:$0x1F300] =	vst v63  }
0xcf: {  	_ =	swait.ge [sflag:s14], $0x1400  }
0xd0: {  	[sflag:s14] =	ssyncset.done $0x0  }
0xd1: {  	s18 =	sadd.s32 $0x140, s17;
	[sflag:s14] =	ssyncadd.s32 $0xFFFFEC00  }
0xd2: {  	[tilespmem:s31], [sflag:$0x4] =	stream.indirect.gather [hbm4b:s1+s29], $0x80, s18, s29, $0xb8;
	[tilespmem:$0x1F300] =	vst v63  }
0xd3: {  	_ =	swait.ge [sflag:s15], $0x1400  }
0xd4: {  	[sflag:s15] =	ssyncset.done $0x0  }
0xd5: {  	s18 =	sadd.s32 $0x168, s17;
	[sflag:s15] =	ssyncadd.s32 $0xFFFFEC00  }
0xd6: {  	[tilespmem:s0], [sflag:$0x5] =	stream.indirect.gather [hbm4b:s1+s29], $0x80, s18, s29, $0xb8;
	[tilespmem:$0x1F300] =	vst v63  }
0xd7: {  	_ =	swait.ge [sflag:s6], $0x1400  }
0xd8: {  	[sflag:s6] =	ssyncset.done $0x0  }
0xd9: {  	s18 =	sadd.s32 $0x2848, s17;
	[sflag:s6] =	ssyncadd.s32 $0xFFFFEC00  }
0xda: {  	[spmem:s3] =	stream.indirect.scatter.add.f32 [tilespmem:s25], [sflag:$0x6], $0x80, s18, s29, $0xb8;
	[tilespmem:$0x1F300] =	vst v63  }
0xdb: {  	_ =	swait.ge [sflag:s7], $0x1400  }
0xdc: {  	[sflag:s7] =	ssyncset.done $0x0  }
0xdd: {  	s18 =	sadd.s32 $0x2870, s17;
	[sflag:s7] =	ssyncadd.s32 $0xFFFFEC00  }
0xde: {  	[spmem:s3] =	stream.indirect.scatter.add.f32 [tilespmem:s30], [sflag:$0x7], $0x80, s18, s29, $0xb8;
	[tilespmem:$0x1F300] =	vst v63  }
0xdf: {  	_ =	swait.ge [sflag:s8], $0x1400  }
0xe0: {  	[sflag:s8] =	ssyncset.done $0x0  }
0xe1: {  	s18 =	sadd.s32 $0x2898, s17;
	[sflag:s8] =	ssyncadd.s32 $0xFFFFEC00  }
0xe2: {  	[spmem:s3] =	stream.indirect.scatter.add.f32 [tilespmem:s2], [sflag:$0x8], $0x80, s18, s29, $0xb8;
	[tilespmem:$0x1F300] =	vst v63  }
0xe3: {  	_ =	swait.ge [sflag:s9], $0x1400  }
0xe4: {  	[sflag:s9] =	ssyncset.done $0x0  }
.Ltmp2:
0xe5: {  	s18 =	sadd.s32 $0x28C0, s17;
	[sflag:s9] =	ssyncadd.s32 $0xFFFFEC00;
	(pc) =	sbr.rel @p0 .LBB2_6-.Ltmp2, $4  }
0xe6: {  	[spmem:s3] =	stream.indirect.scatter.add.f32 [tilespmem:s31], [sflag:$0x9], $0x80, s18, s29, $0xb8;
	[tilespmem:$0x1F300] =	vst v63  }
0xe7: {  	_ =	swait.ge [sflag:s10], $0x1400  }
0xe8: {  	[sflag:s10] =	ssyncset.done $0x0  }
0xe9: {  	s17 =	sadd.s32 $0x28E8, s17;
	[sflag:s10] =	ssyncadd.s32 $0xFFFFEC00  }
0xea: {  	[spmem:s3] =	stream.indirect.scatter.add.f32 [tilespmem:s0], [sflag:$0xA], $0x80, s17, s29, $0xb8;
	[tilespmem:$0x1F300] =	vst v63  }
0xeb: {  	_ =	swait.ge [sflag:s11], $0x1400  }
0xec: {  	[sflag:s11] =	ssyncset.done $0x0  }
0xed: {  	[sflag:s11] =	ssyncadd.s32 $0xFFFFEC00  }
0xee: {  	_ =	swait.ge [sflag:s12], $0x1400  }
0xef: {  	[sflag:s12] =	ssyncset.done $0x0  }
0xf0: {  	[sflag:s12] =	ssyncadd.s32 $0xFFFFEC00  }
0xf1: {  	_ =	swait.ge [sflag:s13], $0x1400  }
0xf2: {  	[sflag:s13] =	ssyncset.done $0x0  }
0xf3: {  	[sflag:s13] =	ssyncadd.s32 $0xFFFFEC00  }
0xf4: {  	_ =	swait.ge [sflag:s14], $0x1400  }
0xf5: {  	[sflag:s14] =	ssyncset.done $0x0  }
0xf6: {  	[sflag:s14] =	ssyncadd.s32 $0xFFFFEC00  }
0xf7: {  	s16 =	stileid.u32;
	_ =	swait.ge [sflag:s15], $0x1400  }
0xf8: {  	s18 =	sshrl.u32 s5, $0x3;
	s4 =	sadd.s32 $0x1, s4;
	[sflag:s15] =	ssyncset.done $0x0  }
0xf9: {  	s16 =	sshll.u32 s16, $0x6;
	p0 =	sne.s32 s4, s24;
	[sflag:s15] =	ssyncadd.s32 $0xFFFFEC00  }
.Ltmp3:
0xfa: {  	s16 =	sor.u32 $0x1C0B, s16;
	[bflag:$0x0] =	sbarrier.arrive $0xFFFF;
	(pc) =	sbr.rel @p0 .LBB2_1-.Ltmp3, $4  }
0xfb: {  	[hbm:s23], [sflag:s16] =	dma.local [spmem:s18], $0x2800  }
0xfc: {  	_ =	swait.ge [sflag:s26], $0x2800  }
0xfd: {  	[sflag:s26] =	ssyncset.done $0x0  }
0xfe: {  	[sflag:s26] =	ssyncadd.s32 $0xFFFFD800  }
0xff: {  	_ =	sfence.sel $0x180000  }
0x100: {  	[bflag:$0x0] =	sbarrier.arrive $0xFFFF  }
0x101: {  	_ =	strace $0x9000004A  }
0x102: {  	s0 =	stileid.u32;
	[bflag:$0x2] =	sbarrier.arrive $0xFFFF  }
0x103: {  	p0 =	sne.s32 s0, $0x0;
	s0 =	rddreg [dreg:$0x3]  }
0x104: {  	s0 =	sadd.s32 @!p0 $0x100000, s0  }
0x105: {  	[sflag:s0] =	ssyncadd.tile.s32 @!p0 $0x1;
	_ =	shalt  }
.Lfunc_end2:
_tile_overlayer_lowered:
.L_overlay_start_2:
0x106: {  	(tag) =	ssettag $0x2  }
0x107: {  	s0 =	rddreg [dreg:$0x0];
	s2 =	stileid.u32  }
0x108: {  	s1 =	rddreg [dreg:$0x1];
	p0 =	sne.s32 s2, $0x0  }
0x109: {  	s3 =	rddreg [dreg:$0x2];
	[bflag:$0x3] =	sbarrier.arrive $0xFFFF;
	s2 =	simm.s32 @!p0 $0x1C0B  }
0x10a: {  	[timem:s3], [sflag:s2] =	dma.local @!p0 [hbm:s0], s1  }
0x10b: {  	s0 =	simm.s32 @!p0 $0xB  }
0x10c: {  	_ =	swait.ge @!p0 [sflag:s0], s1  }
0x10d: {  	s1 =	ssub.s32 @!p0 $0x0, s1;
	[sflag:s0] =	ssyncset.done @!p0 $0x0  }
0x10e: {  	[sflag:s0] =	ssyncadd.s32 @!p0 s1  }
0x10f: {  	[bflag:$0x3] =	sbarrier.arrive $0xFFFF  }
0x110: {  	_ =	shalt  }

</sc_bundles>
